<compile_context>
chip_gen: v7x
topology: tpu7x:2x2x1
jax: 0.10.2.dev20260603
libtpu: 0.0.44.dev20260713+nightly
codegen_flags: <defaults>
</compile_context>

<pallas_src>
import functools

import jax
import jax.numpy as jnp
from jax import lax
from jax.experimental import pallas as pl
from jax.experimental.pallas import tpu as pltpu
from jax.experimental.pallas import tpu_sc as plsc

_NC = 2
_NS = 16
_NW = _NC * _NS

_C = 80
_CS = 40

_BE = 2000
_BN = 1000


def _num_chunks(e_total):
    ew = e_total // _NW
    return ew // _C




def _sc_gather(table, idx3):
    n, h = table.shape
    nw, kch, c = idx3.shape
    e_total = nw * kch * c
    ew = kch * c
    mesh = plsc.VectorSubcoreMesh(core_axis_name="c", subcore_axis_name="s")

    @functools.partial(
        pl.kernel,
        out_type=jax.ShapeDtypeStruct((e_total, h), jnp.float32),
        mesh=mesh,
        scratch_types=[
            pltpu.VMEM((kch, c), jnp.int32),
            pltpu.VMEM((c, h), jnp.float32),
            pltpu.VMEM((c, h), jnp.float32),
            pltpu.VMEM_SHARED((n, h), jnp.float32),
            pltpu.SemaphoreType.DMA,
            pltpu.SemaphoreType.DMA,
        ],
    )
    def k(table_hbm, idx_hbm, out_hbm, idx_v, rows_a, rows_b, table_sh, gsem, ssem):
        cid = lax.axis_index("c")
        sid = lax.axis_index("s")
        wid = sid * _NC + cid
        base = wid * ew
        pltpu.sync_copy(idx_hbm.at[wid], idx_v)

        @pl.when(sid == 0)
        def _():
            pltpu.sync_copy(table_hbm, table_sh)

        plsc.subcore_barrier()

        def body(i, carry):
            cp_a = pltpu.async_copy(table_sh.at[idx_v.at[2 * i]], rows_a, gsem)
            cp_b = pltpu.async_copy(table_sh.at[idx_v.at[2 * i + 1]], rows_b, gsem)
            cp_a.wait()
            st_a = pltpu.async_copy(
                rows_a, out_hbm.at[pl.ds(base + 2 * i * c, c)], ssem
            )
            cp_b.wait()
            st_b = pltpu.async_copy(
                rows_b, out_hbm.at[pl.ds(base + (2 * i + 1) * c, c)], ssem
            )
            st_a.wait()
            st_b.wait()
            return carry

        lax.fori_loop(0, kch // 2, body, 0)
        if kch % 2:
            j = kch - 1
            pltpu.async_copy(table_sh.at[idx_v.at[j]], rows_a, gsem).wait()
            pltpu.async_copy(rows_a, out_hbm.at[pl.ds(base + j * c, c)], ssem).wait()

    return k(table, idx3)


def _sc_scatter(rows, idx3, zeros):
    e_total, h = rows.shape
    n = zeros.shape[0]
    nw, kch, c = idx3.shape
    ew = kch * c
    rows_per_dump = 1000
    n_dumpers = n // rows_per_dump
    mesh = plsc.VectorSubcoreMesh(core_axis_name="c", subcore_axis_name="s")

    @functools.partial(
        pl.kernel,
        out_type=jax.ShapeDtypeStruct((_NC, n, h), jnp.float32),
        mesh=mesh,
        scratch_types=[
            pltpu.VMEM((kch, c), jnp.int32),
            pltpu.VMEM((c, h), jnp.float32),
            pltpu.VMEM((c, h), jnp.float32),
            pltpu.VMEM_SHARED((n, h), jnp.float32),
            pltpu.SemaphoreType.DMA,
            pltpu.SemaphoreType.DMA,
        ],
    )
    def k(rows_hbm, idx_hbm, zeros_hbm, out_hbm, idx_v, rows_a, rows_b, acc_sh,
          lsem, asem):
        cid = lax.axis_index("c")
        sid = lax.axis_index("s")
        wid = sid * _NC + cid
        base = wid * ew
        pltpu.sync_copy(idx_hbm.at[wid], idx_v)

        @pl.when(sid == 0)
        def _():
            pltpu.sync_copy(zeros_hbm, acc_sh)

        plsc.subcore_barrier()

        def body(i, carry):
            cp_a = pltpu.async_copy(
                rows_hbm.at[pl.ds(base + 2 * i * c, c)], rows_a, lsem
            )
            cp_b = pltpu.async_copy(
                rows_hbm.at[pl.ds(base + (2 * i + 1) * c, c)], rows_b, lsem
            )
            cp_a.wait()
            sc_a = pltpu.async_copy(
                rows_a, acc_sh.at[idx_v.at[2 * i]], asem, add=True
            )
            cp_b.wait()
            sc_b = pltpu.async_copy(
                rows_b, acc_sh.at[idx_v.at[2 * i + 1]], asem, add=True
            )
            sc_a.wait()
            sc_b.wait()
            return carry

        lax.fori_loop(0, kch // 2, body, 0)
        if kch % 2:
            j = kch - 1
            pltpu.async_copy(rows_hbm.at[pl.ds(base + j * c, c)], rows_a, lsem).wait()
            pltpu.async_copy(rows_a, acc_sh.at[idx_v.at[j]], asem, add=True).wait()
        plsc.subcore_barrier()

        @pl.when(sid < n_dumpers)
        def _():
            pltpu.sync_copy(
                acc_sh.at[pl.ds(sid * rows_per_dump, rows_per_dump)],
                out_hbm.at[cid, pl.ds(sid * rows_per_dump, rows_per_dump)],
            )

    return k(rows, idx3, zeros)




def _mm_body(x_ref, w_ref, o_ref):
    o_ref[...] = jnp.dot(x_ref[...], w_ref[...], preferred_element_type=jnp.float32)


def _node_matmul(x, w):
    n, k = x.shape
    h = w.shape[1]
    return pl.pallas_call(
        _mm_body,
        out_shape=jax.ShapeDtypeStruct((n, h), jnp.float32),
        grid=(n // _BN,),
        in_specs=[
            pl.BlockSpec((_BN, k), lambda i: (i, 0)),
            pl.BlockSpec((k, h), lambda i: (0, 0)),
        ],
        out_specs=pl.BlockSpec((_BN, h), lambda i: (i, 0)),
    )(x, w)


def _k1_body(m0_ref, ea_ref, wie_ref, wh_ref, h0_ref, g0_ref):
    h0 = jnp.maximum(
        m0_ref[...]
        + jnp.dot(ea_ref[...], wie_ref[...], preferred_element_type=jnp.float32),
        0.0,
    )
    h0_ref[...] = h0
    g0_ref[...] = jnp.dot(h0, wh_ref[...], preferred_element_type=jnp.float32)


def _k1(m0, ea, wie, wh):
    e, h = m0.shape
    de = ea.shape[1]
    return pl.pallas_call(
        _k1_body,
        out_shape=(
            jax.ShapeDtypeStruct((e, h), jnp.float32),
            jax.ShapeDtypeStruct((e, h), jnp.float32),
        ),
        grid=(e // _BE,),
        in_specs=[
            pl.BlockSpec((_BE, h), lambda i: (i, 0)),
            pl.BlockSpec((_BE, de), lambda i: (i, 0)),
            pl.BlockSpec((de, h), lambda i: (0, 0)),
            pl.BlockSpec((h, h), lambda i: (0, 0)),
        ],
        out_specs=(
            pl.BlockSpec((_BE, h), lambda i: (i, 0)),
            pl.BlockSpec((_BE, h), lambda i: (i, 0)),
        ),
    )(m0, ea, wie, wh)


def _rev_swap(g):
    gm1 = pltpu.roll(g, g.shape[0] - 1, 0)
    gp1 = pltpu.roll(g, 1, 0)
    row = lax.broadcasted_iota(jnp.int32, g.shape, 0)
    return jnp.where((row & 1) == 0, gm1, gp1)


def _k2_body(h0_ref, m_ref, g_ref, wh_ref, o_ref):
    hn = jnp.maximum(h0_ref[...] + m_ref[...] - _rev_swap(g_ref[...]), 0.0)
    o_ref[...] = jnp.dot(hn, wh_ref[...], preferred_element_type=jnp.float32)


def _k2(h0, m, g, wh):
    e, h = h0.shape
    return pl.pallas_call(
        _k2_body,
        out_shape=jax.ShapeDtypeStruct((e, h), jnp.float32),
        grid=(e // _BE,),
        in_specs=[
            pl.BlockSpec((_BE, h), lambda i: (i, 0)),
            pl.BlockSpec((_BE, h), lambda i: (i, 0)),
            pl.BlockSpec((_BE, h), lambda i: (i, 0)),
            pl.BlockSpec((h, h), lambda i: (0, 0)),
        ],
        out_specs=pl.BlockSpec((_BE, h), lambda i: (i, 0)),
    )(h0, m, g, wh)


def _k3_body(h0_ref, m_ref, g_ref, o_ref):
    o_ref[...] = jnp.maximum(h0_ref[...] + m_ref[...] - _rev_swap(g_ref[...]), 0.0)


def _k3(h0, m, g):
    e, h = h0.shape
    return pl.pallas_call(
        _k3_body,
        out_shape=jax.ShapeDtypeStruct((e, h), jnp.float32),
        grid=(e // _BE,),
        in_specs=[
            pl.BlockSpec((_BE, h), lambda i: (i, 0)),
            pl.BlockSpec((_BE, h), lambda i: (i, 0)),
            pl.BlockSpec((_BE, h), lambda i: (i, 0)),
        ],
        out_specs=pl.BlockSpec((_BE, h), lambda i: (i, 0)),
    )(h0, m, g)


def _add_body(p_ref, a_ref, o_ref):
    o_ref[...] = p_ref[0] + a_ref[0]


def _sum_parts(p):
    nc, n, h = p.shape
    return pl.pallas_call(
        _add_body,
        out_shape=jax.ShapeDtypeStruct((n, h), jnp.float32),
        grid=(n // _BN,),
        in_specs=[
            pl.BlockSpec((1, _BN, h), lambda i: (0, i, 0)),
            pl.BlockSpec((1, _BN, h), lambda i: (1, i, 0)),
        ],
        out_specs=pl.BlockSpec((_BN, h), lambda i: (i, 0)),
    )(p, p)


def _final_body(x_ref, p_ref, a_ref, wx_ref, wm_ref, o_ref):
    mv = p_ref[0] + a_ref[0]
    o_ref[...] = jnp.maximum(
        jnp.dot(x_ref[...], wx_ref[...], preferred_element_type=jnp.float32)
        + jnp.dot(mv, wm_ref[...], preferred_element_type=jnp.float32),
        0.0,
    )


def _final(x, p, wx, wm):
    n, dn = x.shape
    h = wx.shape[1]
    return pl.pallas_call(
        _final_body,
        out_shape=jax.ShapeDtypeStruct((n, h), jnp.float32),
        grid=(n // _BN,),
        in_specs=[
            pl.BlockSpec((_BN, dn), lambda i: (i, 0)),
            pl.BlockSpec((1, _BN, h), lambda i: (0, i, 0)),
            pl.BlockSpec((1, _BN, h), lambda i: (1, i, 0)),
            pl.BlockSpec((dn, h), lambda i: (0, 0)),
            pl.BlockSpec((h, h), lambda i: (0, 0)),
        ],
        out_specs=pl.BlockSpec((_BN, h), lambda i: (i, 0)),
    )(x, p, p, wx, wm)




def kernel(x, edge_index, edge_attr, Wi, Wh, Wo):
    n, dn = x.shape
    e_total = edge_index.shape[1]

    src3 = edge_index[0].astype(jnp.int32).reshape(_NW, e_total // (_NW * _C), _C)
    dst3 = edge_index[1].astype(jnp.int32).reshape(_NW, e_total // (_NW * _CS), _CS)
    wi_x, wi_e = Wi[:dn], Wi[dn:]
    wo_x, wo_m = Wo[:dn], Wo[dn:]
    zeros = jnp.zeros((n, Wh.shape[0]), jnp.float32)

    xw = _node_matmul(x, wi_x)
    m0 = _sc_gather(xw, src3)
    h0, g0 = _k1(m0, edge_attr, wi_e, Wh)
    p0 = _sc_scatter(g0, dst3, zeros)
    s0 = _sum_parts(p0)
    m1 = _sc_gather(s0, src3)
    g1 = _k2(h0, m1, g0, Wh)
    p1 = _sc_scatter(g1, dst3, zeros)
    s1 = _sum_parts(p1)
    m2 = _sc_gather(s1, src3)
    h2 = _k3(h0, m2, g1)
    pm = _sc_scatter(h2, dst3, zeros)
    return _final(x, pm, wo_x, wo_m)

# --- scband reference (transcript-rebuilt; emitter-appended) ---
"""Pipeline reference for scband-dmpnnencoder-71210557767736 (READ-ONLY COPY).

The authoritative reference and input builder live on the scoring server;
editing this copy changes nothing except your own understanding.
"""

import jax, jax.numpy as jnp
import numpy as np

N = 10000
E = 320000
D_NODE = 128
D_EDGE = 16
HIDDEN = 128
DEPTH = 3


def setup_inputs(seed: int = 0) -> dict:
    key = jax.random.key(seed)
    ks = jax.random.split(key, 7)
    x = jax.random.normal(ks[0], (N, D_NODE), dtype=jnp.float32)
    # DMPNN operates on directed edges with a reverse-edge mapping.
    # Build E/2 random undirected edges, interleave both directions so that
    # the reverse of directed edge e is e ^ 1.
    src_half = jax.random.randint(ks[1], (E // 2,), 0, N)
    dst_half = jax.random.randint(ks[2], (E // 2,), 0, N)
    srcs = jnp.stack([src_half, dst_half], axis=1).reshape(-1)
    dsts = jnp.stack([dst_half, src_half], axis=1).reshape(-1)
    edge_index = jnp.stack([srcs, dsts], axis=0)
    # shared edge features for the two directions of each bond
    ea_half = jax.random.normal(ks[3], (E // 2, D_EDGE), dtype=jnp.float32)
    edge_attr = jnp.repeat(ea_half, 2, axis=0)
    Wi = jax.random.normal(ks[4], (D_NODE + D_EDGE, HIDDEN), dtype=jnp.float32) * 0.05
    Wh = jax.random.normal(ks[5], (HIDDEN, HIDDEN), dtype=jnp.float32) * 0.05
    Wo = jax.random.normal(ks[6], (D_NODE + HIDDEN, HIDDEN), dtype=jnp.float32) * 0.05
    return {"x": x, "edge_index": edge_index, "edge_attr": edge_attr, "Wi": Wi, "Wh": Wh, "Wo": Wo}


def reference(x, edge_index, edge_attr, Wi, Wh, Wo):
    # Directed MPNN encoder (ChemProp-style DMPNN).
    src = edge_index[0]
    dst = edge_index[1]
    n_edges = src.shape[0]
    rev = jnp.arange(n_edges) ^ 1  # reverse directed edge
    num_nodes = x.shape[0]
    # initial edge hidden states: h0_{u->v} = relu(W_i [x_u ; e_uv])
    h0 = jax.nn.relu(jnp.concatenate([jnp.take(x, src, axis=0), edge_attr], axis=1) @ Wi)
    h = h0
    for _ in range(DEPTH - 1):
        # aggregate incoming edge messages at each node
        a = jax.ops.segment_sum(h, dst, num_segments=num_nodes)
        # message for edge u->v excludes the reverse edge v->u
        m = jnp.take(a, src, axis=0) - jnp.take(h, rev, axis=0)
        h = jax.nn.relu(h0 + m @ Wh)
    # node readout: aggregate incoming edge states, combine with node features
    mv = jax.ops.segment_sum(h, dst, num_segments=num_nodes)
    out = jax.nn.relu(jnp.concatenate([x, mv], axis=1) @ Wo)
    return out

if __name__ == "__main__":
    import jax
    _d = setup_inputs()
    print(jax.jit(kernel)(*tuple(_d.values())))

</pallas_src>

<mosaic_0001>
#map = affine_map<(d0, d1) -> (0, 0)>
#map1 = affine_map<(d0, d1) -> (0, 0, 0)>
module attributes {stable_mosaic.version = 14 : i64} {
  func.func @k(%arg0: i32, %arg1: i32, %arg2: memref<320000x128xf32, #tpu.memory_space<hbm>>, %arg3: memref<32x250x40xi32, #tpu.memory_space<hbm>>, %arg4: memref<10000x128xf32, #tpu.memory_space<hbm>>, %arg5: memref<2x10000x128xf32, #tpu.memory_space<hbm>>, %arg6: memref<250x40xi32, #tpu.memory_space<vmem>>, %arg7: memref<40x128xf32, #tpu.memory_space<vmem>>, %arg8: memref<40x128xf32, #tpu.memory_space<vmem>>, %arg9: memref<10000x128xf32, #tpu.memory_space<vmem_shared>>, %arg10: memref<!tpu.dma_semaphore, #tpu.memory_space<semaphore_mem>>, %arg11: memref<!tpu.dma_semaphore, #tpu.memory_space<semaphore_mem>>) attributes {dimension_semantics = [#tpu.dimension_semantics<core_parallel>, #tpu.dimension_semantics<subcore_parallel>], iteration_bounds = array<i64: 2, 16>, scalar_prefetch = 0 : i64, scratch_operands = 6 : i64, tpu.core_type = #tpu.core_type<sc_vector_subcore>, window_params = [{transform_indices = #map}, {transform_indices = #map1}, {transform_indices = #map}, {transform_indices = #map1}]} {
    %mul3A = arith.constant 2 : i32
    %mul3A_0 = arith.muli %arg1, %mul3A : i32
    %add3A = arith.addi %mul3A_0, %arg0 : i32
    %mul3A_1 = arith.constant 10000 : i32
    %mul3A_2 = arith.muli %add3A, %mul3A_1 : i32
    "tpu.region"() ({
      %run_scoped3A = tpu.sem_alloc : memref<!tpu.dma_semaphore, #tpu.memory_space<semaphore_mem>>
      %dma_start3A = arith.constant 0 : i32
      %dma_start3A_15 = arith.constant 0 : i32
      %dma_start3A_16 = tpu.memref_slice %arg3[%add3A, %dma_start3A, %dma_start3A_15] : memref<32x250x40xi32, #tpu.memory_space<hbm>> -> memref<1x250x40xi32, #tpu.memory_space<hbm>>
      %dma_start3A_17 = tpu.memref_squeeze %dma_start3A_16 : memref<1x250x40xi32, #tpu.memory_space<hbm>> -> memref<250x40xi32, #tpu.memory_space<hbm>>
      %dma_start3A_18 = arith.constant 0 : i32
      %dma_start3A_19 = arith.constant 0 : i32
      %dma_start3A_20 = tpu.memref_slice %arg3[%add3A, %dma_start3A_18, %dma_start3A_19] : memref<32x250x40xi32, #tpu.memory_space<hbm>> -> memref<1x250x40xi32, #tpu.memory_space<hbm>>
      %dma_start3A_21 = tpu.memref_squeeze %dma_start3A_20 : memref<1x250x40xi32, #tpu.memory_space<hbm>> -> memref<250x40xi32, #tpu.memory_space<hbm>>
      tpu.enqueue_dma source(%dma_start3A_21 : memref<250x40xi32, #tpu.memory_space<hbm>>) target(%arg6 : memref<250x40xi32, #tpu.memory_space<vmem>>) target_semaphore(%run_scoped3A : memref<!tpu.dma_semaphore, #tpu.memory_space<semaphore_mem>>)
      %dma_wait3A = arith.constant 0 : i32
      %dma_wait3A_22 = arith.constant 0 : i32
      %dma_wait3A_23 = tpu.memref_slice %arg3[%add3A, %dma_wait3A, %dma_wait3A_22] : memref<32x250x40xi32, #tpu.memory_space<hbm>> -> memref<1x250x40xi32, #tpu.memory_space<hbm>>
      %dma_wait3A_24 = tpu.memref_squeeze %dma_wait3A_23 : memref<1x250x40xi32, #tpu.memory_space<hbm>> -> memref<250x40xi32, #tpu.memory_space<hbm>>
      %dma_wait3A_25 = arith.constant 0 : i32
      %dma_wait3A_26 = arith.constant 0 : i32
      %dma_wait3A_27 = tpu.memref_slice %arg3[%add3A, %dma_wait3A_25, %dma_wait3A_26] : memref<32x250x40xi32, #tpu.memory_space<hbm>> -> memref<1x250x40xi32, #tpu.memory_space<hbm>>
      %dma_wait3A_28 = tpu.memref_squeeze %dma_wait3A_27 : memref<1x250x40xi32, #tpu.memory_space<hbm>> -> memref<250x40xi32, #tpu.memory_space<hbm>>
      tpu.wait_dma2 semaphore(%run_scoped3A : memref<!tpu.dma_semaphore, #tpu.memory_space<semaphore_mem>>) src(%dma_wait3A_28 : memref<250x40xi32, #tpu.memory_space<hbm>>) dst(%arg6 : memref<250x40xi32, #tpu.memory_space<vmem>>)
      tpu.yield
    }) : () -> ()
    %eq3A = arith.constant 0 : i32
    %eq3A_3 = arith.cmpi eq, %arg1, %eq3A : i32
    %convert_element_type3A = arith.extui %eq3A_3 : i1 to i32
    %cond3A = arith.constant 0 : i32
    %cond3A_4 = arith.cmpi ne, %convert_element_type3A, %cond3A : i32
    scf.if %cond3A_4 {
      "tpu.region"() ({
        %run_scoped3A = tpu.sem_alloc : memref<!tpu.dma_semaphore, #tpu.memory_space<semaphore_mem>>
        tpu.enqueue_dma source(%arg4 : memref<10000x128xf32, #tpu.memory_space<hbm>>) target(%arg9 : memref<10000x128xf32, #tpu.memory_space<vmem_shared>>) target_semaphore(%run_scoped3A : memref<!tpu.dma_semaphore, #tpu.memory_space<semaphore_mem>>)
        tpu.wait_dma2 semaphore(%run_scoped3A : memref<!tpu.dma_semaphore, #tpu.memory_space<semaphore_mem>>) src(%arg4 : memref<10000x128xf32, #tpu.memory_space<hbm>>) dst(%arg9 : memref<10000x128xf32, #tpu.memory_space<vmem_shared>>)
        tpu.yield
      }) : () -> ()
    } else {
    }
    %barrier3A = arith.constant 0 : index
    tpu.barrier barrier_id(%barrier3A)
    %scan3A = arith.constant 0 : i32
    %scan3A_5 = arith.constant 0 : i32
    %scan3A_6 = arith.constant 125 : i32
    %scan3A_7 = arith.addi %scan3A_5, %scan3A_6 : i32
    %scan3A_8 = arith.constant 1 : i32
    scf.for %scan3A_15 = %scan3A_5 to %scan3A_7 step %scan3A_8  : i32 {
      %mul3A_16 = arith.constant 2 : i32
      %mul3A_17 = arith.muli %mul3A_16, %scan3A_15 : i32
      %mul3A_18 = arith.constant 40 : i32
      %mul3A_19 = arith.muli %mul3A_17, %mul3A_18 : i32
      %add3A_20 = arith.addi %mul3A_2, %mul3A_19 : i32
      %dma_start3A = arith.constant 0 : i32
      %dma_start3A_21 = tpu.memref_slice %arg2[%add3A_20, %dma_start3A] : memref<320000x128xf32, #tpu.memory_space<hbm>> -> memref<40x128xf32, #tpu.memory_space<hbm>>
      %dma_start3A_22 = arith.constant 0 : i32
      %dma_start3A_23 = tpu.memref_slice %arg2[%add3A_20, %dma_start3A_22] : memref<320000x128xf32, #tpu.memory_space<hbm>> -> memref<40x128xf32, #tpu.memory_space<hbm>>
      tpu.enqueue_dma source(%dma_start3A_23 : memref<40x128xf32, #tpu.memory_space<hbm>>) target(%arg7 : memref<40x128xf32, #tpu.memory_space<vmem>>) target_semaphore(%arg10 : memref<!tpu.dma_semaphore, #tpu.memory_space<semaphore_mem>>)
      %mul3A_24 = arith.constant 2 : i32
      %mul3A_25 = arith.muli %mul3A_24, %scan3A_15 : i32
      %add3A_26 = arith.constant 1 : i32
      %add3A_27 = arith.addi %mul3A_25, %add3A_26 : i32
      %mul3A_28 = arith.constant 40 : i32
      %mul3A_29 = arith.muli %add3A_27, %mul3A_28 : i32
      %add3A_30 = arith.addi %mul3A_2, %mul3A_29 : i32
      %dma_start3A_31 = arith.constant 0 : i32
      %dma_start3A_32 = tpu.memref_slice %arg2[%add3A_30, %dma_start3A_31] : memref<320000x128xf32, #tpu.memory_space<hbm>> -> memref<40x128xf32, #tpu.memory_space<hbm>>
      %dma_start3A_33 = arith.constant 0 : i32
      %dma_start3A_34 = tpu.memref_slice %arg2[%add3A_30, %dma_start3A_33] : memref<320000x128xf32, #tpu.memory_space<hbm>> -> memref<40x128xf32, #tpu.memory_space<hbm>>
      tpu.enqueue_dma source(%dma_start3A_34 : memref<40x128xf32, #tpu.memory_space<hbm>>) target(%arg8 : memref<40x128xf32, #tpu.memory_space<vmem>>) target_semaphore(%arg10 : memref<!tpu.dma_semaphore, #tpu.memory_space<semaphore_mem>>)
      %dma_wait3A = arith.constant 0 : i32
      %dma_wait3A_35 = tpu.memref_slice %arg2[%add3A_20, %dma_wait3A] : memref<320000x128xf32, #tpu.memory_space<hbm>> -> memref<40x128xf32, #tpu.memory_space<hbm>>
      %dma_wait3A_36 = arith.constant 0 : i32
      %dma_wait3A_37 = tpu.memref_slice %arg2[%add3A_20, %dma_wait3A_36] : memref<320000x128xf32, #tpu.memory_space<hbm>> -> memref<40x128xf32, #tpu.memory_space<hbm>>
      tpu.wait_dma2 semaphore(%arg10 : memref<!tpu.dma_semaphore, #tpu.memory_space<semaphore_mem>>) src(%dma_wait3A_37 : memref<40x128xf32, #tpu.memory_space<hbm>>) dst(%arg7 : memref<40x128xf32, #tpu.memory_space<vmem>>)
      %mul3A_38 = arith.constant 2 : i32
      %mul3A_39 = arith.muli %mul3A_38, %scan3A_15 : i32
      %dma_start3A_40 = arith.constant 0 : i32
      %dma_start3A_41 = tpu.memref_slice %arg6[%mul3A_39, %dma_start3A_40] : memref<250x40xi32, #tpu.memory_space<vmem>> -> memref<1x40xi32, #tpu.memory_space<vmem>>
      %dma_start3A_42 = tpu.memref_squeeze %dma_start3A_41 : memref<1x40xi32, #tpu.memory_space<vmem>> -> memref<40xi32, #tpu.memory_space<vmem>>
      %dma_start3A_43 = arith.constant 0 : i32
      %dma_start3A_44 = arith.constant 0 : i32
      %dma_start3A_45 = tpu.memref_slice %arg9[%dma_start3A_43, %dma_start3A_44] : memref<10000x128xf32, #tpu.memory_space<vmem_shared>> -> memref<10000x128xf32, #tpu.memory_space<vmem_shared>>
      tpu.enqueue_indirect_dma source(%arg7 : memref<40x128xf32, #tpu.memory_space<vmem>>) target(%dma_start3A_45 : memref<10000x128xf32, #tpu.memory_space<vmem_shared>>) offsets(%dma_start3A_42 : memref<40xi32, #tpu.memory_space<vmem>>) semaphore(%arg11 : memref<!tpu.dma_semaphore, #tpu.memory_space<semaphore_mem>>) {add = true}
      %dma_wait3A_46 = arith.constant 0 : i32
      %dma_wait3A_47 = tpu.memref_slice %arg2[%add3A_30, %dma_wait3A_46] : memref<320000x128xf32, #tpu.memory_space<hbm>> -> memref<40x128xf32, #tpu.memory_space<hbm>>
      %dma_wait3A_48 = arith.constant 0 : i32
      %dma_wait3A_49 = tpu.memref_slice %arg2[%add3A_30, %dma_wait3A_48] : memref<320000x128xf32, #tpu.memory_space<hbm>> -> memref<40x128xf32, #tpu.memory_space<hbm>>
      tpu.wait_dma2 semaphore(%arg10 : memref<!tpu.dma_semaphore, #tpu.memory_space<semaphore_mem>>) src(%dma_wait3A_49 : memref<40x128xf32, #tpu.memory_space<hbm>>) dst(%arg8 : memref<40x128xf32, #tpu.memory_space<vmem>>)
      %mul3A_50 = arith.constant 2 : i32
      %mul3A_51 = arith.muli %mul3A_50, %scan3A_15 : i32
      %add3A_52 = arith.constant 1 : i32
      %add3A_53 = arith.addi %mul3A_51, %add3A_52 : i32
      %dma_start3A_54 = arith.constant 0 : i32
      %dma_start3A_55 = tpu.memref_slice %arg6[%add3A_53, %dma_start3A_54] : memref<250x40xi32, #tpu.memory_space<vmem>> -> memref<1x40xi32, #tpu.memory_space<vmem>>
      %dma_start3A_56 = tpu.memref_squeeze %dma_start3A_55 : memref<1x40xi32, #tpu.memory_space<vmem>> -> memref<40xi32, #tpu.memory_space<vmem>>
      %dma_start3A_57 = arith.constant 0 : i32
      %dma_start3A_58 = arith.constant 0 : i32
      %dma_start3A_59 = tpu.memref_slice %arg9[%dma_start3A_57, %dma_start3A_58] : memref<10000x128xf32, #tpu.memory_space<vmem_shared>> -> memref<10000x128xf32, #tpu.memory_space<vmem_shared>>
      tpu.enqueue_indirect_dma source(%arg8 : memref<40x128xf32, #tpu.memory_space<vmem>>) target(%dma_start3A_59 : memref<10000x128xf32, #tpu.memory_space<vmem_shared>>) offsets(%dma_start3A_56 : memref<40xi32, #tpu.memory_space<vmem>>) semaphore(%arg11 : memref<!tpu.dma_semaphore, #tpu.memory_space<semaphore_mem>>) {add = true}
      %dma_wait3A_60 = arith.constant 0 : i32
      %dma_wait3A_61 = tpu.memref_slice %arg6[%mul3A_39, %dma_wait3A_60] : memref<250x40xi32, #tpu.memory_space<vmem>> -> memref<1x40xi32, #tpu.memory_space<vmem>>
      %dma_wait3A_62 = tpu.memref_squeeze %dma_wait3A_61 : memref<1x40xi32, #tpu.memory_space<vmem>> -> memref<40xi32, #tpu.memory_space<vmem>>
      %dma_wait3A_63 = arith.constant 0 : i32
      %dma_wait3A_64 = arith.constant 0 : i32
      %dma_wait3A_65 = tpu.memref_slice %arg9[%dma_wait3A_63, %dma_wait3A_64] : memref<10000x128xf32, #tpu.memory_space<vmem_shared>> -> memref<10000x128xf32, #tpu.memory_space<vmem_shared>>
      tpu.wait_indirect_dma semaphore(%arg11 : memref<!tpu.dma_semaphore, #tpu.memory_space<semaphore_mem>>) src(%arg7 : memref<40x128xf32, #tpu.memory_space<vmem>>) dst(%dma_wait3A_65 : memref<10000x128xf32, #tpu.memory_space<vmem_shared>>)
      %dma_wait3A_66 = arith.constant 0 : i32
      %dma_wait3A_67 = tpu.memref_slice %arg6[%add3A_53, %dma_wait3A_66] : memref<250x40xi32, #tpu.memory_space<vmem>> -> memref<1x40xi32, #tpu.memory_space<vmem>>
      %dma_wait3A_68 = tpu.memref_squeeze %dma_wait3A_67 : memref<1x40xi32, #tpu.memory_space<vmem>> -> memref<40xi32, #tpu.memory_space<vmem>>
      %dma_wait3A_69 = arith.constant 0 : i32
      %dma_wait3A_70 = arith.constant 0 : i32
      %dma_wait3A_71 = tpu.memref_slice %arg9[%dma_wait3A_69, %dma_wait3A_70] : memref<10000x128xf32, #tpu.memory_space<vmem_shared>> -> memref<10000x128xf32, #tpu.memory_space<vmem_shared>>
      tpu.wait_indirect_dma semaphore(%arg11 : memref<!tpu.dma_semaphore, #tpu.memory_space<semaphore_mem>>) src(%arg8 : memref<40x128xf32, #tpu.memory_space<vmem>>) dst(%dma_wait3A_71 : memref<10000x128xf32, #tpu.memory_space<vmem_shared>>)
    }
    %scan3A_9 = arith.constant 125 : i32
    %barrier3A_10 = arith.constant 0 : index
    tpu.barrier barrier_id(%barrier3A_10)
    %lt3A = arith.constant 10 : i32
    %lt3A_11 = arith.cmpi slt, %arg1, %lt3A : i32
    %convert_element_type3A_12 = arith.extui %lt3A_11 : i1 to i32
    %cond3A_13 = arith.constant 0 : i32
    %cond3A_14 = arith.cmpi ne, %convert_element_type3A_12, %cond3A_13 : i32
    scf.if %cond3A_14 {
      %mul3A_15 = arith.constant 1000 : i32
      %mul3A_16 = arith.muli %arg1, %mul3A_15 : i32
      %mul3A_17 = arith.constant 1000 : i32
      %mul3A_18 = arith.muli %arg1, %mul3A_17 : i32
      "tpu.region"() ({
        %run_scoped3A = tpu.sem_alloc : memref<!tpu.dma_semaphore, #tpu.memory_space<semaphore_mem>>
        %dma_start3A = arith.constant 0 : i32
        %dma_start3A_19 = tpu.memref_slice %arg5[%arg0, %mul3A_18, %dma_start3A] : memref<2x10000x128xf32, #tpu.memory_space<hbm>> -> memref<1x1000x128xf32, #tpu.memory_space<hbm>>
        %dma_start3A_20 = tpu.memref_squeeze %dma_start3A_19 : memref<1x1000x128xf32, #tpu.memory_space<hbm>> -> memref<1000x128xf32, #tpu.memory_space<hbm>>
        %dma_start3A_21 = arith.constant 0 : i32
        %dma_start3A_22 = tpu.memref_slice %arg9[%mul3A_16, %dma_start3A_21] : memref<10000x128xf32, #tpu.memory_space<vmem_shared>> -> memref<1000x128xf32, #tpu.memory_space<vmem_shared>>
        tpu.enqueue_dma source(%dma_start3A_22 : memref<1000x128xf32, #tpu.memory_space<vmem_shared>>) target(%dma_start3A_20 : memref<1000x128xf32, #tpu.memory_space<hbm>>) target_semaphore(%run_scoped3A : memref<!tpu.dma_semaphore, #tpu.memory_space<semaphore_mem>>)
        %dma_wait3A = arith.constant 0 : i32
        %dma_wait3A_23 = tpu.memref_slice %arg5[%arg0, %mul3A_18, %dma_wait3A] : memref<2x10000x128xf32, #tpu.memory_space<hbm>> -> memref<1x1000x128xf32, #tpu.memory_space<hbm>>
        %dma_wait3A_24 = tpu.memref_squeeze %dma_wait3A_23 : memref<1x1000x128xf32, #tpu.memory_space<hbm>> -> memref<1000x128xf32, #tpu.memory_space<hbm>>
        %dma_wait3A_25 = arith.constant 0 : i32
        %dma_wait3A_26 = tpu.memref_slice %arg9[%mul3A_16, %dma_wait3A_25] : memref<10000x128xf32, #tpu.memory_space<vmem_shared>> -> memref<1000x128xf32, #tpu.memory_space<vmem_shared>>
        tpu.wait_dma2 semaphore(%run_scoped3A : memref<!tpu.dma_semaphore, #tpu.memory_space<semaphore_mem>>) src(%dma_wait3A_26 : memref<1000x128xf32, #tpu.memory_space<vmem_shared>>) dst(%dma_wait3A_24 : memref<1000x128xf32, #tpu.memory_space<hbm>>)
        tpu.yield
      }) : () -> ()
    } else {
    }
    return
  }
}

#map = affine_map<(d0, d1) -> (0, 0)>
#map1 = affine_map<(d0, d1) -> (0, 0, 0)>
module attributes {stable_mosaic.version = 14 : i64} {
  func.func @k(%arg0: i32, %arg1: i32, %arg2: memref<10000x128xf32, #tpu.memory_space<hbm>>, %arg3: memref<32x125x80xi32, #tpu.memory_space<hbm>>, %arg4: memref<320000x128xf32, #tpu.memory_space<hbm>>, %arg5: memref<125x80xi32, #tpu.memory_space<vmem>>, %arg6: memref<80x128xf32, #tpu.memory_space<vmem>>, %arg7: memref<80x128xf32, #tpu.memory_space<vmem>>, %arg8: memref<10000x128xf32, #tpu.memory_space<vmem_shared>>, %arg9: memref<!tpu.dma_semaphore, #tpu.memory_space<semaphore_mem>>, %arg10: memref<!tpu.dma_semaphore, #tpu.memory_space<semaphore_mem>>) attributes {dimension_semantics = [#tpu.dimension_semantics<core_parallel>, #tpu.dimension_semantics<subcore_parallel>], iteration_bounds = array<i64: 2, 16>, scalar_prefetch = 0 : i64, scratch_operands = 6 : i64, tpu.core_type = #tpu.core_type<sc_vector_subcore>, window_params = [{transform_indices = #map}, {transform_indices = #map1}, {transform_indices = #map}]} {
    %mul3A = arith.constant 2 : i32
    %mul3A_0 = arith.muli %arg1, %mul3A : i32
    %add3A = arith.addi %mul3A_0, %arg0 : i32
    %mul3A_1 = arith.constant 10000 : i32
    %mul3A_2 = arith.muli %add3A, %mul3A_1 : i32
    "tpu.region"() ({
      %run_scoped3A = tpu.sem_alloc : memref<!tpu.dma_semaphore, #tpu.memory_space<semaphore_mem>>
      %dma_start3A_32 = arith.constant 0 : i32
      %dma_start3A_33 = arith.constant 0 : i32
      %dma_start3A_34 = tpu.memref_slice %arg3[%add3A, %dma_start3A_32, %dma_start3A_33] : memref<32x125x80xi32, #tpu.memory_space<hbm>> -> memref<1x125x80xi32, #tpu.memory_space<hbm>>
      %dma_start3A_35 = tpu.memref_squeeze %dma_start3A_34 : memref<1x125x80xi32, #tpu.memory_space<hbm>> -> memref<125x80xi32, #tpu.memory_space<hbm>>
      %dma_start3A_36 = arith.constant 0 : i32
      %dma_start3A_37 = arith.constant 0 : i32
      %dma_start3A_38 = tpu.memref_slice %arg3[%add3A, %dma_start3A_36, %dma_start3A_37] : memref<32x125x80xi32, #tpu.memory_space<hbm>> -> memref<1x125x80xi32, #tpu.memory_space<hbm>>
      %dma_start3A_39 = tpu.memref_squeeze %dma_start3A_38 : memref<1x125x80xi32, #tpu.memory_space<hbm>> -> memref<125x80xi32, #tpu.memory_space<hbm>>
      tpu.enqueue_dma source(%dma_start3A_39 : memref<125x80xi32, #tpu.memory_space<hbm>>) target(%arg5 : memref<125x80xi32, #tpu.memory_space<vmem>>) target_semaphore(%run_scoped3A : memref<!tpu.dma_semaphore, #tpu.memory_space<semaphore_mem>>)
      %dma_wait3A_40 = arith.constant 0 : i32
      %dma_wait3A_41 = arith.constant 0 : i32
      %dma_wait3A_42 = tpu.memref_slice %arg3[%add3A, %dma_wait3A_40, %dma_wait3A_41] : memref<32x125x80xi32, #tpu.memory_space<hbm>> -> memref<1x125x80xi32, #tpu.memory_space<hbm>>
      %dma_wait3A_43 = tpu.memref_squeeze %dma_wait3A_42 : memref<1x125x80xi32, #tpu.memory_space<hbm>> -> memref<125x80xi32, #tpu.memory_space<hbm>>
      %dma_wait3A_44 = arith.constant 0 : i32
      %dma_wait3A_45 = arith.constant 0 : i32
      %dma_wait3A_46 = tpu.memref_slice %arg3[%add3A, %dma_wait3A_44, %dma_wait3A_45] : memref<32x125x80xi32, #tpu.memory_space<hbm>> -> memref<1x125x80xi32, #tpu.memory_space<hbm>>
      %dma_wait3A_47 = tpu.memref_squeeze %dma_wait3A_46 : memref<1x125x80xi32, #tpu.memory_space<hbm>> -> memref<125x80xi32, #tpu.memory_space<hbm>>
      tpu.wait_dma2 semaphore(%run_scoped3A : memref<!tpu.dma_semaphore, #tpu.memory_space<semaphore_mem>>) src(%dma_wait3A_47 : memref<125x80xi32, #tpu.memory_space<hbm>>) dst(%arg5 : memref<125x80xi32, #tpu.memory_space<vmem>>)
      tpu.yield
    }) : () -> ()
    %eq3A = arith.constant 0 : i32
    %eq3A_3 = arith.cmpi eq, %arg1, %eq3A : i32
    %convert_element_type3A = arith.extui %eq3A_3 : i1 to i32
    %cond3A = arith.constant 0 : i32
    %cond3A_4 = arith.cmpi ne, %convert_element_type3A, %cond3A : i32
    scf.if %cond3A_4 {
      "tpu.region"() ({
        %run_scoped3A = tpu.sem_alloc : memref<!tpu.dma_semaphore, #tpu.memory_space<semaphore_mem>>
        tpu.enqueue_dma source(%arg2 : memref<10000x128xf32, #tpu.memory_space<hbm>>) target(%arg8 : memref<10000x128xf32, #tpu.memory_space<vmem_shared>>) target_semaphore(%run_scoped3A : memref<!tpu.dma_semaphore, #tpu.memory_space<semaphore_mem>>)
        tpu.wait_dma2 semaphore(%run_scoped3A : memref<!tpu.dma_semaphore, #tpu.memory_space<semaphore_mem>>) src(%arg2 : memref<10000x128xf32, #tpu.memory_space<hbm>>) dst(%arg8 : memref<10000x128xf32, #tpu.memory_space<vmem_shared>>)
        tpu.yield
      }) : () -> ()
    } else {
    }
    %barrier3A = arith.constant 0 : index
    tpu.barrier barrier_id(%barrier3A)
    %scan3A = arith.constant 0 : i32
    %scan3A_5 = arith.constant 0 : i32
    %scan3A_6 = arith.constant 62 : i32
    %scan3A_7 = arith.addi %scan3A_5, %scan3A_6 : i32
    %scan3A_8 = arith.constant 1 : i32
    scf.for %scan3A_32 = %scan3A_5 to %scan3A_7 step %scan3A_8  : i32 {
      %mul3A_33 = arith.constant 2 : i32
      %mul3A_34 = arith.muli %mul3A_33, %scan3A_32 : i32
      %dma_start3A_35 = arith.constant 0 : i32
      %dma_start3A_36 = tpu.memref_slice %arg5[%mul3A_34, %dma_start3A_35] : memref<125x80xi32, #tpu.memory_space<vmem>> -> memref<1x80xi32, #tpu.memory_space<vmem>>
      %dma_start3A_37 = tpu.memref_squeeze %dma_start3A_36 : memref<1x80xi32, #tpu.memory_space<vmem>> -> memref<80xi32, #tpu.memory_space<vmem>>
      %dma_start3A_38 = arith.constant 0 : i32
      %dma_start3A_39 = arith.constant 0 : i32
      %dma_start3A_40 = tpu.memref_slice %arg8[%dma_start3A_38, %dma_start3A_39] : memref<10000x128xf32, #tpu.memory_space<vmem_shared>> -> memref<10000x128xf32, #tpu.memory_space<vmem_shared>>
      tpu.enqueue_indirect_dma source(%dma_start3A_40 : memref<10000x128xf32, #tpu.memory_space<vmem_shared>>) target(%arg6 : memref<80x128xf32, #tpu.memory_space<vmem>>) offsets(%dma_start3A_37 : memref<80xi32, #tpu.memory_space<vmem>>) semaphore(%arg9 : memref<!tpu.dma_semaphore, #tpu.memory_space<semaphore_mem>>)
      %mul3A_41 = arith.constant 2 : i32
      %mul3A_42 = arith.muli %mul3A_41, %scan3A_32 : i32
      %add3A_43 = arith.constant 1 : i32
      %add3A_44 = arith.addi %mul3A_42, %add3A_43 : i32
      %dma_start3A_45 = arith.constant 0 : i32
      %dma_start3A_46 = tpu.memref_slice %arg5[%add3A_44, %dma_start3A_45] : memref<125x80xi32, #tpu.memory_space<vmem>> -> memref<1x80xi32, #tpu.memory_space<vmem>>
      %dma_start3A_47 = tpu.memref_squeeze %dma_start3A_46 : memref<1x80xi32, #tpu.memory_space<vmem>> -> memref<80xi32, #tpu.memory_space<vmem>>
      %dma_start3A_48 = arith.constant 0 : i32
      %dma_start3A_49 = arith.constant 0 : i32
      %dma_start3A_50 = tpu.memref_slice %arg8[%dma_start3A_48, %dma_start3A_49] : memref<10000x128xf32, #tpu.memory_space<vmem_shared>> -> memref<10000x128xf32, #tpu.memory_space<vmem_shared>>
      tpu.enqueue_indirect_dma source(%dma_start3A_50 : memref<10000x128xf32, #tpu.memory_space<vmem_shared>>) target(%arg7 : memref<80x128xf32, #tpu.memory_space<vmem>>) offsets(%dma_start3A_47 : memref<80xi32, #tpu.memory_space<vmem>>) semaphore(%arg9 : memref<!tpu.dma_semaphore, #tpu.memory_space<semaphore_mem>>)
      %dma_wait3A_51 = arith.constant 0 : i32
      %dma_wait3A_52 = tpu.memref_slice %arg5[%mul3A_34, %dma_wait3A_51] : memref<125x80xi32, #tpu.memory_space<vmem>> -> memref<1x80xi32, #tpu.memory_space<vmem>>
      %dma_wait3A_53 = tpu.memref_squeeze %dma_wait3A_52 : memref<1x80xi32, #tpu.memory_space<vmem>> -> memref<80xi32, #tpu.memory_space<vmem>>
      %dma_wait3A_54 = arith.constant 0 : i32
      %dma_wait3A_55 = arith.constant 0 : i32
      %dma_wait3A_56 = tpu.memref_slice %arg8[%dma_wait3A_54, %dma_wait3A_55] : memref<10000x128xf32, #tpu.memory_space<vmem_shared>> -> memref<10000x128xf32, #tpu.memory_space<vmem_shared>>
      tpu.wait_indirect_dma semaphore(%arg9 : memref<!tpu.dma_semaphore, #tpu.memory_space<semaphore_mem>>) src(%dma_wait3A_56 : memref<10000x128xf32, #tpu.memory_space<vmem_shared>>) dst(%arg6 : memref<80x128xf32, #tpu.memory_space<vmem>>)
      %mul3A_57 = arith.constant 2 : i32
      %mul3A_58 = arith.muli %mul3A_57, %scan3A_32 : i32
      %mul3A_59 = arith.constant 80 : i32
      %mul3A_60 = arith.muli %mul3A_58, %mul3A_59 : i32
      %add3A_61 = arith.addi %mul3A_2, %mul3A_60 : i32
      %dma_start3A_62 = arith.constant 0 : i32
      %dma_start3A_63 = tpu.memref_slice %arg4[%add3A_61, %dma_start3A_62] : memref<320000x128xf32, #tpu.memory_space<hbm>> -> memref<80x128xf32, #tpu.memory_space<hbm>>
      %dma_start3A_64 = arith.constant 0 : i32
      %dma_start3A_65 = tpu.memref_slice %arg4[%add3A_61, %dma_start3A_64] : memref<320000x128xf32, #tpu.memory_space<hbm>> -> memref<80x128xf32, #tpu.memory_space<hbm>>
      tpu.enqueue_dma source(%arg6 : memref<80x128xf32, #tpu.memory_space<vmem>>) target(%dma_start3A_65 : memref<80x128xf32, #tpu.memory_space<hbm>>) target_semaphore(%arg10 : memref<!tpu.dma_semaphore, #tpu.memory_space<semaphore_mem>>)
      %dma_wait3A_66 = arith.constant 0 : i32
      %dma_wait3A_67 = tpu.memref_slice %arg5[%add3A_44, %dma_wait3A_66] : memref<125x80xi32, #tpu.memory_space<vmem>> -> memref<1x80xi32, #tpu.memory_space<vmem>>
      %dma_wait3A_68 = tpu.memref_squeeze %dma_wait3A_67 : memref<1x80xi32, #tpu.memory_space<vmem>> -> memref<80xi32, #tpu.memory_space<vmem>>
      %dma_wait3A_69 = arith.constant 0 : i32
      %dma_wait3A_70 = arith.constant 0 : i32
      %dma_wait3A_71 = tpu.memref_slice %arg8[%dma_wait3A_69, %dma_wait3A_70] : memref<10000x128xf32, #tpu.memory_space<vmem_shared>> -> memref<10000x128xf32, #tpu.memory_space<vmem_shared>>
      tpu.wait_indirect_dma semaphore(%arg9 : memref<!tpu.dma_semaphore, #tpu.memory_space<semaphore_mem>>) src(%dma_wait3A_71 : memref<10000x128xf32, #tpu.memory_space<vmem_shared>>) dst(%arg7 : memref<80x128xf32, #tpu.memory_space<vmem>>)
      %mul3A_72 = arith.constant 2 : i32
      %mul3A_73 = arith.muli %mul3A_72, %scan3A_32 : i32
      %add3A_74 = arith.constant 1 : i32
      %add3A_75 = arith.addi %mul3A_73, %add3A_74 : i32
      %mul3A_76 = arith.constant 80 : i32
      %mul3A_77 = arith.muli %add3A_75, %mul3A_76 : i32
      %add3A_78 = arith.addi %mul3A_2, %mul3A_77 : i32
      %dma_start3A_79 = arith.constant 0 : i32
      %dma_start3A_80 = tpu.memref_slice %arg4[%add3A_78, %dma_start3A_79] : memref<320000x128xf32, #tpu.memory_space<hbm>> -> memref<80x128xf32, #tpu.memory_space<hbm>>
      %dma_start3A_81 = arith.constant 0 : i32
      %dma_start3A_82 = tpu.memref_slice %arg4[%add3A_78, %dma_start3A_81] : memref<320000x128xf32, #tpu.memory_space<hbm>> -> memref<80x128xf32, #tpu.memory_space<hbm>>
      tpu.enqueue_dma source(%arg7 : memref<80x128xf32, #tpu.memory_space<vmem>>) target(%dma_start3A_82 : memref<80x128xf32, #tpu.memory_space<hbm>>) target_semaphore(%arg10 : memref<!tpu.dma_semaphore, #tpu.memory_space<semaphore_mem>>)
      %dma_wait3A_83 = arith.constant 0 : i32
      %dma_wait3A_84 = tpu.memref_slice %arg4[%add3A_61, %dma_wait3A_83] : memref<320000x128xf32, #tpu.memory_space<hbm>> -> memref<80x128xf32, #tpu.memory_space<hbm>>
      %dma_wait3A_85 = arith.constant 0 : i32
      %dma_wait3A_86 = tpu.memref_slice %arg4[%add3A_61, %dma_wait3A_85] : memref<320000x128xf32, #tpu.memory_space<hbm>> -> memref<80x128xf32, #tpu.memory_space<hbm>>
      tpu.wait_dma2 semaphore(%arg10 : memref<!tpu.dma_semaphore, #tpu.memory_space<semaphore_mem>>) src(%arg6 : memref<80x128xf32, #tpu.memory_space<vmem>>) dst(%dma_wait3A_86 : memref<80x128xf32, #tpu.memory_space<hbm>>)
      %dma_wait3A_87 = arith.constant 0 : i32
      %dma_wait3A_88 = tpu.memref_slice %arg4[%add3A_78, %dma_wait3A_87] : memref<320000x128xf32, #tpu.memory_space<hbm>> -> memref<80x128xf32, #tpu.memory_space<hbm>>
      %dma_wait3A_89 = arith.constant 0 : i32
      %dma_wait3A_90 = tpu.memref_slice %arg4[%add3A_78, %dma_wait3A_89] : memref<320000x128xf32, #tpu.memory_space<hbm>> -> memref<80x128xf32, #tpu.memory_space<hbm>>
      tpu.wait_dma2 semaphore(%arg10 : memref<!tpu.dma_semaphore, #tpu.memory_space<semaphore_mem>>) src(%arg7 : memref<80x128xf32, #tpu.memory_space<vmem>>) dst(%dma_wait3A_90 : memref<80x128xf32, #tpu.memory_space<hbm>>)
    }
    %scan3A_9 = arith.constant 62 : i32
    %dma_start3A = arith.constant 124 : i32
    %dma_start3A_10 = arith.constant 0 : i32
    %dma_start3A_11 = tpu.memref_slice %arg5[%dma_start3A, %dma_start3A_10] : memref<125x80xi32, #tpu.memory_space<vmem>> -> memref<1x80xi32, #tpu.memory_space<vmem>>
    %dma_start3A_12 = tpu.memref_squeeze %dma_start3A_11 : memref<1x80xi32, #tpu.memory_space<vmem>> -> memref<80xi32, #tpu.memory_space<vmem>>
    %dma_start3A_13 = arith.constant 0 : i32
    %dma_start3A_14 = arith.constant 0 : i32
    %dma_start3A_15 = tpu.memref_slice %arg8[%dma_start3A_13, %dma_start3A_14] : memref<10000x128xf32, #tpu.memory_space<vmem_shared>> -> memref<10000x128xf32, #tpu.memory_space<vmem_shared>>
    tpu.enqueue_indirect_dma source(%dma_start3A_15 : memref<10000x128xf32, #tpu.memory_space<vmem_shared>>) target(%arg6 : memref<80x128xf32, #tpu.memory_space<vmem>>) offsets(%dma_start3A_12 : memref<80xi32, #tpu.memory_space<vmem>>) semaphore(%arg9 : memref<!tpu.dma_semaphore, #tpu.memory_space<semaphore_mem>>)
    %dma_wait3A = arith.constant 124 : i32
    %dma_wait3A_16 = arith.constant 0 : i32
    %dma_wait3A_17 = tpu.memref_slice %arg5[%dma_wait3A, %dma_wait3A_16] : memref<125x80xi32, #tpu.memory_space<vmem>> -> memref<1x80xi32, #tpu.memory_space<vmem>>
    %dma_wait3A_18 = tpu.memref_squeeze %dma_wait3A_17 : memref<1x80xi32, #tpu.memory_space<vmem>> -> memref<80xi32, #tpu.memory_space<vmem>>
    %dma_wait3A_19 = arith.constant 0 : i32
    %dma_wait3A_20 = arith.constant 0 : i32
    %dma_wait3A_21 = tpu.memref_slice %arg8[%dma_wait3A_19, %dma_wait3A_20] : memref<10000x128xf32, #tpu.memory_space<vmem_shared>> -> memref<10000x128xf32, #tpu.memory_space<vmem_shared>>
    tpu.wait_indirect_dma semaphore(%arg9 : memref<!tpu.dma_semaphore, #tpu.memory_space<semaphore_mem>>) src(%dma_wait3A_21 : memref<10000x128xf32, #tpu.memory_space<vmem_shared>>) dst(%arg6 : memref<80x128xf32, #tpu.memory_space<vmem>>)
    %add3A_22 = arith.constant 9920 : i32
    %add3A_23 = arith.addi %mul3A_2, %add3A_22 : i32
    %dma_start3A_24 = arith.constant 0 : i32
    %dma_start3A_25 = tpu.memref_slice %arg4[%add3A_23, %dma_start3A_24] : memref<320000x128xf32, #tpu.memory_space<hbm>> -> memref<80x128xf32, #tpu.memory_space<hbm>>
    %dma_start3A_26 = arith.constant 0 : i32
    %dma_start3A_27 = tpu.memref_slice %arg4[%add3A_23, %dma_start3A_26] : memref<320000x128xf32, #tpu.memory_space<hbm>> -> memref<80x128xf32, #tpu.memory_space<hbm>>
    tpu.enqueue_dma source(%arg6 : memref<80x128xf32, #tpu.memory_space<vmem>>) target(%dma_start3A_27 : memref<80x128xf32, #tpu.memory_space<hbm>>) target_semaphore(%arg10 : memref<!tpu.dma_semaphore, #tpu.memory_space<semaphore_mem>>)
    %dma_wait3A_28 = arith.constant 0 : i32
    %dma_wait3A_29 = tpu.memref_slice %arg4[%add3A_23, %dma_wait3A_28] : memref<320000x128xf32, #tpu.memory_space<hbm>> -> memref<80x128xf32, #tpu.memory_space<hbm>>
    %dma_wait3A_30 = arith.constant 0 : i32
    %dma_wait3A_31 = tpu.memref_slice %arg4[%add3A_23, %dma_wait3A_30] : memref<320000x128xf32, #tpu.memory_space<hbm>> -> memref<80x128xf32, #tpu.memory_space<hbm>>
    tpu.wait_dma2 semaphore(%arg10 : memref<!tpu.dma_semaphore, #tpu.memory_space<semaphore_mem>>) src(%arg6 : memref<80x128xf32, #tpu.memory_space<vmem>>) dst(%dma_wait3A_31 : memref<80x128xf32, #tpu.memory_space<hbm>>)
    return
  }
}

#map = affine_map<(d0, d1) -> (0, 0)>
#map1 = affine_map<(d0, d1) -> (0, 0, 0)>
module attributes {stable_mosaic.version = 14 : i64} {
  func.func @k(%arg0: i32, %arg1: i32, %arg2: memref<320000x128xf32, #tpu.memory_space<hbm>>, %arg3: memref<32x250x40xi32, #tpu.memory_space<hbm>>, %arg4: memref<10000x128xf32, #tpu.memory_space<hbm>>, %arg5: memref<2x10000x128xf32, #tpu.memory_space<hbm>>, %arg6: memref<250x40xi32, #tpu.memory_space<vmem>>, %arg7: memref<40x128xf32, #tpu.memory_space<vmem>>, %arg8: memref<40x128xf32, #tpu.memory_space<vmem>>, %arg9: memref<10000x128xf32, #tpu.memory_space<vmem_shared>>, %arg10: memref<!tpu.dma_semaphore, #tpu.memory_space<semaphore_mem>>, %arg11: memref<!tpu.dma_semaphore, #tpu.memory_space<semaphore_mem>>) attributes {dimension_semantics = [#tpu.dimension_semantics<core_parallel>, #tpu.dimension_semantics<subcore_parallel>], iteration_bounds = array<i64: 2, 16>, scalar_prefetch = 0 : i64, scratch_operands = 6 : i64, tpu.core_type = #tpu.core_type<sc_vector_subcore>, window_params = [{transform_indices = #map}, {transform_indices = #map1}, {transform_indices = #map}, {transform_indices = #map1}]} {
    %mul3A = arith.constant 2 : i32
    %mul3A_0 = arith.muli %arg1, %mul3A : i32
    %add3A = arith.addi %mul3A_0, %arg0 : i32
    %mul3A_1 = arith.constant 10000 : i32
    %mul3A_2 = arith.muli %add3A, %mul3A_1 : i32
    "tpu.region"() ({
      %run_scoped3A = tpu.sem_alloc : memref<!tpu.dma_semaphore, #tpu.memory_space<semaphore_mem>>
      %dma_start3A = arith.constant 0 : i32
      %dma_start3A_15 = arith.constant 0 : i32
      %dma_start3A_16 = tpu.memref_slice %arg3[%add3A, %dma_start3A, %dma_start3A_15] : memref<32x250x40xi32, #tpu.memory_space<hbm>> -> memref<1x250x40xi32, #tpu.memory_space<hbm>>
      %dma_start3A_17 = tpu.memref_squeeze %dma_start3A_16 : memref<1x250x40xi32, #tpu.memory_space<hbm>> -> memref<250x40xi32, #tpu.memory_space<hbm>>
      %dma_start3A_18 = arith.constant 0 : i32
      %dma_start3A_19 = arith.constant 0 : i32
      %dma_start3A_20 = tpu.memref_slice %arg3[%add3A, %dma_start3A_18, %dma_start3A_19] : memref<32x250x40xi32, #tpu.memory_space<hbm>> -> memref<1x250x40xi32, #tpu.memory_space<hbm>>
      %dma_start3A_21 = tpu.memref_squeeze %dma_start3A_20 : memref<1x250x40xi32, #tpu.memory_space<hbm>> -> memref<250x40xi32, #tpu.memory_space<hbm>>
      tpu.enqueue_dma source(%dma_start3A_21 : memref<250x40xi32, #tpu.memory_space<hbm>>) target(%arg6 : memref<250x40xi32, #tpu.memory_space<vmem>>) target_semaphore(%run_scoped3A : memref<!tpu.dma_semaphore, #tpu.memory_space<semaphore_mem>>)
      %dma_wait3A = arith.constant 0 : i32
      %dma_wait3A_22 = arith.constant 0 : i32
      %dma_wait3A_23 = tpu.memref_slice %arg3[%add3A, %dma_wait3A, %dma_wait3A_22] : memref<32x250x40xi32, #tpu.memory_space<hbm>> -> memref<1x250x40xi32, #tpu.memory_space<hbm>>
      %dma_wait3A_24 = tpu.memref_squeeze %dma_wait3A_23 : memref<1x250x40xi32, #tpu.memory_space<hbm>> -> memref<250x40xi32, #tpu.memory_space<hbm>>
      %dma_wait3A_25 = arith.constant 0 : i32
      %dma_wait3A_26 = arith.constant 0 : i32
      %dma_wait3A_27 = tpu.memref_slice %arg3[%add3A, %dma_wait3A_25, %dma_wait3A_26] : memref<32x250x40xi32, #tpu.memory_space<hbm>> -> memref<1x250x40xi32, #tpu.memory_space<hbm>>
      %dma_wait3A_28 = tpu.memref_squeeze %dma_wait3A_27 : memref<1x250x40xi32, #tpu.memory_space<hbm>> -> memref<250x40xi32, #tpu.memory_space<hbm>>
      tpu.wait_dma2 semaphore(%run_scoped3A : memref<!tpu.dma_semaphore, #tpu.memory_space<semaphore_mem>>) src(%dma_wait3A_28 : memref<250x40xi32, #tpu.memory_space<hbm>>) dst(%arg6 : memref<250x40xi32, #tpu.memory_space<vmem>>)
      tpu.yield
    }) : () -> ()
    %eq3A = arith.constant 0 : i32
    %eq3A_3 = arith.cmpi eq, %arg1, %eq3A : i32
    %convert_element_type3A = arith.extui %eq3A_3 : i1 to i32
    %cond3A = arith.constant 0 : i32
    %cond3A_4 = arith.cmpi ne, %convert_element_type3A, %cond3A : i32
    scf.if %cond3A_4 {
      "tpu.region"() ({
        %run_scoped3A = tpu.sem_alloc : memref<!tpu.dma_semaphore, #tpu.memory_space<semaphore_mem>>
        tpu.enqueue_dma source(%arg4 : memref<10000x128xf32, #tpu.memory_space<hbm>>) target(%arg9 : memref<10000x128xf32, #tpu.memory_space<vmem_shared>>) target_semaphore(%run_scoped3A : memref<!tpu.dma_semaphore, #tpu.memory_space<semaphore_mem>>)
        tpu.wait_dma2 semaphore(%run_scoped3A : memref<!tpu.dma_semaphore, #tpu.memory_space<semaphore_mem>>) src(%arg4 : memref<10000x128xf32, #tpu.memory_space<hbm>>) dst(%arg9 : memref<10000x128xf32, #tpu.memory_space<vmem_shared>>)
        tpu.yield
      }) : () -> ()
    } else {
    }
    %barrier3A = arith.constant 0 : index
    tpu.barrier barrier_id(%barrier3A)
    %scan3A = arith.constant 0 : i32
    %scan3A_5 = arith.constant 0 : i32
    %scan3A_6 = arith.constant 125 : i32
    %scan3A_7 = arith.addi %scan3A_5, %scan3A_6 : i32
    %scan3A_8 = arith.constant 1 : i32
    scf.for %scan3A_15 = %scan3A_5 to %scan3A_7 step %scan3A_8  : i32 {
      %mul3A_16 = arith.constant 2 : i32
      %mul3A_17 = arith.muli %mul3A_16, %scan3A_15 : i32
      %mul3A_18 = arith.constant 40 : i32
      %mul3A_19 = arith.muli %mul3A_17, %mul3A_18 : i32
      %add3A_20 = arith.addi %mul3A_2, %mul3A_19 : i32
      %dma_start3A = arith.constant 0 : i32
      %dma_start3A_21 = tpu.memref_slice %arg2[%add3A_20, %dma_start3A] : memref<320000x128xf32, #tpu.memory_space<hbm>> -> memref<40x128xf32, #tpu.memory_space<hbm>>
      %dma_start3A_22 = arith.constant 0 : i32
      %dma_start3A_23 = tpu.memref_slice %arg2[%add3A_20, %dma_start3A_22] : memref<320000x128xf32, #tpu.memory_space<hbm>> -> memref<40x128xf32, #tpu.memory_space<hbm>>
      tpu.enqueue_dma source(%dma_start3A_23 : memref<40x128xf32, #tpu.memory_space<hbm>>) target(%arg7 : memref<40x128xf32, #tpu.memory_space<vmem>>) target_semaphore(%arg10 : memref<!tpu.dma_semaphore, #tpu.memory_space<semaphore_mem>>)
      %mul3A_24 = arith.constant 2 : i32
      %mul3A_25 = arith.muli %mul3A_24, %scan3A_15 : i32
      %add3A_26 = arith.constant 1 : i32
      %add3A_27 = arith.addi %mul3A_25, %add3A_26 : i32
      %mul3A_28 = arith.constant 40 : i32
      %mul3A_29 = arith.muli %add3A_27, %mul3A_28 : i32
      %add3A_30 = arith.addi %mul3A_2, %mul3A_29 : i32
      %dma_start3A_31 = arith.constant 0 : i32
      %dma_start3A_32 = tpu.memref_slice %arg2[%add3A_30, %dma_start3A_31] : memref<320000x128xf32, #tpu.memory_space<hbm>> -> memref<40x128xf32, #tpu.memory_space<hbm>>
      %dma_start3A_33 = arith.constant 0 : i32
      %dma_start3A_34 = tpu.memref_slice %arg2[%add3A_30, %dma_start3A_33] : memref<320000x128xf32, #tpu.memory_space<hbm>> -> memref<40x128xf32, #tpu.memory_space<hbm>>
      tpu.enqueue_dma source(%dma_start3A_34 : memref<40x128xf32, #tpu.memory_space<hbm>>) target(%arg8 : memref<40x128xf32, #tpu.memory_space<vmem>>) target_semaphore(%arg10 : memref<!tpu.dma_semaphore, #tpu.memory_space<semaphore_mem>>)
      %dma_wait3A = arith.constant 0 : i32
      %dma_wait3A_35 = tpu.memref_slice %arg2[%add3A_20, %dma_wait3A] : memref<320000x128xf32, #tpu.memory_space<hbm>> -> memref<40x128xf32, #tpu.memory_space<hbm>>
      %dma_wait3A_36 = arith.constant 0 : i32
      %dma_wait3A_37 = tpu.memref_slice %arg2[%add3A_20, %dma_wait3A_36] : memref<320000x128xf32, #tpu.memory_space<hbm>> -> memref<40x128xf32, #tpu.memory_space<hbm>>
      tpu.wait_dma2 semaphore(%arg10 : memref<!tpu.dma_semaphore, #tpu.memory_space<semaphore_mem>>) src(%dma_wait3A_37 : memref<40x128xf32, #tpu.memory_space<hbm>>) dst(%arg7 : memref<40x128xf32, #tpu.memory_space<vmem>>)
      %mul3A_38 = arith.constant 2 : i32
      %mul3A_39 = arith.muli %mul3A_38, %scan3A_15 : i32
      %dma_start3A_40 = arith.constant 0 : i32
      %dma_start3A_41 = tpu.memref_slice %arg6[%mul3A_39, %dma_start3A_40] : memref<250x40xi32, #tpu.memory_space<vmem>> -> memref<1x40xi32, #tpu.memory_space<vmem>>
      %dma_start3A_42 = tpu.memref_squeeze %dma_start3A_41 : memref<1x40xi32, #tpu.memory_space<vmem>> -> memref<40xi32, #tpu.memory_space<vmem>>
      %dma_start3A_43 = arith.constant 0 : i32
      %dma_start3A_44 = arith.constant 0 : i32
      %dma_start3A_45 = tpu.memref_slice %arg9[%dma_start3A_43, %dma_start3A_44] : memref<10000x128xf32, #tpu.memory_space<vmem_shared>> -> memref<10000x128xf32, #tpu.memory_space<vmem_shared>>
      tpu.enqueue_indirect_dma source(%arg7 : memref<40x128xf32, #tpu.memory_space<vmem>>) target(%dma_start3A_45 : memref<10000x128xf32, #tpu.memory_space<vmem_shared>>) offsets(%dma_start3A_42 : memref<40xi32, #tpu.memory_space<vmem>>) semaphore(%arg11 : memref<!tpu.dma_semaphore, #tpu.memory_space<semaphore_mem>>) {add = true}
      %dma_wait3A_46 = arith.constant 0 : i32
      %dma_wait3A_47 = tpu.memref_slice %arg2[%add3A_30, %dma_wait3A_46] : memref<320000x128xf32, #tpu.memory_space<hbm>> -> memref<40x128xf32, #tpu.memory_space<hbm>>
      %dma_wait3A_48 = arith.constant 0 : i32
      %dma_wait3A_49 = tpu.memref_slice %arg2[%add3A_30, %dma_wait3A_48] : memref<320000x128xf32, #tpu.memory_space<hbm>> -> memref<40x128xf32, #tpu.memory_space<hbm>>
      tpu.wait_dma2 semaphore(%arg10 : memref<!tpu.dma_semaphore, #tpu.memory_space<semaphore_mem>>) src(%dma_wait3A_49 : memref<40x128xf32, #tpu.memory_space<hbm>>) dst(%arg8 : memref<40x128xf32, #tpu.memory_space<vmem>>)
      %mul3A_50 = arith.constant 2 : i32
      %mul3A_51 = arith.muli %mul3A_50, %scan3A_15 : i32
      %add3A_52 = arith.constant 1 : i32
      %add3A_53 = arith.addi %mul3A_51, %add3A_52 : i32
      %dma_start3A_54 = arith.constant 0 : i32
      %dma_start3A_55 = tpu.memref_slice %arg6[%add3A_53, %dma_start3A_54] : memref<250x40xi32, #tpu.memory_space<vmem>> -> memref<1x40xi32, #tpu.memory_space<vmem>>
      %dma_start3A_56 = tpu.memref_squeeze %dma_start3A_55 : memref<1x40xi32, #tpu.memory_space<vmem>> -> memref<40xi32, #tpu.memory_space<vmem>>
      %dma_start3A_57 = arith.constant 0 : i32
      %dma_start3A_58 = arith.constant 0 : i32
      %dma_start3A_59 = tpu.memref_slice %arg9[%dma_start3A_57, %dma_start3A_58] : memref<10000x128xf32, #tpu.memory_space<vmem_shared>> -> memref<10000x128xf32, #tpu.memory_space<vmem_shared>>
      tpu.enqueue_indirect_dma source(%arg8 : memref<40x128xf32, #tpu.memory_space<vmem>>) target(%dma_start3A_59 : memref<10000x128xf32, #tpu.memory_space<vmem_shared>>) offsets(%dma_start3A_56 : memref<40xi32, #tpu.memory_space<vmem>>) semaphore(%arg11 : memref<!tpu.dma_semaphore, #tpu.memory_space<semaphore_mem>>) {add = true}
      %dma_wait3A_60 = arith.constant 0 : i32
      %dma_wait3A_61 = tpu.memref_slice %arg6[%mul3A_39, %dma_wait3A_60] : memref<250x40xi32, #tpu.memory_space<vmem>> -> memref<1x40xi32, #tpu.memory_space<vmem>>
      %dma_wait3A_62 = tpu.memref_squeeze %dma_wait3A_61 : memref<1x40xi32, #tpu.memory_space<vmem>> -> memref<40xi32, #tpu.memory_space<vmem>>
      %dma_wait3A_63 = arith.constant 0 : i32
      %dma_wait3A_64 = arith.constant 0 : i32
      %dma_wait3A_65 = tpu.memref_slice %arg9[%dma_wait3A_63, %dma_wait3A_64] : memref<10000x128xf32, #tpu.memory_space<vmem_shared>> -> memref<10000x128xf32, #tpu.memory_space<vmem_shared>>
      tpu.wait_indirect_dma semaphore(%arg11 : memref<!tpu.dma_semaphore, #tpu.memory_space<semaphore_mem>>) src(%arg7 : memref<40x128xf32, #tpu.memory_space<vmem>>) dst(%dma_wait3A_65 : memref<10000x128xf32, #tpu.memory_space<vmem_shared>>)
      %dma_wait3A_66 = arith.constant 0 : i32
      %dma_wait3A_67 = tpu.memref_slice %arg6[%add3A_53, %dma_wait3A_66] : memref<250x40xi32, #tpu.memory_space<vmem>> -> memref<1x40xi32, #tpu.memory_space<vmem>>
      %dma_wait3A_68 = tpu.memref_squeeze %dma_wait3A_67 : memref<1x40xi32, #tpu.memory_space<vmem>> -> memref<40xi32, #tpu.memory_space<vmem>>
      %dma_wait3A_69 = arith.constant 0 : i32
      %dma_wait3A_70 = arith.constant 0 : i32
      %dma_wait3A_71 = tpu.memref_slice %arg9[%dma_wait3A_69, %dma_wait3A_70] : memref<10000x128xf32, #tpu.memory_space<vmem_shared>> -> memref<10000x128xf32, #tpu.memory_space<vmem_shared>>
      tpu.wait_indirect_dma semaphore(%arg11 : memref<!tpu.dma_semaphore, #tpu.memory_space<semaphore_mem>>) src(%arg8 : memref<40x128xf32, #tpu.memory_space<vmem>>) dst(%dma_wait3A_71 : memref<10000x128xf32, #tpu.memory_space<vmem_shared>>)
    }
    %scan3A_9 = arith.constant 125 : i32
    %barrier3A_10 = arith.constant 0 : index
    tpu.barrier barrier_id(%barrier3A_10)
    %lt3A = arith.constant 10 : i32
    %lt3A_11 = arith.cmpi slt, %arg1, %lt3A : i32
    %convert_element_type3A_12 = arith.extui %lt3A_11 : i1 to i32
    %cond3A_13 = arith.constant 0 : i32
    %cond3A_14 = arith.cmpi ne, %convert_element_type3A_12, %cond3A_13 : i32
    scf.if %cond3A_14 {
      %mul3A_15 = arith.constant 1000 : i32
      %mul3A_16 = arith.muli %arg1, %mul3A_15 : i32
      %mul3A_17 = arith.constant 1000 : i32
      %mul3A_18 = arith.muli %arg1, %mul3A_17 : i32
      "tpu.region"() ({
        %run_scoped3A = tpu.sem_alloc : memref<!tpu.dma_semaphore, #tpu.memory_space<semaphore_mem>>
        %dma_start3A = arith.constant 0 : i32
        %dma_start3A_19 = tpu.memref_slice %arg5[%arg0, %mul3A_18, %dma_start3A] : memref<2x10000x128xf32, #tpu.memory_space<hbm>> -> memref<1x1000x128xf32, #tpu.memory_space<hbm>>
        %dma_start3A_20 = tpu.memref_squeeze %dma_start3A_19 : memref<1x1000x128xf32, #tpu.memory_space<hbm>> -> memref<1000x128xf32, #tpu.memory_space<hbm>>
        %dma_start3A_21 = arith.constant 0 : i32
        %dma_start3A_22 = tpu.memref_slice %arg9[%mul3A_16, %dma_start3A_21] : memref<10000x128xf32, #tpu.memory_space<vmem_shared>> -> memref<1000x128xf32, #tpu.memory_space<vmem_shared>>
        tpu.enqueue_dma source(%dma_start3A_22 : memref<1000x128xf32, #tpu.memory_space<vmem_shared>>) target(%dma_start3A_20 : memref<1000x128xf32, #tpu.memory_space<hbm>>) target_semaphore(%run_scoped3A : memref<!tpu.dma_semaphore, #tpu.memory_space<semaphore_mem>>)
        %dma_wait3A = arith.constant 0 : i32
        %dma_wait3A_23 = tpu.memref_slice %arg5[%arg0, %mul3A_18, %dma_wait3A] : memref<2x10000x128xf32, #tpu.memory_space<hbm>> -> memref<1x1000x128xf32, #tpu.memory_space<hbm>>
        %dma_wait3A_24 = tpu.memref_squeeze %dma_wait3A_23 : memref<1x1000x128xf32, #tpu.memory_space<hbm>> -> memref<1000x128xf32, #tpu.memory_space<hbm>>
        %dma_wait3A_25 = arith.constant 0 : i32
        %dma_wait3A_26 = tpu.memref_slice %arg9[%mul3A_16, %dma_wait3A_25] : memref<10000x128xf32, #tpu.memory_space<vmem_shared>> -> memref<1000x128xf32, #tpu.memory_space<vmem_shared>>
        tpu.wait_dma2 semaphore(%run_scoped3A : memref<!tpu.dma_semaphore, #tpu.memory_space<semaphore_mem>>) src(%dma_wait3A_26 : memref<1000x128xf32, #tpu.memory_space<vmem_shared>>) dst(%dma_wait3A_24 : memref<1000x128xf32, #tpu.memory_space<hbm>>)
        tpu.yield
      }) : () -> ()
    } else {
    }
    return
  }
}

#map = affine_map<(d0, d1) -> (0, 0)>
#map1 = affine_map<(d0, d1) -> (0, 0, 0)>
module attributes {stable_mosaic.version = 14 : i64} {
  func.func @k(%arg0: i32, %arg1: i32, %arg2: memref<10000x128xf32, #tpu.memory_space<hbm>>, %arg3: memref<32x125x80xi32, #tpu.memory_space<hbm>>, %arg4: memref<320000x128xf32, #tpu.memory_space<hbm>>, %arg5: memref<125x80xi32, #tpu.memory_space<vmem>>, %arg6: memref<80x128xf32, #tpu.memory_space<vmem>>, %arg7: memref<80x128xf32, #tpu.memory_space<vmem>>, %arg8: memref<10000x128xf32, #tpu.memory_space<vmem_shared>>, %arg9: memref<!tpu.dma_semaphore, #tpu.memory_space<semaphore_mem>>, %arg10: memref<!tpu.dma_semaphore, #tpu.memory_space<semaphore_mem>>) attributes {dimension_semantics = [#tpu.dimension_semantics<core_parallel>, #tpu.dimension_semantics<subcore_parallel>], iteration_bounds = array<i64: 2, 16>, scalar_prefetch = 0 : i64, scratch_operands = 6 : i64, tpu.core_type = #tpu.core_type<sc_vector_subcore>, window_params = [{transform_indices = #map}, {transform_indices = #map1}, {transform_indices = #map}]} {
    %mul3A = arith.constant 2 : i32
    %mul3A_0 = arith.muli %arg1, %mul3A : i32
    %add3A = arith.addi %mul3A_0, %arg0 : i32
    %mul3A_1 = arith.constant 10000 : i32
    %mul3A_2 = arith.muli %add3A, %mul3A_1 : i32
    "tpu.region"() ({
      %run_scoped3A = tpu.sem_alloc : memref<!tpu.dma_semaphore, #tpu.memory_space<semaphore_mem>>
      %dma_start3A_32 = arith.constant 0 : i32
      %dma_start3A_33 = arith.constant 0 : i32
      %dma_start3A_34 = tpu.memref_slice %arg3[%add3A, %dma_start3A_32, %dma_start3A_33] : memref<32x125x80xi32, #tpu.memory_space<hbm>> -> memref<1x125x80xi32, #tpu.memory_space<hbm>>
      %dma_start3A_35 = tpu.memref_squeeze %dma_start3A_34 : memref<1x125x80xi32, #tpu.memory_space<hbm>> -> memref<125x80xi32, #tpu.memory_space<hbm>>
      %dma_start3A_36 = arith.constant 0 : i32
      %dma_start3A_37 = arith.constant 0 : i32
      %dma_start3A_38 = tpu.memref_slice %arg3[%add3A, %dma_start3A_36, %dma_start3A_37] : memref<32x125x80xi32, #tpu.memory_space<hbm>> -> memref<1x125x80xi32, #tpu.memory_space<hbm>>
      %dma_start3A_39 = tpu.memref_squeeze %dma_start3A_38 : memref<1x125x80xi32, #tpu.memory_space<hbm>> -> memref<125x80xi32, #tpu.memory_space<hbm>>
      tpu.enqueue_dma source(%dma_start3A_39 : memref<125x80xi32, #tpu.memory_space<hbm>>) target(%arg5 : memref<125x80xi32, #tpu.memory_space<vmem>>) target_semaphore(%run_scoped3A : memref<!tpu.dma_semaphore, #tpu.memory_space<semaphore_mem>>)
      %dma_wait3A_40 = arith.constant 0 : i32
      %dma_wait3A_41 = arith.constant 0 : i32
      %dma_wait3A_42 = tpu.memref_slice %arg3[%add3A, %dma_wait3A_40, %dma_wait3A_41] : memref<32x125x80xi32, #tpu.memory_space<hbm>> -> memref<1x125x80xi32, #tpu.memory_space<hbm>>
      %dma_wait3A_43 = tpu.memref_squeeze %dma_wait3A_42 : memref<1x125x80xi32, #tpu.memory_space<hbm>> -> memref<125x80xi32, #tpu.memory_space<hbm>>
      %dma_wait3A_44 = arith.constant 0 : i32
      %dma_wait3A_45 = arith.constant 0 : i32
      %dma_wait3A_46 = tpu.memref_slice %arg3[%add3A, %dma_wait3A_44, %dma_wait3A_45] : memref<32x125x80xi32, #tpu.memory_space<hbm>> -> memref<1x125x80xi32, #tpu.memory_space<hbm>>
      %dma_wait3A_47 = tpu.memref_squeeze %dma_wait3A_46 : memref<1x125x80xi32, #tpu.memory_space<hbm>> -> memref<125x80xi32, #tpu.memory_space<hbm>>
      tpu.wait_dma2 semaphore(%run_scoped3A : memref<!tpu.dma_semaphore, #tpu.memory_space<semaphore_mem>>) src(%dma_wait3A_47 : memref<125x80xi32, #tpu.memory_space<hbm>>) dst(%arg5 : memref<125x80xi32, #tpu.memory_space<vmem>>)
      tpu.yield
    }) : () -> ()
    %eq3A = arith.constant 0 : i32
    %eq3A_3 = arith.cmpi eq, %arg1, %eq3A : i32
    %convert_element_type3A = arith.extui %eq3A_3 : i1 to i32
    %cond3A = arith.constant 0 : i32
    %cond3A_4 = arith.cmpi ne, %convert_element_type3A, %cond3A : i32
    scf.if %cond3A_4 {
      "tpu.region"() ({
        %run_scoped3A = tpu.sem_alloc : memref<!tpu.dma_semaphore, #tpu.memory_space<semaphore_mem>>
        tpu.enqueue_dma source(%arg2 : memref<10000x128xf32, #tpu.memory_space<hbm>>) target(%arg8 : memref<10000x128xf32, #tpu.memory_space<vmem_shared>>) target_semaphore(%run_scoped3A : memref<!tpu.dma_semaphore, #tpu.memory_space<semaphore_mem>>)
        tpu.wait_dma2 semaphore(%run_scoped3A : memref<!tpu.dma_semaphore, #tpu.memory_space<semaphore_mem>>) src(%arg2 : memref<10000x128xf32, #tpu.memory_space<hbm>>) dst(%arg8 : memref<10000x128xf32, #tpu.memory_space<vmem_shared>>)
        tpu.yield
      }) : () -> ()
    } else {
    }
    %barrier3A = arith.constant 0 : index
    tpu.barrier barrier_id(%barrier3A)
    %scan3A = arith.constant 0 : i32
    %scan3A_5 = arith.constant 0 : i32
    %scan3A_6 = arith.constant 62 : i32
    %scan3A_7 = arith.addi %scan3A_5, %scan3A_6 : i32
    %scan3A_8 = arith.constant 1 : i32
    scf.for %scan3A_32 = %scan3A_5 to %scan3A_7 step %scan3A_8  : i32 {
      %mul3A_33 = arith.constant 2 : i32
      %mul3A_34 = arith.muli %mul3A_33, %scan3A_32 : i32
      %dma_start3A_35 = arith.constant 0 : i32
      %dma_start3A_36 = tpu.memref_slice %arg5[%mul3A_34, %dma_start3A_35] : memref<125x80xi32, #tpu.memory_space<vmem>> -> memref<1x80xi32, #tpu.memory_space<vmem>>
      %dma_start3A_37 = tpu.memref_squeeze %dma_start3A_36 : memref<1x80xi32, #tpu.memory_space<vmem>> -> memref<80xi32, #tpu.memory_space<vmem>>
      %dma_start3A_38 = arith.constant 0 : i32
      %dma_start3A_39 = arith.constant 0 : i32
      %dma_start3A_40 = tpu.memref_slice %arg8[%dma_start3A_38, %dma_start3A_39] : memref<10000x128xf32, #tpu.memory_space<vmem_shared>> -> memref<10000x128xf32, #tpu.memory_space<vmem_shared>>
      tpu.enqueue_indirect_dma source(%dma_start3A_40 : memref<10000x128xf32, #tpu.memory_space<vmem_shared>>) target(%arg6 : memref<80x128xf32, #tpu.memory_space<vmem>>) offsets(%dma_start3A_37 : memref<80xi32, #tpu.memory_space<vmem>>) semaphore(%arg9 : memref<!tpu.dma_semaphore, #tpu.memory_space<semaphore_mem>>)
      %mul3A_41 = arith.constant 2 : i32
      %mul3A_42 = arith.muli %mul3A_41, %scan3A_32 : i32
      %add3A_43 = arith.constant 1 : i32
      %add3A_44 = arith.addi %mul3A_42, %add3A_43 : i32
      %dma_start3A_45 = arith.constant 0 : i32
      %dma_start3A_46 = tpu.memref_slice %arg5[%add3A_44, %dma_start3A_45] : memref<125x80xi32, #tpu.memory_space<vmem>> -> memref<1x80xi32, #tpu.memory_space<vmem>>
      %dma_start3A_47 = tpu.memref_squeeze %dma_start3A_46 : memref<1x80xi32, #tpu.memory_space<vmem>> -> memref<80xi32, #tpu.memory_space<vmem>>
      %dma_start3A_48 = arith.constant 0 : i32
      %dma_start3A_49 = arith.constant 0 : i32
      %dma_start3A_50 = tpu.memref_slice %arg8[%dma_start3A_48, %dma_start3A_49] : memref<10000x128xf32, #tpu.memory_space<vmem_shared>> -> memref<10000x128xf32, #tpu.memory_space<vmem_shared>>
      tpu.enqueue_indirect_dma source(%dma_start3A_50 : memref<10000x128xf32, #tpu.memory_space<vmem_shared>>) target(%arg7 : memref<80x128xf32, #tpu.memory_space<vmem>>) offsets(%dma_start3A_47 : memref<80xi32, #tpu.memory_space<vmem>>) semaphore(%arg9 : memref<!tpu.dma_semaphore, #tpu.memory_space<semaphore_mem>>)
      %dma_wait3A_51 = arith.constant 0 : i32
      %dma_wait3A_52 = tpu.memref_slice %arg5[%mul3A_34, %dma_wait3A_51] : memref<125x80xi32, #tpu.memory_space<vmem>> -> memref<1x80xi32, #tpu.memory_space<vmem>>
      %dma_wait3A_53 = tpu.memref_squeeze %dma_wait3A_52 : memref<1x80xi32, #tpu.memory_space<vmem>> -> memref<80xi32, #tpu.memory_space<vmem>>
      %dma_wait3A_54 = arith.constant 0 : i32
      %dma_wait3A_55 = arith.constant 0 : i32
      %dma_wait3A_56 = tpu.memref_slice %arg8[%dma_wait3A_54, %dma_wait3A_55] : memref<10000x128xf32, #tpu.memory_space<vmem_shared>> -> memref<10000x128xf32, #tpu.memory_space<vmem_shared>>
      tpu.wait_indirect_dma semaphore(%arg9 : memref<!tpu.dma_semaphore, #tpu.memory_space<semaphore_mem>>) src(%dma_wait3A_56 : memref<10000x128xf32, #tpu.memory_space<vmem_shared>>) dst(%arg6 : memref<80x128xf32, #tpu.memory_space<vmem>>)
      %mul3A_57 = arith.constant 2 : i32
      %mul3A_58 = arith.muli %mul3A_57, %scan3A_32 : i32
      %mul3A_59 = arith.constant 80 : i32
      %mul3A_60 = arith.muli %mul3A_58, %mul3A_59 : i32
      %add3A_61 = arith.addi %mul3A_2, %mul3A_60 : i32
      %dma_start3A_62 = arith.constant 0 : i32
      %dma_start3A_63 = tpu.memref_slice %arg4[%add3A_61, %dma_start3A_62] : memref<320000x128xf32, #tpu.memory_space<hbm>> -> memref<80x128xf32, #tpu.memory_space<hbm>>
      %dma_start3A_64 = arith.constant 0 : i32
      %dma_start3A_65 = tpu.memref_slice %arg4[%add3A_61, %dma_start3A_64] : memref<320000x128xf32, #tpu.memory_space<hbm>> -> memref<80x128xf32, #tpu.memory_space<hbm>>
      tpu.enqueue_dma source(%arg6 : memref<80x128xf32, #tpu.memory_space<vmem>>) target(%dma_start3A_65 : memref<80x128xf32, #tpu.memory_space<hbm>>) target_semaphore(%arg10 : memref<!tpu.dma_semaphore, #tpu.memory_space<semaphore_mem>>)
      %dma_wait3A_66 = arith.constant 0 : i32
      %dma_wait3A_67 = tpu.memref_slice %arg5[%add3A_44, %dma_wait3A_66] : memref<125x80xi32, #tpu.memory_space<vmem>> -> memref<1x80xi32, #tpu.memory_space<vmem>>
      %dma_wait3A_68 = tpu.memref_squeeze %dma_wait3A_67 : memref<1x80xi32, #tpu.memory_space<vmem>> -> memref<80xi32, #tpu.memory_space<vmem>>
      %dma_wait3A_69 = arith.constant 0 : i32
      %dma_wait3A_70 = arith.constant 0 : i32
      %dma_wait3A_71 = tpu.memref_slice %arg8[%dma_wait3A_69, %dma_wait3A_70] : memref<10000x128xf32, #tpu.memory_space<vmem_shared>> -> memref<10000x128xf32, #tpu.memory_space<vmem_shared>>
      tpu.wait_indirect_dma semaphore(%arg9 : memref<!tpu.dma_semaphore, #tpu.memory_space<semaphore_mem>>) src(%dma_wait3A_71 : memref<10000x128xf32, #tpu.memory_space<vmem_shared>>) dst(%arg7 : memref<80x128xf32, #tpu.memory_space<vmem>>)
      %mul3A_72 = arith.constant 2 : i32
      %mul3A_73 = arith.muli %mul3A_72, %scan3A_32 : i32
      %add3A_74 = arith.constant 1 : i32
      %add3A_75 = arith.addi %mul3A_73, %add3A_74 : i32
      %mul3A_76 = arith.constant 80 : i32
      %mul3A_77 = arith.muli %add3A_75, %mul3A_76 : i32
      %add3A_78 = arith.addi %mul3A_2, %mul3A_77 : i32
      %dma_start3A_79 = arith.constant 0 : i32
      %dma_start3A_80 = tpu.memref_slice %arg4[%add3A_78, %dma_start3A_79] : memref<320000x128xf32, #tpu.memory_space<hbm>> -> memref<80x128xf32, #tpu.memory_space<hbm>>
      %dma_start3A_81 = arith.constant 0 : i32
      %dma_start3A_82 = tpu.memref_slice %arg4[%add3A_78, %dma_start3A_81] : memref<320000x128xf32, #tpu.memory_space<hbm>> -> memref<80x128xf32, #tpu.memory_space<hbm>>
      tpu.enqueue_dma source(%arg7 : memref<80x128xf32, #tpu.memory_space<vmem>>) target(%dma_start3A_82 : memref<80x128xf32, #tpu.memory_space<hbm>>) target_semaphore(%arg10 : memref<!tpu.dma_semaphore, #tpu.memory_space<semaphore_mem>>)
      %dma_wait3A_83 = arith.constant 0 : i32
      %dma_wait3A_84 = tpu.memref_slice %arg4[%add3A_61, %dma_wait3A_83] : memref<320000x128xf32, #tpu.memory_space<hbm>> -> memref<80x128xf32, #tpu.memory_space<hbm>>
      %dma_wait3A_85 = arith.constant 0 : i32
      %dma_wait3A_86 = tpu.memref_slice %arg4[%add3A_61, %dma_wait3A_85] : memref<320000x128xf32, #tpu.memory_space<hbm>> -> memref<80x128xf32, #tpu.memory_space<hbm>>
      tpu.wait_dma2 semaphore(%arg10 : memref<!tpu.dma_semaphore, #tpu.memory_space<semaphore_mem>>) src(%arg6 : memref<80x128xf32, #tpu.memory_space<vmem>>) dst(%dma_wait3A_86 : memref<80x128xf32, #tpu.memory_space<hbm>>)
      %dma_wait3A_87 = arith.constant 0 : i32
      %dma_wait3A_88 = tpu.memref_slice %arg4[%add3A_78, %dma_wait3A_87] : memref<320000x128xf32, #tpu.memory_space<hbm>> -> memref<80x128xf32, #tpu.memory_space<hbm>>
      %dma_wait3A_89 = arith.constant 0 : i32
      %dma_wait3A_90 = tpu.memref_slice %arg4[%add3A_78, %dma_wait3A_89] : memref<320000x128xf32, #tpu.memory_space<hbm>> -> memref<80x128xf32, #tpu.memory_space<hbm>>
      tpu.wait_dma2 semaphore(%arg10 : memref<!tpu.dma_semaphore, #tpu.memory_space<semaphore_mem>>) src(%arg7 : memref<80x128xf32, #tpu.memory_space<vmem>>) dst(%dma_wait3A_90 : memref<80x128xf32, #tpu.memory_space<hbm>>)
    }
    %scan3A_9 = arith.constant 62 : i32
    %dma_start3A = arith.constant 124 : i32
    %dma_start3A_10 = arith.constant 0 : i32
    %dma_start3A_11 = tpu.memref_slice %arg5[%dma_start3A, %dma_start3A_10] : memref<125x80xi32, #tpu.memory_space<vmem>> -> memref<1x80xi32, #tpu.memory_space<vmem>>
    %dma_start3A_12 = tpu.memref_squeeze %dma_start3A_11 : memref<1x80xi32, #tpu.memory_space<vmem>> -> memref<80xi32, #tpu.memory_space<vmem>>
    %dma_start3A_13 = arith.constant 0 : i32
    %dma_start3A_14 = arith.constant 0 : i32
    %dma_start3A_15 = tpu.memref_slice %arg8[%dma_start3A_13, %dma_start3A_14] : memref<10000x128xf32, #tpu.memory_space<vmem_shared>> -> memref<10000x128xf32, #tpu.memory_space<vmem_shared>>
    tpu.enqueue_indirect_dma source(%dma_start3A_15 : memref<10000x128xf32, #tpu.memory_space<vmem_shared>>) target(%arg6 : memref<80x128xf32, #tpu.memory_space<vmem>>) offsets(%dma_start3A_12 : memref<80xi32, #tpu.memory_space<vmem>>) semaphore(%arg9 : memref<!tpu.dma_semaphore, #tpu.memory_space<semaphore_mem>>)
    %dma_wait3A = arith.constant 124 : i32
    %dma_wait3A_16 = arith.constant 0 : i32
    %dma_wait3A_17 = tpu.memref_slice %arg5[%dma_wait3A, %dma_wait3A_16] : memref<125x80xi32, #tpu.memory_space<vmem>> -> memref<1x80xi32, #tpu.memory_space<vmem>>
    %dma_wait3A_18 = tpu.memref_squeeze %dma_wait3A_17 : memref<1x80xi32, #tpu.memory_space<vmem>> -> memref<80xi32, #tpu.memory_space<vmem>>
    %dma_wait3A_19 = arith.constant 0 : i32
    %dma_wait3A_20 = arith.constant 0 : i32
    %dma_wait3A_21 = tpu.memref_slice %arg8[%dma_wait3A_19, %dma_wait3A_20] : memref<10000x128xf32, #tpu.memory_space<vmem_shared>> -> memref<10000x128xf32, #tpu.memory_space<vmem_shared>>
    tpu.wait_indirect_dma semaphore(%arg9 : memref<!tpu.dma_semaphore, #tpu.memory_space<semaphore_mem>>) src(%dma_wait3A_21 : memref<10000x128xf32, #tpu.memory_space<vmem_shared>>) dst(%arg6 : memref<80x128xf32, #tpu.memory_space<vmem>>)
    %add3A_22 = arith.constant 9920 : i32
    %add3A_23 = arith.addi %mul3A_2, %add3A_22 : i32
    %dma_start3A_24 = arith.constant 0 : i32
    %dma_start3A_25 = tpu.memref_slice %arg4[%add3A_23, %dma_start3A_24] : memref<320000x128xf32, #tpu.memory_space<hbm>> -> memref<80x128xf32, #tpu.memory_space<hbm>>
    %dma_start3A_26 = arith.constant 0 : i32
    %dma_start3A_27 = tpu.memref_slice %arg4[%add3A_23, %dma_start3A_26] : memref<320000x128xf32, #tpu.memory_space<hbm>> -> memref<80x128xf32, #tpu.memory_space<hbm>>
    tpu.enqueue_dma source(%arg6 : memref<80x128xf32, #tpu.memory_space<vmem>>) target(%dma_start3A_27 : memref<80x128xf32, #tpu.memory_space<hbm>>) target_semaphore(%arg10 : memref<!tpu.dma_semaphore, #tpu.memory_space<semaphore_mem>>)
    %dma_wait3A_28 = arith.constant 0 : i32
    %dma_wait3A_29 = tpu.memref_slice %arg4[%add3A_23, %dma_wait3A_28] : memref<320000x128xf32, #tpu.memory_space<hbm>> -> memref<80x128xf32, #tpu.memory_space<hbm>>
    %dma_wait3A_30 = arith.constant 0 : i32
    %dma_wait3A_31 = tpu.memref_slice %arg4[%add3A_23, %dma_wait3A_30] : memref<320000x128xf32, #tpu.memory_space<hbm>> -> memref<80x128xf32, #tpu.memory_space<hbm>>
    tpu.wait_dma2 semaphore(%arg10 : memref<!tpu.dma_semaphore, #tpu.memory_space<semaphore_mem>>) src(%arg6 : memref<80x128xf32, #tpu.memory_space<vmem>>) dst(%dma_wait3A_31 : memref<80x128xf32, #tpu.memory_space<hbm>>)
    return
  }
}

#map = affine_map<(d0, d1) -> (0, 0)>
#map1 = affine_map<(d0, d1) -> (0, 0, 0)>
module attributes {stable_mosaic.version = 14 : i64} {
  func.func @k(%arg0: i32, %arg1: i32, %arg2: memref<10000x128xf32, #tpu.memory_space<hbm>>, %arg3: memref<32x125x80xi32, #tpu.memory_space<hbm>>, %arg4: memref<320000x128xf32, #tpu.memory_space<hbm>>, %arg5: memref<125x80xi32, #tpu.memory_space<vmem>>, %arg6: memref<80x128xf32, #tpu.memory_space<vmem>>, %arg7: memref<80x128xf32, #tpu.memory_space<vmem>>, %arg8: memref<10000x128xf32, #tpu.memory_space<vmem_shared>>, %arg9: memref<!tpu.dma_semaphore, #tpu.memory_space<semaphore_mem>>, %arg10: memref<!tpu.dma_semaphore, #tpu.memory_space<semaphore_mem>>) attributes {dimension_semantics = [#tpu.dimension_semantics<core_parallel>, #tpu.dimension_semantics<subcore_parallel>], iteration_bounds = array<i64: 2, 16>, scalar_prefetch = 0 : i64, scratch_operands = 6 : i64, tpu.core_type = #tpu.core_type<sc_vector_subcore>, window_params = [{transform_indices = #map}, {transform_indices = #map1}, {transform_indices = #map}]} {
    %mul3A = arith.constant 2 : i32
    %mul3A_0 = arith.muli %arg1, %mul3A : i32
    %add3A = arith.addi %mul3A_0, %arg0 : i32
    %mul3A_1 = arith.constant 10000 : i32
    %mul3A_2 = arith.muli %add3A, %mul3A_1 : i32
    "tpu.region"() ({
      %run_scoped3A = tpu.sem_alloc : memref<!tpu.dma_semaphore, #tpu.memory_space<semaphore_mem>>
      %dma_start3A_32 = arith.constant 0 : i32
      %dma_start3A_33 = arith.constant 0 : i32
      %dma_start3A_34 = tpu.memref_slice %arg3[%add3A, %dma_start3A_32, %dma_start3A_33] : memref<32x125x80xi32, #tpu.memory_space<hbm>> -> memref<1x125x80xi32, #tpu.memory_space<hbm>>
      %dma_start3A_35 = tpu.memref_squeeze %dma_start3A_34 : memref<1x125x80xi32, #tpu.memory_space<hbm>> -> memref<125x80xi32, #tpu.memory_space<hbm>>
      %dma_start3A_36 = arith.constant 0 : i32
      %dma_start3A_37 = arith.constant 0 : i32
      %dma_start3A_38 = tpu.memref_slice %arg3[%add3A, %dma_start3A_36, %dma_start3A_37] : memref<32x125x80xi32, #tpu.memory_space<hbm>> -> memref<1x125x80xi32, #tpu.memory_space<hbm>>
      %dma_start3A_39 = tpu.memref_squeeze %dma_start3A_38 : memref<1x125x80xi32, #tpu.memory_space<hbm>> -> memref<125x80xi32, #tpu.memory_space<hbm>>
      tpu.enqueue_dma source(%dma_start3A_39 : memref<125x80xi32, #tpu.memory_space<hbm>>) target(%arg5 : memref<125x80xi32, #tpu.memory_space<vmem>>) target_semaphore(%run_scoped3A : memref<!tpu.dma_semaphore, #tpu.memory_space<semaphore_mem>>)
      %dma_wait3A_40 = arith.constant 0 : i32
      %dma_wait3A_41 = arith.constant 0 : i32
      %dma_wait3A_42 = tpu.memref_slice %arg3[%add3A, %dma_wait3A_40, %dma_wait3A_41] : memref<32x125x80xi32, #tpu.memory_space<hbm>> -> memref<1x125x80xi32, #tpu.memory_space<hbm>>
      %dma_wait3A_43 = tpu.memref_squeeze %dma_wait3A_42 : memref<1x125x80xi32, #tpu.memory_space<hbm>> -> memref<125x80xi32, #tpu.memory_space<hbm>>
      %dma_wait3A_44 = arith.constant 0 : i32
      %dma_wait3A_45 = arith.constant 0 : i32
      %dma_wait3A_46 = tpu.memref_slice %arg3[%add3A, %dma_wait3A_44, %dma_wait3A_45] : memref<32x125x80xi32, #tpu.memory_space<hbm>> -> memref<1x125x80xi32, #tpu.memory_space<hbm>>
      %dma_wait3A_47 = tpu.memref_squeeze %dma_wait3A_46 : memref<1x125x80xi32, #tpu.memory_space<hbm>> -> memref<125x80xi32, #tpu.memory_space<hbm>>
      tpu.wait_dma2 semaphore(%run_scoped3A : memref<!tpu.dma_semaphore, #tpu.memory_space<semaphore_mem>>) src(%dma_wait3A_47 : memref<125x80xi32, #tpu.memory_space<hbm>>) dst(%arg5 : memref<125x80xi32, #tpu.memory_space<vmem>>)
      tpu.yield
    }) : () -> ()
    %eq3A = arith.constant 0 : i32
    %eq3A_3 = arith.cmpi eq, %arg1, %eq3A : i32
    %convert_element_type3A = arith.extui %eq3A_3 : i1 to i32
    %cond3A = arith.constant 0 : i32
    %cond3A_4 = arith.cmpi ne, %convert_element_type3A, %cond3A : i32
    scf.if %cond3A_4 {
      "tpu.region"() ({
        %run_scoped3A = tpu.sem_alloc : memref<!tpu.dma_semaphore, #tpu.memory_space<semaphore_mem>>
        tpu.enqueue_dma source(%arg2 : memref<10000x128xf32, #tpu.memory_space<hbm>>) target(%arg8 : memref<10000x128xf32, #tpu.memory_space<vmem_shared>>) target_semaphore(%run_scoped3A : memref<!tpu.dma_semaphore, #tpu.memory_space<semaphore_mem>>)
        tpu.wait_dma2 semaphore(%run_scoped3A : memref<!tpu.dma_semaphore, #tpu.memory_space<semaphore_mem>>) src(%arg2 : memref<10000x128xf32, #tpu.memory_space<hbm>>) dst(%arg8 : memref<10000x128xf32, #tpu.memory_space<vmem_shared>>)
        tpu.yield
      }) : () -> ()
    } else {
    }
    %barrier3A = arith.constant 0 : index
    tpu.barrier barrier_id(%barrier3A)
    %scan3A = arith.constant 0 : i32
    %scan3A_5 = arith.constant 0 : i32
    %scan3A_6 = arith.constant 62 : i32
    %scan3A_7 = arith.addi %scan3A_5, %scan3A_6 : i32
    %scan3A_8 = arith.constant 1 : i32
    scf.for %scan3A_32 = %scan3A_5 to %scan3A_7 step %scan3A_8  : i32 {
      %mul3A_33 = arith.constant 2 : i32
      %mul3A_34 = arith.muli %mul3A_33, %scan3A_32 : i32
      %dma_start3A_35 = arith.constant 0 : i32
      %dma_start3A_36 = tpu.memref_slice %arg5[%mul3A_34, %dma_start3A_35] : memref<125x80xi32, #tpu.memory_space<vmem>> -> memref<1x80xi32, #tpu.memory_space<vmem>>
      %dma_start3A_37 = tpu.memref_squeeze %dma_start3A_36 : memref<1x80xi32, #tpu.memory_space<vmem>> -> memref<80xi32, #tpu.memory_space<vmem>>
      %dma_start3A_38 = arith.constant 0 : i32
      %dma_start3A_39 = arith.constant 0 : i32
      %dma_start3A_40 = tpu.memref_slice %arg8[%dma_start3A_38, %dma_start3A_39] : memref<10000x128xf32, #tpu.memory_space<vmem_shared>> -> memref<10000x128xf32, #tpu.memory_space<vmem_shared>>
      tpu.enqueue_indirect_dma source(%dma_start3A_40 : memref<10000x128xf32, #tpu.memory_space<vmem_shared>>) target(%arg6 : memref<80x128xf32, #tpu.memory_space<vmem>>) offsets(%dma_start3A_37 : memref<80xi32, #tpu.memory_space<vmem>>) semaphore(%arg9 : memref<!tpu.dma_semaphore, #tpu.memory_space<semaphore_mem>>)
      %mul3A_41 = arith.constant 2 : i32
      %mul3A_42 = arith.muli %mul3A_41, %scan3A_32 : i32
      %add3A_43 = arith.constant 1 : i32
      %add3A_44 = arith.addi %mul3A_42, %add3A_43 : i32
      %dma_start3A_45 = arith.constant 0 : i32
      %dma_start3A_46 = tpu.memref_slice %arg5[%add3A_44, %dma_start3A_45] : memref<125x80xi32, #tpu.memory_space<vmem>> -> memref<1x80xi32, #tpu.memory_space<vmem>>
      %dma_start3A_47 = tpu.memref_squeeze %dma_start3A_46 : memref<1x80xi32, #tpu.memory_space<vmem>> -> memref<80xi32, #tpu.memory_space<vmem>>
      %dma_start3A_48 = arith.constant 0 : i32
      %dma_start3A_49 = arith.constant 0 : i32
      %dma_start3A_50 = tpu.memref_slice %arg8[%dma_start3A_48, %dma_start3A_49] : memref<10000x128xf32, #tpu.memory_space<vmem_shared>> -> memref<10000x128xf32, #tpu.memory_space<vmem_shared>>
      tpu.enqueue_indirect_dma source(%dma_start3A_50 : memref<10000x128xf32, #tpu.memory_space<vmem_shared>>) target(%arg7 : memref<80x128xf32, #tpu.memory_space<vmem>>) offsets(%dma_start3A_47 : memref<80xi32, #tpu.memory_space<vmem>>) semaphore(%arg9 : memref<!tpu.dma_semaphore, #tpu.memory_space<semaphore_mem>>)
      %dma_wait3A_51 = arith.constant 0 : i32
      %dma_wait3A_52 = tpu.memref_slice %arg5[%mul3A_34, %dma_wait3A_51] : memref<125x80xi32, #tpu.memory_space<vmem>> -> memref<1x80xi32, #tpu.memory_space<vmem>>
      %dma_wait3A_53 = tpu.memref_squeeze %dma_wait3A_52 : memref<1x80xi32, #tpu.memory_space<vmem>> -> memref<80xi32, #tpu.memory_space<vmem>>
      %dma_wait3A_54 = arith.constant 0 : i32
      %dma_wait3A_55 = arith.constant 0 : i32
      %dma_wait3A_56 = tpu.memref_slice %arg8[%dma_wait3A_54, %dma_wait3A_55] : memref<10000x128xf32, #tpu.memory_space<vmem_shared>> -> memref<10000x128xf32, #tpu.memory_space<vmem_shared>>
      tpu.wait_indirect_dma semaphore(%arg9 : memref<!tpu.dma_semaphore, #tpu.memory_space<semaphore_mem>>) src(%dma_wait3A_56 : memref<10000x128xf32, #tpu.memory_space<vmem_shared>>) dst(%arg6 : memref<80x128xf32, #tpu.memory_space<vmem>>)
      %mul3A_57 = arith.constant 2 : i32
      %mul3A_58 = arith.muli %mul3A_57, %scan3A_32 : i32
      %mul3A_59 = arith.constant 80 : i32
      %mul3A_60 = arith.muli %mul3A_58, %mul3A_59 : i32
      %add3A_61 = arith.addi %mul3A_2, %mul3A_60 : i32
      %dma_start3A_62 = arith.constant 0 : i32
      %dma_start3A_63 = tpu.memref_slice %arg4[%add3A_61, %dma_start3A_62] : memref<320000x128xf32, #tpu.memory_space<hbm>> -> memref<80x128xf32, #tpu.memory_space<hbm>>
      %dma_start3A_64 = arith.constant 0 : i32
      %dma_start3A_65 = tpu.memref_slice %arg4[%add3A_61, %dma_start3A_64] : memref<320000x128xf32, #tpu.memory_space<hbm>> -> memref<80x128xf32, #tpu.memory_space<hbm>>
      tpu.enqueue_dma source(%arg6 : memref<80x128xf32, #tpu.memory_space<vmem>>) target(%dma_start3A_65 : memref<80x128xf32, #tpu.memory_space<hbm>>) target_semaphore(%arg10 : memref<!tpu.dma_semaphore, #tpu.memory_space<semaphore_mem>>)
      %dma_wait3A_66 = arith.constant 0 : i32
      %dma_wait3A_67 = tpu.memref_slice %arg5[%add3A_44, %dma_wait3A_66] : memref<125x80xi32, #tpu.memory_space<vmem>> -> memref<1x80xi32, #tpu.memory_space<vmem>>
      %dma_wait3A_68 = tpu.memref_squeeze %dma_wait3A_67 : memref<1x80xi32, #tpu.memory_space<vmem>> -> memref<80xi32, #tpu.memory_space<vmem>>
      %dma_wait3A_69 = arith.constant 0 : i32
      %dma_wait3A_70 = arith.constant 0 : i32
      %dma_wait3A_71 = tpu.memref_slice %arg8[%dma_wait3A_69, %dma_wait3A_70] : memref<10000x128xf32, #tpu.memory_space<vmem_shared>> -> memref<10000x128xf32, #tpu.memory_space<vmem_shared>>
      tpu.wait_indirect_dma semaphore(%arg9 : memref<!tpu.dma_semaphore, #tpu.memory_space<semaphore_mem>>) src(%dma_wait3A_71 : memref<10000x128xf32, #tpu.memory_space<vmem_shared>>) dst(%arg7 : memref<80x128xf32, #tpu.memory_space<vmem>>)
      %mul3A_72 = arith.constant 2 : i32
      %mul3A_73 = arith.muli %mul3A_72, %scan3A_32 : i32
      %add3A_74 = arith.constant 1 : i32
      %add3A_75 = arith.addi %mul3A_73, %add3A_74 : i32
      %mul3A_76 = arith.constant 80 : i32
      %mul3A_77 = arith.muli %add3A_75, %mul3A_76 : i32
      %add3A_78 = arith.addi %mul3A_2, %mul3A_77 : i32
      %dma_start3A_79 = arith.constant 0 : i32
      %dma_start3A_80 = tpu.memref_slice %arg4[%add3A_78, %dma_start3A_79] : memref<320000x128xf32, #tpu.memory_space<hbm>> -> memref<80x128xf32, #tpu.memory_space<hbm>>
      %dma_start3A_81 = arith.constant 0 : i32
      %dma_start3A_82 = tpu.memref_slice %arg4[%add3A_78, %dma_start3A_81] : memref<320000x128xf32, #tpu.memory_space<hbm>> -> memref<80x128xf32, #tpu.memory_space<hbm>>
      tpu.enqueue_dma source(%arg7 : memref<80x128xf32, #tpu.memory_space<vmem>>) target(%dma_start3A_82 : memref<80x128xf32, #tpu.memory_space<hbm>>) target_semaphore(%arg10 : memref<!tpu.dma_semaphore, #tpu.memory_space<semaphore_mem>>)
      %dma_wait3A_83 = arith.constant 0 : i32
      %dma_wait3A_84 = tpu.memref_slice %arg4[%add3A_61, %dma_wait3A_83] : memref<320000x128xf32, #tpu.memory_space<hbm>> -> memref<80x128xf32, #tpu.memory_space<hbm>>
      %dma_wait3A_85 = arith.constant 0 : i32
      %dma_wait3A_86 = tpu.memref_slice %arg4[%add3A_61, %dma_wait3A_85] : memref<320000x128xf32, #tpu.memory_space<hbm>> -> memref<80x128xf32, #tpu.memory_space<hbm>>
      tpu.wait_dma2 semaphore(%arg10 : memref<!tpu.dma_semaphore, #tpu.memory_space<semaphore_mem>>) src(%arg6 : memref<80x128xf32, #tpu.memory_space<vmem>>) dst(%dma_wait3A_86 : memref<80x128xf32, #tpu.memory_space<hbm>>)
      %dma_wait3A_87 = arith.constant 0 : i32
      %dma_wait3A_88 = tpu.memref_slice %arg4[%add3A_78, %dma_wait3A_87] : memref<320000x128xf32, #tpu.memory_space<hbm>> -> memref<80x128xf32, #tpu.memory_space<hbm>>
      %dma_wait3A_89 = arith.constant 0 : i32
      %dma_wait3A_90 = tpu.memref_slice %arg4[%add3A_78, %dma_wait3A_89] : memref<320000x128xf32, #tpu.memory_space<hbm>> -> memref<80x128xf32, #tpu.memory_space<hbm>>
      tpu.wait_dma2 semaphore(%arg10 : memref<!tpu.dma_semaphore, #tpu.memory_space<semaphore_mem>>) src(%arg7 : memref<80x128xf32, #tpu.memory_space<vmem>>) dst(%dma_wait3A_90 : memref<80x128xf32, #tpu.memory_space<hbm>>)
    }
    %scan3A_9 = arith.constant 62 : i32
    %dma_start3A = arith.constant 124 : i32
    %dma_start3A_10 = arith.constant 0 : i32
    %dma_start3A_11 = tpu.memref_slice %arg5[%dma_start3A, %dma_start3A_10] : memref<125x80xi32, #tpu.memory_space<vmem>> -> memref<1x80xi32, #tpu.memory_space<vmem>>
    %dma_start3A_12 = tpu.memref_squeeze %dma_start3A_11 : memref<1x80xi32, #tpu.memory_space<vmem>> -> memref<80xi32, #tpu.memory_space<vmem>>
    %dma_start3A_13 = arith.constant 0 : i32
    %dma_start3A_14 = arith.constant 0 : i32
    %dma_start3A_15 = tpu.memref_slice %arg8[%dma_start3A_13, %dma_start3A_14] : memref<10000x128xf32, #tpu.memory_space<vmem_shared>> -> memref<10000x128xf32, #tpu.memory_space<vmem_shared>>
    tpu.enqueue_indirect_dma source(%dma_start3A_15 : memref<10000x128xf32, #tpu.memory_space<vmem_shared>>) target(%arg6 : memref<80x128xf32, #tpu.memory_space<vmem>>) offsets(%dma_start3A_12 : memref<80xi32, #tpu.memory_space<vmem>>) semaphore(%arg9 : memref<!tpu.dma_semaphore, #tpu.memory_space<semaphore_mem>>)
    %dma_wait3A = arith.constant 124 : i32
    %dma_wait3A_16 = arith.constant 0 : i32
    %dma_wait3A_17 = tpu.memref_slice %arg5[%dma_wait3A, %dma_wait3A_16] : memref<125x80xi32, #tpu.memory_space<vmem>> -> memref<1x80xi32, #tpu.memory_space<vmem>>
    %dma_wait3A_18 = tpu.memref_squeeze %dma_wait3A_17 : memref<1x80xi32, #tpu.memory_space<vmem>> -> memref<80xi32, #tpu.memory_space<vmem>>
    %dma_wait3A_19 = arith.constant 0 : i32
    %dma_wait3A_20 = arith.constant 0 : i32
    %dma_wait3A_21 = tpu.memref_slice %arg8[%dma_wait3A_19, %dma_wait3A_20] : memref<10000x128xf32, #tpu.memory_space<vmem_shared>> -> memref<10000x128xf32, #tpu.memory_space<vmem_shared>>
    tpu.wait_indirect_dma semaphore(%arg9 : memref<!tpu.dma_semaphore, #tpu.memory_space<semaphore_mem>>) src(%dma_wait3A_21 : memref<10000x128xf32, #tpu.memory_space<vmem_shared>>) dst(%arg6 : memref<80x128xf32, #tpu.memory_space<vmem>>)
    %add3A_22 = arith.constant 9920 : i32
    %add3A_23 = arith.addi %mul3A_2, %add3A_22 : i32
    %dma_start3A_24 = arith.constant 0 : i32
    %dma_start3A_25 = tpu.memref_slice %arg4[%add3A_23, %dma_start3A_24] : memref<320000x128xf32, #tpu.memory_space<hbm>> -> memref<80x128xf32, #tpu.memory_space<hbm>>
    %dma_start3A_26 = arith.constant 0 : i32
    %dma_start3A_27 = tpu.memref_slice %arg4[%add3A_23, %dma_start3A_26] : memref<320000x128xf32, #tpu.memory_space<hbm>> -> memref<80x128xf32, #tpu.memory_space<hbm>>
    tpu.enqueue_dma source(%arg6 : memref<80x128xf32, #tpu.memory_space<vmem>>) target(%dma_start3A_27 : memref<80x128xf32, #tpu.memory_space<hbm>>) target_semaphore(%arg10 : memref<!tpu.dma_semaphore, #tpu.memory_space<semaphore_mem>>)
    %dma_wait3A_28 = arith.constant 0 : i32
    %dma_wait3A_29 = tpu.memref_slice %arg4[%add3A_23, %dma_wait3A_28] : memref<320000x128xf32, #tpu.memory_space<hbm>> -> memref<80x128xf32, #tpu.memory_space<hbm>>
    %dma_wait3A_30 = arith.constant 0 : i32
    %dma_wait3A_31 = tpu.memref_slice %arg4[%add3A_23, %dma_wait3A_30] : memref<320000x128xf32, #tpu.memory_space<hbm>> -> memref<80x128xf32, #tpu.memory_space<hbm>>
    tpu.wait_dma2 semaphore(%arg10 : memref<!tpu.dma_semaphore, #tpu.memory_space<semaphore_mem>>) src(%arg6 : memref<80x128xf32, #tpu.memory_space<vmem>>) dst(%dma_wait3A_31 : memref<80x128xf32, #tpu.memory_space<hbm>>)
    return
  }
}

#map = affine_map<(d0, d1) -> (0, 0)>
#map1 = affine_map<(d0, d1) -> (0, 0, 0)>
module attributes {stable_mosaic.version = 14 : i64} {
  func.func @k(%arg0: i32, %arg1: i32, %arg2: memref<320000x128xf32, #tpu.memory_space<hbm>>, %arg3: memref<32x250x40xi32, #tpu.memory_space<hbm>>, %arg4: memref<10000x128xf32, #tpu.memory_space<hbm>>, %arg5: memref<2x10000x128xf32, #tpu.memory_space<hbm>>, %arg6: memref<250x40xi32, #tpu.memory_space<vmem>>, %arg7: memref<40x128xf32, #tpu.memory_space<vmem>>, %arg8: memref<40x128xf32, #tpu.memory_space<vmem>>, %arg9: memref<10000x128xf32, #tpu.memory_space<vmem_shared>>, %arg10: memref<!tpu.dma_semaphore, #tpu.memory_space<semaphore_mem>>, %arg11: memref<!tpu.dma_semaphore, #tpu.memory_space<semaphore_mem>>) attributes {dimension_semantics = [#tpu.dimension_semantics<core_parallel>, #tpu.dimension_semantics<subcore_parallel>], iteration_bounds = array<i64: 2, 16>, scalar_prefetch = 0 : i64, scratch_operands = 6 : i64, tpu.core_type = #tpu.core_type<sc_vector_subcore>, window_params = [{transform_indices = #map}, {transform_indices = #map1}, {transform_indices = #map}, {transform_indices = #map1}]} {
    %mul3A = arith.constant 2 : i32
    %mul3A_0 = arith.muli %arg1, %mul3A : i32
    %add3A = arith.addi %mul3A_0, %arg0 : i32
    %mul3A_1 = arith.constant 10000 : i32
    %mul3A_2 = arith.muli %add3A, %mul3A_1 : i32
    "tpu.region"() ({
      %run_scoped3A = tpu.sem_alloc : memref<!tpu.dma_semaphore, #tpu.memory_space<semaphore_mem>>
      %dma_start3A = arith.constant 0 : i32
      %dma_start3A_15 = arith.constant 0 : i32
      %dma_start3A_16 = tpu.memref_slice %arg3[%add3A, %dma_start3A, %dma_start3A_15] : memref<32x250x40xi32, #tpu.memory_space<hbm>> -> memref<1x250x40xi32, #tpu.memory_space<hbm>>
      %dma_start3A_17 = tpu.memref_squeeze %dma_start3A_16 : memref<1x250x40xi32, #tpu.memory_space<hbm>> -> memref<250x40xi32, #tpu.memory_space<hbm>>
      %dma_start3A_18 = arith.constant 0 : i32
      %dma_start3A_19 = arith.constant 0 : i32
      %dma_start3A_20 = tpu.memref_slice %arg3[%add3A, %dma_start3A_18, %dma_start3A_19] : memref<32x250x40xi32, #tpu.memory_space<hbm>> -> memref<1x250x40xi32, #tpu.memory_space<hbm>>
      %dma_start3A_21 = tpu.memref_squeeze %dma_start3A_20 : memref<1x250x40xi32, #tpu.memory_space<hbm>> -> memref<250x40xi32, #tpu.memory_space<hbm>>
      tpu.enqueue_dma source(%dma_start3A_21 : memref<250x40xi32, #tpu.memory_space<hbm>>) target(%arg6 : memref<250x40xi32, #tpu.memory_space<vmem>>) target_semaphore(%run_scoped3A : memref<!tpu.dma_semaphore, #tpu.memory_space<semaphore_mem>>)
      %dma_wait3A = arith.constant 0 : i32
      %dma_wait3A_22 = arith.constant 0 : i32
      %dma_wait3A_23 = tpu.memref_slice %arg3[%add3A, %dma_wait3A, %dma_wait3A_22] : memref<32x250x40xi32, #tpu.memory_space<hbm>> -> memref<1x250x40xi32, #tpu.memory_space<hbm>>
      %dma_wait3A_24 = tpu.memref_squeeze %dma_wait3A_23 : memref<1x250x40xi32, #tpu.memory_space<hbm>> -> memref<250x40xi32, #tpu.memory_space<hbm>>
      %dma_wait3A_25 = arith.constant 0 : i32
      %dma_wait3A_26 = arith.constant 0 : i32
      %dma_wait3A_27 = tpu.memref_slice %arg3[%add3A, %dma_wait3A_25, %dma_wait3A_26] : memref<32x250x40xi32, #tpu.memory_space<hbm>> -> memref<1x250x40xi32, #tpu.memory_space<hbm>>
      %dma_wait3A_28 = tpu.memref_squeeze %dma_wait3A_27 : memref<1x250x40xi32, #tpu.memory_space<hbm>> -> memref<250x40xi32, #tpu.memory_space<hbm>>
      tpu.wait_dma2 semaphore(%run_scoped3A : memref<!tpu.dma_semaphore, #tpu.memory_space<semaphore_mem>>) src(%dma_wait3A_28 : memref<250x40xi32, #tpu.memory_space<hbm>>) dst(%arg6 : memref<250x40xi32, #tpu.memory_space<vmem>>)
      tpu.yield
    }) : () -> ()
    %eq3A = arith.constant 0 : i32
    %eq3A_3 = arith.cmpi eq, %arg1, %eq3A : i32
    %convert_element_type3A = arith.extui %eq3A_3 : i1 to i32
    %cond3A = arith.constant 0 : i32
    %cond3A_4 = arith.cmpi ne, %convert_element_type3A, %cond3A : i32
    scf.if %cond3A_4 {
      "tpu.region"() ({
        %run_scoped3A = tpu.sem_alloc : memref<!tpu.dma_semaphore, #tpu.memory_space<semaphore_mem>>
        tpu.enqueue_dma source(%arg4 : memref<10000x128xf32, #tpu.memory_space<hbm>>) target(%arg9 : memref<10000x128xf32, #tpu.memory_space<vmem_shared>>) target_semaphore(%run_scoped3A : memref<!tpu.dma_semaphore, #tpu.memory_space<semaphore_mem>>)
        tpu.wait_dma2 semaphore(%run_scoped3A : memref<!tpu.dma_semaphore, #tpu.memory_space<semaphore_mem>>) src(%arg4 : memref<10000x128xf32, #tpu.memory_space<hbm>>) dst(%arg9 : memref<10000x128xf32, #tpu.memory_space<vmem_shared>>)
        tpu.yield
      }) : () -> ()
    } else {
    }
    %barrier3A = arith.constant 0 : index
    tpu.barrier barrier_id(%barrier3A)
    %scan3A = arith.constant 0 : i32
    %scan3A_5 = arith.constant 0 : i32
    %scan3A_6 = arith.constant 125 : i32
    %scan3A_7 = arith.addi %scan3A_5, %scan3A_6 : i32
    %scan3A_8 = arith.constant 1 : i32
    scf.for %scan3A_15 = %scan3A_5 to %scan3A_7 step %scan3A_8  : i32 {
      %mul3A_16 = arith.constant 2 : i32
      %mul3A_17 = arith.muli %mul3A_16, %scan3A_15 : i32
      %mul3A_18 = arith.constant 40 : i32
      %mul3A_19 = arith.muli %mul3A_17, %mul3A_18 : i32
      %add3A_20 = arith.addi %mul3A_2, %mul3A_19 : i32
      %dma_start3A = arith.constant 0 : i32
      %dma_start3A_21 = tpu.memref_slice %arg2[%add3A_20, %dma_start3A] : memref<320000x128xf32, #tpu.memory_space<hbm>> -> memref<40x128xf32, #tpu.memory_space<hbm>>
      %dma_start3A_22 = arith.constant 0 : i32
      %dma_start3A_23 = tpu.memref_slice %arg2[%add3A_20, %dma_start3A_22] : memref<320000x128xf32, #tpu.memory_space<hbm>> -> memref<40x128xf32, #tpu.memory_space<hbm>>
      tpu.enqueue_dma source(%dma_start3A_23 : memref<40x128xf32, #tpu.memory_space<hbm>>) target(%arg7 : memref<40x128xf32, #tpu.memory_space<vmem>>) target_semaphore(%arg10 : memref<!tpu.dma_semaphore, #tpu.memory_space<semaphore_mem>>)
      %mul3A_24 = arith.constant 2 : i32
      %mul3A_25 = arith.muli %mul3A_24, %scan3A_15 : i32
      %add3A_26 = arith.constant 1 : i32
      %add3A_27 = arith.addi %mul3A_25, %add3A_26 : i32
      %mul3A_28 = arith.constant 40 : i32
      %mul3A_29 = arith.muli %add3A_27, %mul3A_28 : i32
      %add3A_30 = arith.addi %mul3A_2, %mul3A_29 : i32
      %dma_start3A_31 = arith.constant 0 : i32
      %dma_start3A_32 = tpu.memref_slice %arg2[%add3A_30, %dma_start3A_31] : memref<320000x128xf32, #tpu.memory_space<hbm>> -> memref<40x128xf32, #tpu.memory_space<hbm>>
      %dma_start3A_33 = arith.constant 0 : i32
      %dma_start3A_34 = tpu.memref_slice %arg2[%add3A_30, %dma_start3A_33] : memref<320000x128xf32, #tpu.memory_space<hbm>> -> memref<40x128xf32, #tpu.memory_space<hbm>>
      tpu.enqueue_dma source(%dma_start3A_34 : memref<40x128xf32, #tpu.memory_space<hbm>>) target(%arg8 : memref<40x128xf32, #tpu.memory_space<vmem>>) target_semaphore(%arg10 : memref<!tpu.dma_semaphore, #tpu.memory_space<semaphore_mem>>)
      %dma_wait3A = arith.constant 0 : i32
      %dma_wait3A_35 = tpu.memref_slice %arg2[%add3A_20, %dma_wait3A] : memref<320000x128xf32, #tpu.memory_space<hbm>> -> memref<40x128xf32, #tpu.memory_space<hbm>>
      %dma_wait3A_36 = arith.constant 0 : i32
      %dma_wait3A_37 = tpu.memref_slice %arg2[%add3A_20, %dma_wait3A_36] : memref<320000x128xf32, #tpu.memory_space<hbm>> -> memref<40x128xf32, #tpu.memory_space<hbm>>
      tpu.wait_dma2 semaphore(%arg10 : memref<!tpu.dma_semaphore, #tpu.memory_space<semaphore_mem>>) src(%dma_wait3A_37 : memref<40x128xf32, #tpu.memory_space<hbm>>) dst(%arg7 : memref<40x128xf32, #tpu.memory_space<vmem>>)
      %mul3A_38 = arith.constant 2 : i32
      %mul3A_39 = arith.muli %mul3A_38, %scan3A_15 : i32
      %dma_start3A_40 = arith.constant 0 : i32
      %dma_start3A_41 = tpu.memref_slice %arg6[%mul3A_39, %dma_start3A_40] : memref<250x40xi32, #tpu.memory_space<vmem>> -> memref<1x40xi32, #tpu.memory_space<vmem>>
      %dma_start3A_42 = tpu.memref_squeeze %dma_start3A_41 : memref<1x40xi32, #tpu.memory_space<vmem>> -> memref<40xi32, #tpu.memory_space<vmem>>
      %dma_start3A_43 = arith.constant 0 : i32
      %dma_start3A_44 = arith.constant 0 : i32
      %dma_start3A_45 = tpu.memref_slice %arg9[%dma_start3A_43, %dma_start3A_44] : memref<10000x128xf32, #tpu.memory_space<vmem_shared>> -> memref<10000x128xf32, #tpu.memory_space<vmem_shared>>
      tpu.enqueue_indirect_dma source(%arg7 : memref<40x128xf32, #tpu.memory_space<vmem>>) target(%dma_start3A_45 : memref<10000x128xf32, #tpu.memory_space<vmem_shared>>) offsets(%dma_start3A_42 : memref<40xi32, #tpu.memory_space<vmem>>) semaphore(%arg11 : memref<!tpu.dma_semaphore, #tpu.memory_space<semaphore_mem>>) {add = true}
      %dma_wait3A_46 = arith.constant 0 : i32
      %dma_wait3A_47 = tpu.memref_slice %arg2[%add3A_30, %dma_wait3A_46] : memref<320000x128xf32, #tpu.memory_space<hbm>> -> memref<40x128xf32, #tpu.memory_space<hbm>>
      %dma_wait3A_48 = arith.constant 0 : i32
      %dma_wait3A_49 = tpu.memref_slice %arg2[%add3A_30, %dma_wait3A_48] : memref<320000x128xf32, #tpu.memory_space<hbm>> -> memref<40x128xf32, #tpu.memory_space<hbm>>
      tpu.wait_dma2 semaphore(%arg10 : memref<!tpu.dma_semaphore, #tpu.memory_space<semaphore_mem>>) src(%dma_wait3A_49 : memref<40x128xf32, #tpu.memory_space<hbm>>) dst(%arg8 : memref<40x128xf32, #tpu.memory_space<vmem>>)
      %mul3A_50 = arith.constant 2 : i32
      %mul3A_51 = arith.muli %mul3A_50, %scan3A_15 : i32
      %add3A_52 = arith.constant 1 : i32
      %add3A_53 = arith.addi %mul3A_51, %add3A_52 : i32
      %dma_start3A_54 = arith.constant 0 : i32
      %dma_start3A_55 = tpu.memref_slice %arg6[%add3A_53, %dma_start3A_54] : memref<250x40xi32, #tpu.memory_space<vmem>> -> memref<1x40xi32, #tpu.memory_space<vmem>>
      %dma_start3A_56 = tpu.memref_squeeze %dma_start3A_55 : memref<1x40xi32, #tpu.memory_space<vmem>> -> memref<40xi32, #tpu.memory_space<vmem>>
      %dma_start3A_57 = arith.constant 0 : i32
      %dma_start3A_58 = arith.constant 0 : i32
      %dma_start3A_59 = tpu.memref_slice %arg9[%dma_start3A_57, %dma_start3A_58] : memref<10000x128xf32, #tpu.memory_space<vmem_shared>> -> memref<10000x128xf32, #tpu.memory_space<vmem_shared>>
      tpu.enqueue_indirect_dma source(%arg8 : memref<40x128xf32, #tpu.memory_space<vmem>>) target(%dma_start3A_59 : memref<10000x128xf32, #tpu.memory_space<vmem_shared>>) offsets(%dma_start3A_56 : memref<40xi32, #tpu.memory_space<vmem>>) semaphore(%arg11 : memref<!tpu.dma_semaphore, #tpu.memory_space<semaphore_mem>>) {add = true}
      %dma_wait3A_60 = arith.constant 0 : i32
      %dma_wait3A_61 = tpu.memref_slice %arg6[%mul3A_39, %dma_wait3A_60] : memref<250x40xi32, #tpu.memory_space<vmem>> -> memref<1x40xi32, #tpu.memory_space<vmem>>
      %dma_wait3A_62 = tpu.memref_squeeze %dma_wait3A_61 : memref<1x40xi32, #tpu.memory_space<vmem>> -> memref<40xi32, #tpu.memory_space<vmem>>
      %dma_wait3A_63 = arith.constant 0 : i32
      %dma_wait3A_64 = arith.constant 0 : i32
      %dma_wait3A_65 = tpu.memref_slice %arg9[%dma_wait3A_63, %dma_wait3A_64] : memref<10000x128xf32, #tpu.memory_space<vmem_shared>> -> memref<10000x128xf32, #tpu.memory_space<vmem_shared>>
      tpu.wait_indirect_dma semaphore(%arg11 : memref<!tpu.dma_semaphore, #tpu.memory_space<semaphore_mem>>) src(%arg7 : memref<40x128xf32, #tpu.memory_space<vmem>>) dst(%dma_wait3A_65 : memref<10000x128xf32, #tpu.memory_space<vmem_shared>>)
      %dma_wait3A_66 = arith.constant 0 : i32
      %dma_wait3A_67 = tpu.memref_slice %arg6[%add3A_53, %dma_wait3A_66] : memref<250x40xi32, #tpu.memory_space<vmem>> -> memref<1x40xi32, #tpu.memory_space<vmem>>
      %dma_wait3A_68 = tpu.memref_squeeze %dma_wait3A_67 : memref<1x40xi32, #tpu.memory_space<vmem>> -> memref<40xi32, #tpu.memory_space<vmem>>
      %dma_wait3A_69 = arith.constant 0 : i32
      %dma_wait3A_70 = arith.constant 0 : i32
      %dma_wait3A_71 = tpu.memref_slice %arg9[%dma_wait3A_69, %dma_wait3A_70] : memref<10000x128xf32, #tpu.memory_space<vmem_shared>> -> memref<10000x128xf32, #tpu.memory_space<vmem_shared>>
      tpu.wait_indirect_dma semaphore(%arg11 : memref<!tpu.dma_semaphore, #tpu.memory_space<semaphore_mem>>) src(%arg8 : memref<40x128xf32, #tpu.memory_space<vmem>>) dst(%dma_wait3A_71 : memref<10000x128xf32, #tpu.memory_space<vmem_shared>>)
    }
    %scan3A_9 = arith.constant 125 : i32
    %barrier3A_10 = arith.constant 0 : index
    tpu.barrier barrier_id(%barrier3A_10)
    %lt3A = arith.constant 10 : i32
    %lt3A_11 = arith.cmpi slt, %arg1, %lt3A : i32
    %convert_element_type3A_12 = arith.extui %lt3A_11 : i1 to i32
    %cond3A_13 = arith.constant 0 : i32
    %cond3A_14 = arith.cmpi ne, %convert_element_type3A_12, %cond3A_13 : i32
    scf.if %cond3A_14 {
      %mul3A_15 = arith.constant 1000 : i32
      %mul3A_16 = arith.muli %arg1, %mul3A_15 : i32
      %mul3A_17 = arith.constant 1000 : i32
      %mul3A_18 = arith.muli %arg1, %mul3A_17 : i32
      "tpu.region"() ({
        %run_scoped3A = tpu.sem_alloc : memref<!tpu.dma_semaphore, #tpu.memory_space<semaphore_mem>>
        %dma_start3A = arith.constant 0 : i32
        %dma_start3A_19 = tpu.memref_slice %arg5[%arg0, %mul3A_18, %dma_start3A] : memref<2x10000x128xf32, #tpu.memory_space<hbm>> -> memref<1x1000x128xf32, #tpu.memory_space<hbm>>
        %dma_start3A_20 = tpu.memref_squeeze %dma_start3A_19 : memref<1x1000x128xf32, #tpu.memory_space<hbm>> -> memref<1000x128xf32, #tpu.memory_space<hbm>>
        %dma_start3A_21 = arith.constant 0 : i32
        %dma_start3A_22 = tpu.memref_slice %arg9[%mul3A_16, %dma_start3A_21] : memref<10000x128xf32, #tpu.memory_space<vmem_shared>> -> memref<1000x128xf32, #tpu.memory_space<vmem_shared>>
        tpu.enqueue_dma source(%dma_start3A_22 : memref<1000x128xf32, #tpu.memory_space<vmem_shared>>) target(%dma_start3A_20 : memref<1000x128xf32, #tpu.memory_space<hbm>>) target_semaphore(%run_scoped3A : memref<!tpu.dma_semaphore, #tpu.memory_space<semaphore_mem>>)
        %dma_wait3A = arith.constant 0 : i32
        %dma_wait3A_23 = tpu.memref_slice %arg5[%arg0, %mul3A_18, %dma_wait3A] : memref<2x10000x128xf32, #tpu.memory_space<hbm>> -> memref<1x1000x128xf32, #tpu.memory_space<hbm>>
        %dma_wait3A_24 = tpu.memref_squeeze %dma_wait3A_23 : memref<1x1000x128xf32, #tpu.memory_space<hbm>> -> memref<1000x128xf32, #tpu.memory_space<hbm>>
        %dma_wait3A_25 = arith.constant 0 : i32
        %dma_wait3A_26 = tpu.memref_slice %arg9[%mul3A_16, %dma_wait3A_25] : memref<10000x128xf32, #tpu.memory_space<vmem_shared>> -> memref<1000x128xf32, #tpu.memory_space<vmem_shared>>
        tpu.wait_dma2 semaphore(%run_scoped3A : memref<!tpu.dma_semaphore, #tpu.memory_space<semaphore_mem>>) src(%dma_wait3A_26 : memref<1000x128xf32, #tpu.memory_space<vmem_shared>>) dst(%dma_wait3A_24 : memref<1000x128xf32, #tpu.memory_space<hbm>>)
        tpu.yield
      }) : () -> ()
    } else {
    }
    return
  }
}

module attributes {stable_mosaic.version = 14 : i64} {
  func.func @_mm_body(%arg0: i32, %arg1: memref<1000x128xf32, #tpu.memory_space<vmem>>, %arg2: memref<128x128xf32, #tpu.memory_space<vmem>>, %arg3: memref<1000x128xf32, #tpu.memory_space<vmem>>) attributes {dimension_semantics = [#tpu.dimension_semantics<arbitrary>], iteration_bounds = array<i64: 10>, scalar_prefetch = 0 : i64, scratch_operands = 0 : i64, tpu.core_type = #tpu.core_type<tc>, window_params = [{transform_indices = @transform_0, window_bounds = array<i64: 1000, 128>}, {pipeline_mode = #tpu.pipeline_mode<synchronous>, transform_indices = @transform_1, window_bounds = array<i64: 128, 128>}, {transform_indices = @transform_2, window_bounds = array<i64: 1000, 128>}]} {
    %get3A = arith.constant 0 : index
    %get3A_0 = arith.constant 0 : index
    %get3A_1 = vector.load %arg1[%get3A, %get3A_0] : memref<1000x128xf32, #tpu.memory_space<vmem>>, vector<1000x128xf32>
    %get3A_2 = arith.constant 0 : index
    %get3A_3 = arith.constant 0 : index
    %get3A_4 = vector.load %arg2[%get3A_2, %get3A_3] : memref<128x128xf32, #tpu.memory_space<vmem>>, vector<128x128xf32>
    %dot_general3A = arith.constant dense<0.000000e+00> : vector<1000x128xf32>
    %dot_general3A_5 = tpu.matmul %get3A_1, %get3A_4, %dot_general3A {dimension_numbers = #tpu.dot_dimension_numbers<[1], [0], [0], [1], [0, 0, 1, 1], [], []>, transpose_lhs_hint = false} : vector<1000x128xf32>, vector<128x128xf32>, vector<1000x128xf32> -> vector<1000x128xf32>
    %swap3A = arith.constant 0 : index
    %swap3A_6 = arith.constant 0 : index
    %swap3A_7 = vector.load %arg3[%swap3A, %swap3A_6] : memref<1000x128xf32, #tpu.memory_space<vmem>>, vector<1000x128xf32>
    tpu.vector_store %arg3[%swap3A, %swap3A_6], %dot_general3A_5 {strides = array<i32>} : memref<1000x128xf32, #tpu.memory_space<vmem>>, vector<1000x128xf32>,
    return
  }
  func.func @transform_0(%arg0: i32) -> (i32, i32) {
    %c0_i32 = arith.constant 0 : i32
    %c0_i32_0 = arith.constant 0 : i32
    return %arg0, %c0_i32 : i32, i32
  }
  func.func @transform_1(%arg0: i32) -> (i32, i32) {
    %c0_i32 = arith.constant 0 : i32
    %c0_i32_0 = arith.constant 0 : i32
    %c0_i32_1 = arith.constant 0 : i32
    return %c0_i32, %c0_i32_0 : i32, i32
  }
  func.func @transform_2(%arg0: i32) -> (i32, i32) {
    %c0_i32 = arith.constant 0 : i32
    %c0_i32_0 = arith.constant 0 : i32
    return %arg0, %c0_i32 : i32, i32
  }
}

module attributes {stable_mosaic.version = 14 : i64} {
  func.func @_k1_body(%arg0: i32, %arg1: memref<2000x128xf32, #tpu.memory_space<vmem>>, %arg2: memref<2000x16xf32, #tpu.memory_space<vmem>>, %arg3: memref<16x128xf32, #tpu.memory_space<vmem>>, %arg4: memref<128x128xf32, #tpu.memory_space<vmem>>, %arg5: memref<2000x128xf32, #tpu.memory_space<vmem>>, %arg6: memref<2000x128xf32, #tpu.memory_space<vmem>>) attributes {dimension_semantics = [#tpu.dimension_semantics<arbitrary>], iteration_bounds = array<i64: 160>, scalar_prefetch = 0 : i64, scratch_operands = 0 : i64, tpu.core_type = #tpu.core_type<tc>, window_params = [{transform_indices = @transform_0, window_bounds = array<i64: 2000, 128>}, {transform_indices = @transform_1, window_bounds = array<i64: 2000, 16>}, {pipeline_mode = #tpu.pipeline_mode<synchronous>, transform_indices = @transform_2, window_bounds = array<i64: 16, 128>}, {pipeline_mode = #tpu.pipeline_mode<synchronous>, transform_indices = @transform_3, window_bounds = array<i64: 128, 128>}, {transform_indices = @transform_4, window_bounds = array<i64: 2000, 128>}, {transform_indices = @transform_5, window_bounds = array<i64: 2000, 128>}]} {
    %get3A = arith.constant 0 : index
    %get3A_0 = arith.constant 0 : index
    %get3A_1 = vector.load %arg1[%get3A, %get3A_0] : memref<2000x128xf32, #tpu.memory_space<vmem>>, vector<2000x128xf32>
    %get3A_2 = arith.constant 0 : index
    %get3A_3 = arith.constant 0 : index
    %get3A_4 = vector.load %arg2[%get3A_2, %get3A_3] : memref<2000x16xf32, #tpu.memory_space<vmem>>, vector<2000x16xf32>
    %get3A_5 = arith.constant 0 : index
    %get3A_6 = arith.constant 0 : index
    %get3A_7 = vector.load %arg3[%get3A_5, %get3A_6] : memref<16x128xf32, #tpu.memory_space<vmem>>, vector<16x128xf32>
    %dot_general3A = arith.constant dense<0.000000e+00> : vector<2000x128xf32>
    %dot_general3A_8 = tpu.matmul %get3A_4, %get3A_7, %dot_general3A {dimension_numbers = #tpu.dot_dimension_numbers<[1], [0], [0], [1], [0, 0, 1, 1], [], []>, transpose_lhs_hint = false} : vector<2000x16xf32>, vector<16x128xf32>, vector<2000x128xf32> -> vector<2000x128xf32>
    %add3A = arith.addf %get3A_1, %dot_general3A_8 : vector<2000x128xf32>
    %max3A = arith.constant 0.000000e+00 : f32
    %max3A_9 = vector.broadcast %max3A : f32 to vector<2000x128xf32>
    %max3A_10 = arith.maximumf %add3A, %max3A_9 : vector<2000x128xf32>
    %swap3A = arith.constant 0 : index
    %swap3A_11 = arith.constant 0 : index
    %swap3A_12 = vector.load %arg5[%swap3A, %swap3A_11] : memref<2000x128xf32, #tpu.memory_space<vmem>>, vector<2000x128xf32>
    tpu.vector_store %arg5[%swap3A, %swap3A_11], %max3A_10 {strides = array<i32>} : memref<2000x128xf32, #tpu.memory_space<vmem>>, vector<2000x128xf32>,
    %get3A_13 = arith.constant 0 : index
    %get3A_14 = arith.constant 0 : index
    %get3A_15 = vector.load %arg4[%get3A_13, %get3A_14] : memref<128x128xf32, #tpu.memory_space<vmem>>, vector<128x128xf32>
    %dot_general3A_16 = arith.constant dense<0.000000e+00> : vector<2000x128xf32>
    %dot_general3A_17 = tpu.matmul %max3A_10, %get3A_15, %dot_general3A_16 {dimension_numbers = #tpu.dot_dimension_numbers<[1], [0], [0], [1], [0, 0, 1, 1], [], []>, transpose_lhs_hint = false} : vector<2000x128xf32>, vector<128x128xf32>, vector<2000x128xf32> -> vector<2000x128xf32>
    %swap3A_18 = arith.constant 0 : index
    %swap3A_19 = arith.constant 0 : index
    %swap3A_20 = vector.load %arg6[%swap3A_18, %swap3A_19] : memref<2000x128xf32, #tpu.memory_space<vmem>>, vector<2000x128xf32>
    tpu.vector_store %arg6[%swap3A_18, %swap3A_19], %dot_general3A_17 {strides = array<i32>} : memref<2000x128xf32, #tpu.memory_space<vmem>>, vector<2000x128xf32>,
    return
  }
  func.func @transform_0(%arg0: i32) -> (i32, i32) {
    %c0_i32 = arith.constant 0 : i32
    %c0_i32_0 = arith.constant 0 : i32
    return %arg0, %c0_i32 : i32, i32
  }
  func.func @transform_1(%arg0: i32) -> (i32, i32) {
    %c0_i32 = arith.constant 0 : i32
    %c0_i32_0 = arith.constant 0 : i32
    return %arg0, %c0_i32 : i32, i32
  }
  func.func @transform_2(%arg0: i32) -> (i32, i32) {
    %c0_i32 = arith.constant 0 : i32
    %c0_i32_0 = arith.constant 0 : i32
    %c0_i32_1 = arith.constant 0 : i32
    return %c0_i32, %c0_i32_0 : i32, i32
  }
  func.func @transform_3(%arg0: i32) -> (i32, i32) {
    %c0_i32 = arith.constant 0 : i32
    %c0_i32_0 = arith.constant 0 : i32
    %c0_i32_1 = arith.constant 0 : i32
    return %c0_i32, %c0_i32_0 : i32, i32
  }
  func.func @transform_4(%arg0: i32) -> (i32, i32) {
    %c0_i32 = arith.constant 0 : i32
    %c0_i32_0 = arith.constant 0 : i32
    return %arg0, %c0_i32 : i32, i32
  }
  func.func @transform_5(%arg0: i32) -> (i32, i32) {
    %c0_i32 = arith.constant 0 : i32
    %c0_i32_0 = arith.constant 0 : i32
    return %arg0, %c0_i32 : i32, i32
  }
}

module attributes {stable_mosaic.version = 14 : i64} {
  func.func @_add_body(%arg0: i32, %arg1: memref<1x1000x128xf32, #tpu.memory_space<vmem>>, %arg2: memref<1x1000x128xf32, #tpu.memory_space<vmem>>, %arg3: memref<1000x128xf32, #tpu.memory_space<vmem>>) attributes {dimension_semantics = [#tpu.dimension_semantics<arbitrary>], iteration_bounds = array<i64: 10>, scalar_prefetch = 0 : i64, scratch_operands = 0 : i64, tpu.core_type = #tpu.core_type<tc>, window_params = [{transform_indices = @transform_0, window_bounds = array<i64: 1, 1000, 128>}, {transform_indices = @transform_1, window_bounds = array<i64: 1, 1000, 128>}, {transform_indices = @transform_2, window_bounds = array<i64: 1000, 128>}]} {
    %get3A = arith.constant 0 : index
    %get3A_0 = arith.constant 0 : index
    %get3A_1 = arith.constant 0 : index
    %get3A_2 = vector.load %arg1[%get3A, %get3A_0, %get3A_1] : memref<1x1000x128xf32, #tpu.memory_space<vmem>>, vector<1x1000x128xf32>
    %get3A_3 = vector.shape_cast %get3A_2 : vector<1x1000x128xf32> to vector<1000x128xf32>
    %get3A_4 = arith.constant 0 : index
    %get3A_5 = arith.constant 0 : index
    %get3A_6 = arith.constant 0 : index
    %get3A_7 = vector.load %arg2[%get3A_4, %get3A_5, %get3A_6] : memref<1x1000x128xf32, #tpu.memory_space<vmem>>, vector<1x1000x128xf32>
    %get3A_8 = vector.shape_cast %get3A_7 : vector<1x1000x128xf32> to vector<1000x128xf32>
    %add3A = arith.addf %get3A_3, %get3A_8 : vector<1000x128xf32>
    %swap3A = arith.constant 0 : index
    %swap3A_9 = arith.constant 0 : index
    %swap3A_10 = vector.load %arg3[%swap3A, %swap3A_9] : memref<1000x128xf32, #tpu.memory_space<vmem>>, vector<1000x128xf32>
    tpu.vector_store %arg3[%swap3A, %swap3A_9], %add3A {strides = array<i32>} : memref<1000x128xf32, #tpu.memory_space<vmem>>, vector<1000x128xf32>,
    return
  }
  func.func @transform_0(%arg0: i32) -> (i32, i32, i32) {
    %c0_i32 = arith.constant 0 : i32
    %c0_i32_0 = arith.constant 0 : i32
    %c0_i32_1 = arith.constant 0 : i32
    return %c0_i32, %arg0, %c0_i32_0 : i32, i32, i32
  }
  func.func @transform_1(%arg0: i32) -> (i32, i32, i32) {
    %c1_i32 = arith.constant 1 : i32
    %c0_i32 = arith.constant 0 : i32
    %c0_i32_0 = arith.constant 0 : i32
    return %c1_i32, %arg0, %c0_i32 : i32, i32, i32
  }
  func.func @transform_2(%arg0: i32) -> (i32, i32) {
    %c0_i32 = arith.constant 0 : i32
    %c0_i32_0 = arith.constant 0 : i32
    return %arg0, %c0_i32 : i32, i32
  }
}

module attributes {stable_mosaic.version = 14 : i64} {
  func.func @_k2_body(%arg0: i32, %arg1: memref<2000x128xf32, #tpu.memory_space<vmem>>, %arg2: memref<2000x128xf32, #tpu.memory_space<vmem>>, %arg3: memref<2000x128xf32, #tpu.memory_space<vmem>>, %arg4: memref<128x128xf32, #tpu.memory_space<vmem>>, %arg5: memref<2000x128xf32, #tpu.memory_space<vmem>>) attributes {dimension_semantics = [#tpu.dimension_semantics<arbitrary>], iteration_bounds = array<i64: 160>, scalar_prefetch = 0 : i64, scratch_operands = 0 : i64, tpu.core_type = #tpu.core_type<tc>, window_params = [{transform_indices = @transform_0, window_bounds = array<i64: 2000, 128>}, {transform_indices = @transform_1, window_bounds = array<i64: 2000, 128>}, {transform_indices = @transform_2, window_bounds = array<i64: 2000, 128>}, {pipeline_mode = #tpu.pipeline_mode<synchronous>, transform_indices = @transform_3, window_bounds = array<i64: 128, 128>}, {transform_indices = @transform_4, window_bounds = array<i64: 2000, 128>}]} {
    %get3A = arith.constant 0 : index
    %get3A_0 = arith.constant 0 : index
    %get3A_1 = vector.load %arg1[%get3A, %get3A_0] : memref<2000x128xf32, #tpu.memory_space<vmem>>, vector<2000x128xf32>
    %get3A_2 = arith.constant 0 : index
    %get3A_3 = arith.constant 0 : index
    %get3A_4 = vector.load %arg2[%get3A_2, %get3A_3] : memref<2000x128xf32, #tpu.memory_space<vmem>>, vector<2000x128xf32>
    %add3A = arith.addf %get3A_1, %get3A_4 : vector<2000x128xf32>
    %get3A_5 = arith.constant 0 : index
    %get3A_6 = arith.constant 0 : index
    %get3A_7 = vector.load %arg3[%get3A_5, %get3A_6] : memref<2000x128xf32, #tpu.memory_space<vmem>>, vector<2000x128xf32>
    %roll3A = arith.constant 1999 : i32
    %roll3A_8 = tpu.dynamic_rotate %get3A_7 by %roll3A dim 0 : vector<2000x128xf32>, i32 -> vector<2000x128xf32>
    %roll3A_9 = arith.constant 1 : i32
    %roll3A_10 = tpu.dynamic_rotate %get3A_7 by %roll3A_9 dim 0 : vector<2000x128xf32>, i32 -> vector<2000x128xf32>
    %iota3A = tpu.iota {dimensions = array<i32: 0>} : vector<2000x128xi32>
    %and3A = arith.constant 1 : i32
    %and3A_11 = vector.broadcast %and3A : i32 to vector<2000x128xi32>
    %and3A_12 = arith.andi %iota3A, %and3A_11 : vector<2000x128xi32>
    %eq3A = arith.constant 0 : i32
    %eq3A_13 = vector.broadcast %eq3A : i32 to vector<2000x128xi32>
    %eq3A_14 = arith.cmpi eq, %and3A_12, %eq3A_13 : vector<2000x128xi32>
    %select_n3A = arith.select %eq3A_14, %roll3A_8, %roll3A_10 : vector<2000x128xi1>, vector<2000x128xf32>
    %sub3A = arith.subf %add3A, %select_n3A : vector<2000x128xf32>
    %max3A = arith.constant 0.000000e+00 : f32
    %max3A_15 = vector.broadcast %max3A : f32 to vector<2000x128xf32>
    %max3A_16 = arith.maximumf %sub3A, %max3A_15 : vector<2000x128xf32>
    %get3A_17 = arith.constant 0 : index
    %get3A_18 = arith.constant 0 : index
    %get3A_19 = vector.load %arg4[%get3A_17, %get3A_18] : memref<128x128xf32, #tpu.memory_space<vmem>>, vector<128x128xf32>
    %dot_general3A = arith.constant dense<0.000000e+00> : vector<2000x128xf32>
    %dot_general3A_20 = tpu.matmul %max3A_16, %get3A_19, %dot_general3A {dimension_numbers = #tpu.dot_dimension_numbers<[1], [0], [0], [1], [0, 0, 1, 1], [], []>, transpose_lhs_hint = false} : vector<2000x128xf32>, vector<128x128xf32>, vector<2000x128xf32> -> vector<2000x128xf32>
    %swap3A = arith.constant 0 : index
    %swap3A_21 = arith.constant 0 : index
    %swap3A_22 = vector.load %arg5[%swap3A, %swap3A_21] : memref<2000x128xf32, #tpu.memory_space<vmem>>, vector<2000x128xf32>
    tpu.vector_store %arg5[%swap3A, %swap3A_21], %dot_general3A_20 {strides = array<i32>} : memref<2000x128xf32, #tpu.memory_space<vmem>>, vector<2000x128xf32>,
    return
  }
  func.func @transform_0(%arg0: i32) -> (i32, i32) {
    %c0_i32 = arith.constant 0 : i32
    %c0_i32_0 = arith.constant 0 : i32
    return %arg0, %c0_i32 : i32, i32
  }
  func.func @transform_1(%arg0: i32) -> (i32, i32) {
    %c0_i32 = arith.constant 0 : i32
    %c0_i32_0 = arith.constant 0 : i32
    return %arg0, %c0_i32 : i32, i32
  }
  func.func @transform_2(%arg0: i32) -> (i32, i32) {
    %c0_i32 = arith.constant 0 : i32
    %c0_i32_0 = arith.constant 0 : i32
    return %arg0, %c0_i32 : i32, i32
  }
  func.func @transform_3(%arg0: i32) -> (i32, i32) {
    %c0_i32 = arith.constant 0 : i32
    %c0_i32_0 = arith.constant 0 : i32
    %c0_i32_1 = arith.constant 0 : i32
    return %c0_i32, %c0_i32_0 : i32, i32
  }
  func.func @transform_4(%arg0: i32) -> (i32, i32) {
    %c0_i32 = arith.constant 0 : i32
    %c0_i32_0 = arith.constant 0 : i32
    return %arg0, %c0_i32 : i32, i32
  }
}

module attributes {stable_mosaic.version = 14 : i64} {
  func.func @_k3_body(%arg0: i32, %arg1: memref<2000x128xf32, #tpu.memory_space<vmem>>, %arg2: memref<2000x128xf32, #tpu.memory_space<vmem>>, %arg3: memref<2000x128xf32, #tpu.memory_space<vmem>>, %arg4: memref<2000x128xf32, #tpu.memory_space<vmem>>) attributes {dimension_semantics = [#tpu.dimension_semantics<arbitrary>], iteration_bounds = array<i64: 160>, scalar_prefetch = 0 : i64, scratch_operands = 0 : i64, tpu.core_type = #tpu.core_type<tc>, window_params = [{transform_indices = @transform_0, window_bounds = array<i64: 2000, 128>}, {transform_indices = @transform_1, window_bounds = array<i64: 2000, 128>}, {transform_indices = @transform_2, window_bounds = array<i64: 2000, 128>}, {transform_indices = @transform_3, window_bounds = array<i64: 2000, 128>}]} {
    %get3A = arith.constant 0 : index
    %get3A_0 = arith.constant 0 : index
    %get3A_1 = vector.load %arg1[%get3A, %get3A_0] : memref<2000x128xf32, #tpu.memory_space<vmem>>, vector<2000x128xf32>
    %get3A_2 = arith.constant 0 : index
    %get3A_3 = arith.constant 0 : index
    %get3A_4 = vector.load %arg2[%get3A_2, %get3A_3] : memref<2000x128xf32, #tpu.memory_space<vmem>>, vector<2000x128xf32>
    %add3A = arith.addf %get3A_1, %get3A_4 : vector<2000x128xf32>
    %get3A_5 = arith.constant 0 : index
    %get3A_6 = arith.constant 0 : index
    %get3A_7 = vector.load %arg3[%get3A_5, %get3A_6] : memref<2000x128xf32, #tpu.memory_space<vmem>>, vector<2000x128xf32>
    %roll3A = arith.constant 1999 : i32
    %roll3A_8 = tpu.dynamic_rotate %get3A_7 by %roll3A dim 0 : vector<2000x128xf32>, i32 -> vector<2000x128xf32>
    %roll3A_9 = arith.constant 1 : i32
    %roll3A_10 = tpu.dynamic_rotate %get3A_7 by %roll3A_9 dim 0 : vector<2000x128xf32>, i32 -> vector<2000x128xf32>
    %iota3A = tpu.iota {dimensions = array<i32: 0>} : vector<2000x128xi32>
    %and3A = arith.constant 1 : i32
    %and3A_11 = vector.broadcast %and3A : i32 to vector<2000x128xi32>
    %and3A_12 = arith.andi %iota3A, %and3A_11 : vector<2000x128xi32>
    %eq3A = arith.constant 0 : i32
    %eq3A_13 = vector.broadcast %eq3A : i32 to vector<2000x128xi32>
    %eq3A_14 = arith.cmpi eq, %and3A_12, %eq3A_13 : vector<2000x128xi32>
    %select_n3A = arith.select %eq3A_14, %roll3A_8, %roll3A_10 : vector<2000x128xi1>, vector<2000x128xf32>
    %sub3A = arith.subf %add3A, %select_n3A : vector<2000x128xf32>
    %max3A = arith.constant 0.000000e+00 : f32
    %max3A_15 = vector.broadcast %max3A : f32 to vector<2000x128xf32>
    %max3A_16 = arith.maximumf %sub3A, %max3A_15 : vector<2000x128xf32>
    %swap3A = arith.constant 0 : index
    %swap3A_17 = arith.constant 0 : index
    %swap3A_18 = vector.load %arg4[%swap3A, %swap3A_17] : memref<2000x128xf32, #tpu.memory_space<vmem>>, vector<2000x128xf32>
    tpu.vector_store %arg4[%swap3A, %swap3A_17], %max3A_16 {strides = array<i32>} : memref<2000x128xf32, #tpu.memory_space<vmem>>, vector<2000x128xf32>,
    return
  }
  func.func @transform_0(%arg0: i32) -> (i32, i32) {
    %c0_i32 = arith.constant 0 : i32
    %c0_i32_0 = arith.constant 0 : i32
    return %arg0, %c0_i32 : i32, i32
  }
  func.func @transform_1(%arg0: i32) -> (i32, i32) {
    %c0_i32 = arith.constant 0 : i32
    %c0_i32_0 = arith.constant 0 : i32
    return %arg0, %c0_i32 : i32, i32
  }
  func.func @transform_2(%arg0: i32) -> (i32, i32) {
    %c0_i32 = arith.constant 0 : i32
    %c0_i32_0 = arith.constant 0 : i32
    return %arg0, %c0_i32 : i32, i32
  }
  func.func @transform_3(%arg0: i32) -> (i32, i32) {
    %c0_i32 = arith.constant 0 : i32
    %c0_i32_0 = arith.constant 0 : i32
    return %arg0, %c0_i32 : i32, i32
  }
}

module attributes {stable_mosaic.version = 14 : i64} {
  func.func @_final_body(%arg0: i32, %arg1: memref<1000x128xf32, #tpu.memory_space<vmem>>, %arg2: memref<1x1000x128xf32, #tpu.memory_space<vmem>>, %arg3: memref<1x1000x128xf32, #tpu.memory_space<vmem>>, %arg4: memref<128x128xf32, #tpu.memory_space<vmem>>, %arg5: memref<128x128xf32, #tpu.memory_space<vmem>>, %arg6: memref<1000x128xf32, #tpu.memory_space<vmem>>) attributes {dimension_semantics = [#tpu.dimension_semantics<arbitrary>], iteration_bounds = array<i64: 10>, scalar_prefetch = 0 : i64, scratch_operands = 0 : i64, tpu.core_type = #tpu.core_type<tc>, window_params = [{transform_indices = @transform_0, window_bounds = array<i64: 1000, 128>}, {transform_indices = @transform_1, window_bounds = array<i64: 1, 1000, 128>}, {transform_indices = @transform_2, window_bounds = array<i64: 1, 1000, 128>}, {pipeline_mode = #tpu.pipeline_mode<synchronous>, transform_indices = @transform_3, window_bounds = array<i64: 128, 128>}, {pipeline_mode = #tpu.pipeline_mode<synchronous>, transform_indices = @transform_4, window_bounds = array<i64: 128, 128>}, {transform_indices = @transform_5, window_bounds = array<i64: 1000, 128>}]} {
    %get3A = arith.constant 0 : index
    %get3A_0 = arith.constant 0 : index
    %get3A_1 = arith.constant 0 : index
    %get3A_2 = vector.load %arg2[%get3A, %get3A_0, %get3A_1] : memref<1x1000x128xf32, #tpu.memory_space<vmem>>, vector<1x1000x128xf32>
    %get3A_3 = vector.shape_cast %get3A_2 : vector<1x1000x128xf32> to vector<1000x128xf32>
    %get3A_4 = arith.constant 0 : index
    %get3A_5 = arith.constant 0 : index
    %get3A_6 = arith.constant 0 : index
    %get3A_7 = vector.load %arg3[%get3A_4, %get3A_5, %get3A_6] : memref<1x1000x128xf32, #tpu.memory_space<vmem>>, vector<1x1000x128xf32>
    %get3A_8 = vector.shape_cast %get3A_7 : vector<1x1000x128xf32> to vector<1000x128xf32>
    %add3A = arith.addf %get3A_3, %get3A_8 : vector<1000x128xf32>
    %get3A_9 = arith.constant 0 : index
    %get3A_10 = arith.constant 0 : index
    %get3A_11 = vector.load %arg1[%get3A_9, %get3A_10] : memref<1000x128xf32, #tpu.memory_space<vmem>>, vector<1000x128xf32>
    %get3A_12 = arith.constant 0 : index
    %get3A_13 = arith.constant 0 : index
    %get3A_14 = vector.load %arg4[%get3A_12, %get3A_13] : memref<128x128xf32, #tpu.memory_space<vmem>>, vector<128x128xf32>
    %dot_general3A = arith.constant dense<0.000000e+00> : vector<1000x128xf32>
    %dot_general3A_15 = tpu.matmul %get3A_11, %get3A_14, %dot_general3A {dimension_numbers = #tpu.dot_dimension_numbers<[1], [0], [0], [1], [0, 0, 1, 1], [], []>, transpose_lhs_hint = false} : vector<1000x128xf32>, vector<128x128xf32>, vector<1000x128xf32> -> vector<1000x128xf32>
    %get3A_16 = arith.constant 0 : index
    %get3A_17 = arith.constant 0 : index
    %get3A_18 = vector.load %arg5[%get3A_16, %get3A_17] : memref<128x128xf32, #tpu.memory_space<vmem>>, vector<128x128xf32>
    %dot_general3A_19 = arith.constant dense<0.000000e+00> : vector<1000x128xf32>
    %dot_general3A_20 = tpu.matmul %add3A, %get3A_18, %dot_general3A_19 {dimension_numbers = #tpu.dot_dimension_numbers<[1], [0], [0], [1], [0, 0, 1, 1], [], []>, transpose_lhs_hint = false} : vector<1000x128xf32>, vector<128x128xf32>, vector<1000x128xf32> -> vector<1000x128xf32>
    %add3A_21 = arith.addf %dot_general3A_15, %dot_general3A_20 : vector<1000x128xf32>
    %max3A = arith.constant 0.000000e+00 : f32
    %max3A_22 = vector.broadcast %max3A : f32 to vector<1000x128xf32>
    %max3A_23 = arith.maximumf %add3A_21, %max3A_22 : vector<1000x128xf32>
    %swap3A = arith.constant 0 : index
    %swap3A_24 = arith.constant 0 : index
    %swap3A_25 = vector.load %arg6[%swap3A, %swap3A_24] : memref<1000x128xf32, #tpu.memory_space<vmem>>, vector<1000x128xf32>
    tpu.vector_store %arg6[%swap3A, %swap3A_24], %max3A_23 {strides = array<i32>} : memref<1000x128xf32, #tpu.memory_space<vmem>>, vector<1000x128xf32>,
    return
  }
  func.func @transform_0(%arg0: i32) -> (i32, i32) {
    %c0_i32 = arith.constant 0 : i32
    %c0_i32_0 = arith.constant 0 : i32
    return %arg0, %c0_i32 : i32, i32
  }
  func.func @transform_1(%arg0: i32) -> (i32, i32, i32) {
    %c0_i32 = arith.constant 0 : i32
    %c0_i32_0 = arith.constant 0 : i32
    %c0_i32_1 = arith.constant 0 : i32
    return %c0_i32, %arg0, %c0_i32_0 : i32, i32, i32
  }
  func.func @transform_2(%arg0: i32) -> (i32, i32, i32) {
    %c1_i32 = arith.constant 1 : i32
    %c0_i32 = arith.constant 0 : i32
    %c0_i32_0 = arith.constant 0 : i32
    return %c1_i32, %arg0, %c0_i32 : i32, i32, i32
  }
  func.func @transform_3(%arg0: i32) -> (i32, i32) {
    %c0_i32 = arith.constant 0 : i32
    %c0_i32_0 = arith.constant 0 : i32
    %c0_i32_1 = arith.constant 0 : i32
    return %c0_i32, %c0_i32_0 : i32, i32
  }
  func.func @transform_4(%arg0: i32) -> (i32, i32) {
    %c0_i32 = arith.constant 0 : i32
    %c0_i32_0 = arith.constant 0 : i32
    %c0_i32_1 = arith.constant 0 : i32
    return %c0_i32, %c0_i32_0 : i32, i32
  }
  func.func @transform_5(%arg0: i32) -> (i32, i32) {
    %c0_i32 = arith.constant 0 : i32
    %c0_i32_0 = arith.constant 0 : i32
    return %arg0, %c0_i32 : i32, i32
  }
}

</mosaic_0001>

<sc_bundles>
// kernel: kernel.15.cloned.1.call-start
scs
__scs_entry_jumppad:
0x0: {  	(pc) =	sbr.rel $0x88, $3  }
0x1: {  	(tag) =	ssettag $0x0;
	lr =	simm.s32 $0x1  }
0x2: {  	[smem:$0x3F9B] =	sst lr;
	_ =	strace $0xD0000000  }
0x3: {  	_ = 	snop  }
0x4: {  	_ = 	snop  }
0x5: {  	_ = 	snop  }
0x6: {  	_ = 	snop  }
0x7: {  	_ = 	snop  }
__scs_overlays_trampoline_lowered:
0x8: {  	[smem:$0x3FAA] =	sst s0  }
0x9: {  	[smem:$0x3FAB] =	sst s1  }
0xa: {  	[smem:$0x3FAC] =	sst s2  }
0xb: {  	[smem:$0x3FAD] =	sst s3  }
0xc: {  	[smem:$0x3FAE] =	sst s4  }
0xd: {  	[smem:$0x3FAF] =	sst s5  }
0xe: {  	[smem:$0x3FB0] =	sst s6  }
0xf: {  	[smem:$0x3FB1] =	sst s7  }
0x10: {  	[smem:$0x3FB2] =	sst s8  }
0x11: {  	[smem:$0x3FB3] =	sst s9;
	s0 =	simm.s32 @!p0 $0x0  }
0x12: {  	s1 =	sld [smem:$0x3F99];
	s0 =	simm.s32 @p0 $0x1  }
0x13: {  	[smem:$0x3FB4] =	sst s0;
	s0 =	simm.s32 @!p1 $0x0  }
0x14: {  	s2 =	sld [smem:$0x3F98];
	s0 =	simm.s32 @p1 $0x1  }
0x15: {  	[smem:$0x3FB5] =	sst s0;
	s0 =	simm.s32 @!p2 $0x0  }
0x16: {  	s3 =	sld [smem:$0x3FDB];
	s0 =	simm.s32 @p2 $0x1  }
0x17: {  	s4 =	simm.s32 $0x1BF5;
	[smem:$0x3FB7] =	sst s0  }
0x18: {  	s0 =	sld [smem:$0x3F9A];
	_ =	swait.ge [sflag:s4], $0x0  }
0x19: {  	s7 =	sld [smem:$0x3F9B]  }
0x1a: {  	s8 =	sadd.s32 $0xFFFFE003, lr  }
0x1b: {  	s9 =	sadd.s32 $0xFFFFFEF7, lr;
	s5 =	simm.s32 $0xFFFFFFFF;
	p2 =	slt.u32 s8, $0xFFFFF086  }
0x1c: {  	p1 =	slt.u32 s9, $0xF7A;
	s5 =	simm.s32 @!p2 $0x0  }
0x1d: {  	s5 =	simm.s32 @p1 $0x1;
	p0 =	seq.s32 s7, s2  }
0x1e: {  	s7 =	smul.u32 @!p0 $0xF7A, s2;
	p2 =	seq.s32 @!p0 s5, $0x0  }
0x1f: {  	s9 =	smul.u32 $0xF7A, s1;
	s8 =	simm.s32 @!p0 $0x1BF5;
	p2 =	por !p2, p0  }
0x20: {  	[sflag:s8] =	ssyncset.s32 @!p0 $0xFFFFF086;
	s6 =	sadd.s32 @!p0 s3, s7;
	s7 =	simm.s32 @!p0 $0x108  }
0x21: {  	s3 =	sadd.s32 s3, s9;
	s6 =	sadd.s32 @!p0 $0x88, s6;
	s7 =	simm.s32 @p2 $0x1082  }
0x22: {  	[simem:s7], [sflag:s8] =	dma.local @!p0 [hbm:s6], $0xF7A  }
0x23: {  	s9 =	sor.u32 $0xD0000000, s2;
	s6 =	simm.s32 $0x108;
	_ =	swait.ge @!p0 [sflag:s8], $0x0  }
0x24: {  	s3 =	sadd.s32 $0x88, s3;
	s6 =	simm.s32 @!p1 $0x1082;
	[sflag:s4] =	ssyncset.s32 $0xFFFFF086  }
0x25: {  	[simem:s6], [sflag:s4] =	dma.local [hbm:s3], $0xF7A  }
0x26: {  	[smem:$0x3F9B] =	sst s1;
	(tag) =	ssettag s2;
	_ =	strace s9  }
0x27: {  	s1 =	sld [smem:$0x3FAB]  }
0x28: {  	s2 =	sld [smem:$0x3FAC]  }
0x29: {  	s4 =	sld [smem:$0x3FAE]  }
0x2a: {  	p0 =	seq.s32 s5, $0x0;
	s5 =	sld [smem:$0x3FAF]  }
0x2b: {  	s6 =	sld [smem:$0x3FB0]  }
0x2c: {  	s7 =	sld [smem:$0x3FB1]  }
0x2d: {  	s3 =	simm.s32 $0x108;
	s8 =	sld [smem:$0x3FB2]  }
0x2e: {  	s3 =	simm.s32 @!p0 $0x1082;
	s9 =	sld [smem:$0x3FB3]  }
0x2f: {  	lr =	sadd.s32 s0, s3;
	s0 =	sld [smem:$0x3FAA]  }
0x30: {  	s3 =	sld [smem:$0x3FAD]  }
0x31: {  	[smem:$0x3FB6] =	sst s10  }
0x32: {  	s10 =	sld [smem:$0x3FB4];
	_ =	sdelay $0x3  }
0x33: {  	p0 =	seq.s32 s10, $0x1;
	s10 =	sld [smem:$0x3FB6];
	_ =	sdelay $0x3  }
0x34: {  	[smem:$0x3FB6] =	sst s10  }
0x35: {  	s10 =	sld [smem:$0x3FB5];
	_ =	sdelay $0x3  }
0x36: {  	p1 =	seq.s32 s10, $0x1;
	s10 =	sld [smem:$0x3FB6];
	_ =	sdelay $0x3  }
0x37: {  	[smem:$0x3FB6] =	sst s10  }
0x38: {  	s10 =	sld [smem:$0x3FB7]  }
0x39: {  	_ = 	snop;
	(pc) =	sbr.ind lr, $3  }
0x3a: {  	_ = 	snop  }
0x3b: {  	_ = 	snop  }
0x3c: {  	p2 =	seq.s32 s10, $0x1;
	s10 =	sld [smem:$0x3FB6]  }
0x3d: {  	_ =	shalt  }
0x3e: {  	_ =	shalt  }
0x3f: {  	_ =	shalt  }
0x40: {  	_ =	shalt  }
0x41: {  	_ =	shalt  }
0x42: {  	_ =	shalt  }
0x43: {  	_ =	shalt  }
0x44: {  	_ =	shalt  }
0x45: {  	_ =	shalt  }
0x46: {  	_ =	shalt  }
0x47: {  	_ =	shalt  }
0x48: {  	_ =	shalt  }
0x49: {  	_ =	shalt  }
0x4a: {  	_ =	shalt  }
0x4b: {  	_ =	shalt  }
0x4c: {  	_ =	shalt  }
0x4d: {  	_ =	shalt  }
0x4e: {  	_ =	shalt  }
0x4f: {  	_ =	shalt  }
0x50: {  	_ =	shalt  }
0x51: {  	_ =	shalt  }
0x52: {  	_ =	shalt  }
0x53: {  	_ =	shalt  }
0x54: {  	_ =	shalt  }
0x55: {  	_ =	shalt  }
0x56: {  	_ =	shalt  }
0x57: {  	_ =	shalt  }
0x58: {  	_ =	shalt  }
0x59: {  	_ =	shalt  }
0x5a: {  	_ =	shalt  }
0x5b: {  	_ =	shalt  }
0x5c: {  	_ =	shalt  }
0x5d: {  	_ =	shalt  }
0x5e: {  	_ =	shalt  }
0x5f: {  	_ =	shalt  }
0x60: {  	_ =	shalt  }
0x61: {  	_ =	shalt  }
0x62: {  	_ =	shalt  }
0x63: {  	_ =	shalt  }
0x64: {  	_ =	shalt  }
0x65: {  	_ =	shalt  }
0x66: {  	_ =	shalt  }
0x67: {  	_ =	shalt  }
0x68: {  	_ =	shalt  }
0x69: {  	_ =	shalt  }
0x6a: {  	_ =	shalt  }
0x6b: {  	_ =	shalt  }
0x6c: {  	_ =	shalt  }
0x6d: {  	_ =	shalt  }
0x6e: {  	_ =	shalt  }
0x6f: {  	_ =	shalt  }
0x70: {  	_ =	shalt  }
0x71: {  	_ =	shalt  }
0x72: {  	_ =	shalt  }
0x73: {  	_ =	shalt  }
0x74: {  	_ =	shalt  }
0x75: {  	_ =	shalt  }
0x76: {  	_ =	shalt  }
0x77: {  	_ =	shalt  }
0x78: {  	_ =	shalt  }
0x79: {  	_ =	shalt  }
0x7a: {  	_ =	shalt  }
0x7b: {  	_ =	shalt  }
0x7c: {  	_ =	shalt  }
0x7d: {  	_ =	shalt  }
0x7e: {  	_ =	shalt  }
0x7f: {  	_ =	shalt  }
0x80: {  	_ =	shalt  }
0x81: {  	_ =	shalt  }
0x82: {  	_ =	shalt  }
0x83: {  	_ =	shalt  }
0x84: {  	_ =	shalt  }
0x85: {  	_ =	shalt  }
0x86: {  	_ =	shalt  }
0x87: {  	_ =	shalt  }
.Lfunc_end0:
.L_simem_size_0:
called_computation_lowered:
.L_overlay_start_0:
0x88: {  	s2 =	sld [smem:$0x3FD9]  }
0x89: {  	s3 =	sld [smem:$0x3FFE];
	_ =	sdelay $0x1  }
0x8a: {  	s1 =	srdreg.scid  }
0x8b: {  	s0 =	sand.u32 $0x1, s1  }
0x8c: {  	s17 =	sshll.u32 s0, $0xA;
	s2 =	sadd.s32 s3, s2  }
0x8d: {  	s2 =	sadd.s32 s2, s17  }
0x8e: {  	[smem:$0x3FC2] =	sst s2  }
0x8f: {  	_ = 	snop  }
0x90: {  	s2 =	sld [smem:$0x3FD0];
	(tm) =	ssettm $0x1  }
0x91: {  	s18 =	sld [smem:$0x3FFB];
	_ =	sdelay $0x3  }
0x92: {  	_ =	strace s18  }
0x93: {  	s3 =	sld [smem:$0x3FFC];
	_ =	sdelay $0x3  }
0x94: {  	_ =	strace s3  }
0x95: {  	s3 =	sld [smem:$0x3FFD];
	_ =	sdelay $0x3  }
0x96: {  	_ =	strace s3  }
0x97: {  	_ =	strace $0x8FFFFFFF  }
0x98: {  	s19 =	sld [smem:$0x3FDB];
	_ =	sdelay $0x1  }
0x99: {  	s4 =	simm.s32 $_scs_section_size  }
0x9a: {  	s5 =	simm.s32 $_size__tile_overlayer_lowered;
	s6 =	simm.s32 $_tile_overlayer_lowered  }
0x9b: {  	s22 =	simm.s32 $0x1BFF;
	s21 =	sshll.u32 s6, $0x1;
	s3 =	sadd.s32 s4, s19  }
0x9c: {  	s7 =	simm.s32 $0x0;
	s20 =	sshll.u32 s5, $0x1;
	s5 =	sadd.s32 s21, s3  }
0x9d: {  	[timem:s7], [sflag:s22] =	dma.local [hbm:s5], s20  }
0x9e: {  	_ =	swait.ge [sflag:s22], s20  }
0x9f: {  	s4 =	ssub.s32 $0x0, s20;
	[sflag:s22] =	ssyncset.done $0x0  }
0xa0: {  	[sflag:s22] =	ssyncadd.s32 s4;
	_ =	sdelay $0x1  }
0xa1: {  	s23 =	simm.s32 $0x1B8B  }
0xa2: {  	_ =	swait.ge [sflag:s23], $0x1  }
0xa3: {  	[sflag:s23] =	ssyncset.done $0x0  }
0xa4: {  	s25 =	simm.s32 $0x1B8E;
	s24 =	sld [smem:$0x3FFE];
	[sflag:s23] =	ssyncadd.s32 $0xFFFFFFFF  }
0xa5: {  	s26 =	simm.s32 $execute0_lowered;
	[smem:$0x3FD2] =	sst s25  }
0xa6: {  	s5 =	sshll.u32 s26, $0x1;
	_ =	strace $0x80000046;
	[dreg:$0x1] =	wrdreg $0xFFFFFFFF  }
0xa7: {  	s28 =	simm.s32 $_size_execute0_lowered;
	s3 =	sadd.s32 s3, s5;
	[dreg:$0x0] =	wrdreg $0x0  }
0xa8: {  	s5 =	sshll.u32 s28, $0x1;
	[dreg:$0x2] =	wrdreg s3  }
0xa9: {  	[dreg:$0x3] =	wrdreg s5  }
0xaa: {  	[dreg:$0x4] =	wrdreg $0xC0  }
0xab: {  	_ =	task [dreg:s7], $0x5FFFF  }
0xac: {  	[dreg:$0x1] =	wrdreg $0xFFFFFFFF  }
0xad: {  	[dreg:$0x0] =	wrdreg $0x60  }
0xae: {  	[dreg:$0x2] =	wrdreg s2  }
0xaf: {  	[dreg:$0x3] =	wrdreg s24  }
0xb0: {  	[dreg:$0x4] =	wrdreg $0x90000  }
0xb1: {  	[dreg:$0x5] =	wrdreg $0x9  }
0xb2: {  	_ =	task.clear_ibuf [dreg:s7], $0x6FFFF;
	_ =	strace $0x90000046  }
0xb3: {  	s29 =	simm.s32 $0x9;
	_ =	strace $0x80000048  }
0xb4: {  	_ =	swait.ge [sflag:s29], $0x1  }
0xb5: {  	[sflag:s29] =	ssyncadd.s32 $0xFFFFFFFF  }
0xb6: {  	_ =	strace $0x90000048  }
0xb7: {  	_ =	sfence  }
0xb8: {  	s30 =	sld [smem:$0x0];
	_ =	sdelay $0x2  }
0xb9: {  	s31 =	sshll.u32 s1, $0xD;
	s1 =	sshrl.u32 s1, $0x2  }
0xba: {  	s3 =	sand.u32 $0x4000, s31;
	s1 =	sadd.s32 s1, s30  }
0xbb: {  	s0 =	sor.u32 s3, s0;
	s1 =	sshll.u32 s1, $0x11  }
0xbc: {  	s0 =	sor.u32 s1, s0  }
0xbd: {  	s0 =	sadd.s32 $0x8F2B, s0  }
0xbe: {  	[sflag:s0] =	ssyncadd.remote.s32 $0x1  }
0xbf: {  	_ =	sfence.sel $0xFFFF  }
0xc0: {  	[dreg:$0x0] =	wrdreg $0xFFFFFFFF;
	(pc) =	sbr.abs _section_cstart, $3  }
0xc1: {  	[dreg:$0x1] =	wrdreg $0xFFFFFFFF  }
0xc2: {  	_ =	task.clear_ibuf [dreg:s7], $0x2FFFF;
	_ =	strace $0x9FFFFFFF  }
0xc3: {  	(tm) =	ssettm $0x7FFFFFFF  }
tec
execute0_lowered:
.L_overlay_start_1:
0x0: {  	(tag) =	ssettag $0x1  }
0x1: {  	s1 =	rddreg [dreg:$0x0]  }
0x2: {  	s4 =	rddreg [dreg:$0x1]  }
0x3: {  	s2 =	rddreg [dreg:$0x2]  }
0x4: {  	s0 =	rddreg [dreg:$0x3];
	s3 =	simm.s32 $0x0  }
0x5: {  	s5 =	srdreg.scid;
	s8 =	stileid.u32;
	s13 =	simm.s32 $0x1  }
0x6: {  	s14 =	simm.s32 $0x2;
	s15 =	simm.s32 $0x3E00;
	s16 =	simm.s32 $0x0  }
0x7: {  	[smem:$0x7FF] =	sst s3;
	s5 =	sand.u32 $0x1, s5;
	s6 =	sshll.u32 s8, $0x1  }
0x8: {  	s9 =	sadd.s32 $0x1CC00, s4;
	s11 =	smul.u32 $0x4E200, s8;
	p0 =	sne.s32 s8, $0x0  }
0x9: {  	s8 =	simm.s32 $0x3;
	_ =	strace $0x80000047;
	s6 =	sor.u32 s5, s6  }
0xa: {  	s30 =	ssub.s32 $0x2, s5;
	s12 =	smul.u32 $0x27100, s5;
	s7 =	sshll.u32 s6, $0xB  }
0xb: {  	s6 =	smul.u32 $0x138800, s6;
	s10 =	sshrl.u32 s30, $0x1;
	s31 =	sadd.s32 s11, s9  }
0xc: {  	s11 =	simm.s32 $0x4000;
	s7 =	sadd.s32 s7, s4;
	s10 =	ssub.s32 s30, s10  }
0xd: {  	s6 =	sshrl.u32 s6, $0x3;
	s4 =	sadd.s32 $0xCC00, s7;
	s7 =	sadd.s32 s12, s31  }
0xe: {  	s12 =	simm.s32 $0x6800;
	s6 =	sadd.s32 s9, s6;
	s9 =	sshrl.u32 @!p0 s2, $0x3  }
0xf: {  	s5 =	sadd.s32 $0x26C00, s6;
	s6 =	smax.u32 s10, $0x1;
	s10 =	simm.s32 $0x50  }
.LBB2_1:
0x10: {  	[tilespmem:s3], [sflag:$0x3] =	stream.linear.gather [hbm4b:s4+s3], $0x3E80, $0x38;
	[tilespmem:$0x1C880] =	vst v63  }
0x11: {  	_ =	swait.ge [sflag:s8], $0x3E80  }
0x12: {  	[sflag:s8] =	ssyncset.done $0x0  }
0x13: {  	s17 =	simm.s32 @!p0 $0x1C03;
	[sflag:s8] =	ssyncadd.s32 $0xFFFFC180  }
0x14: {  	[spmem:s9], [sflag:s17] =	dma.local @!p0 [hbm:s1], $0x27100  }
0x15: {  	s17 =	simm.s32 @!p0 $0x3  }
0x16: {  	_ =	swait.ge @!p0 [sflag:s17], $0x27100  }
0x17: {  	[sflag:s17] =	ssyncset.done @!p0 $0x0  }
0x18: {  	[sflag:s17] =	ssyncadd.s32 @!p0 $0xFFFD8F00  }
0x19: {  	s29 =	simm.s32 $0x0;
	[bflag:$0x0] =	sbarrier.arrive $0xFFFF  }
0x1a: {  	[tilespmem:s11], [sflag:$0x1] =	stream.indirect.gather [spmem:s2], $0x80, s29, s10, $0xb8;
	[tilespmem:$0x1C880] =	vst v63  }
0x1b: {  	s30 =	simm.s32 $0x80  }
0x1c: {  	[tilespmem:s12], [sflag:$0x1] =	stream.indirect.gather [spmem:s2], $0x80, s30, s10, $0xb8;
	[tilespmem:$0x1C880] =	vst v63  }
0x1d: {  	_ =	swait.ge [sflag:s13], $0x2800  }
0x1e: {  	[sflag:s13] =	ssyncset.done $0x0  }
0x1f: {  	[sflag:s13] =	ssyncadd.s32 $0xFFFFD800  }
0x20: {  	[hbm4b:s7+s3] =	stream.linear.scatter [tilespmem:s11], [sflag:$0x2], $0x2800, $0x38;
	[tilespmem:$0x1C880] =	vst v63  }
0x21: {  	_ =	swait.ge [sflag:s13], $0x2800  }
0x22: {  	[sflag:s13] =	ssyncset.done $0x0  }
0x23: {  	s31 =	sadd.s32 $0x500, s7;
	[sflag:s13] =	ssyncadd.s32 $0xFFFFD800  }
0x24: {  	[hbm4b:s31+s3] =	stream.linear.scatter [tilespmem:s12], [sflag:$0x2], $0x2800, $0x38;
	[tilespmem:$0x1C880] =	vst v63  }
0x25: {  	_ =	swait.ge [sflag:s14], $0x2800  }
0x26: {  	[sflag:s14] =	ssyncset.done $0x0  }
0x27: {  	[sflag:s14] =	ssyncadd.s32 $0xFFFFD800  }
0x28: {  	s18 =	simm.s32 $0x400;
	_ =	swait.ge [sflag:s14], $0x2800  }
0x29: {  	s19 =	simm.s32 $0x800;
	s17 =	sadd.s32 $0xA00, s7;
	[sflag:s14] =	ssyncset.done $0x0  }
.LBB2_2:
0x2a: {  	s20 =	sshra.s32 s18, $0x2  }
0x2b: {  	[sflag:s14] =	ssyncadd.s32 $0xFFFFD800;
	s18 =	smov.u32 s19;
	s21 =	sadd.s32 $0x400, s19  }
0x2c: {  	[tilespmem:s11], [sflag:$0x1] =	stream.indirect.gather [spmem:s2], $0x80, s20, s10, $0xb8;
	[tilespmem:$0x1C880] =	vst v63  }
0x2d: {  	p1 =	sne.s32 s19, $0xF400;
	s19 =	sadd.s32 $0x80, s20  }
0x2e: {  	[tilespmem:s12], [sflag:$0x1] =	stream.indirect.gather [spmem:s2], $0x80, s19, s10, $0xb8;
	[tilespmem:$0x1C880] =	vst v63  }
0x2f: {  	_ =	swait.ge [sflag:s13], $0x2800  }
0x30: {  	[sflag:s13] =	ssyncset.done $0x0  }
0x31: {  	[sflag:s13] =	ssyncadd.s32 $0xFFFFD800  }
0x32: {  	[hbm4b:s17+s3] =	stream.linear.scatter [tilespmem:s11], [sflag:$0x2], $0x2800, $0x38;
	[tilespmem:$0x1C880] =	vst v63  }
0x33: {  	_ =	swait.ge [sflag:s13], $0x2800  }
0x34: {  	[sflag:s13] =	ssyncset.done $0x0  }
0x35: {  	s19 =	sadd.s32 $0x500, s17;
	[sflag:s13] =	ssyncadd.s32 $0xFFFFD800  }
0x36: {  	[hbm4b:s19+s3] =	stream.linear.scatter [tilespmem:s12], [sflag:$0x2], $0x2800, $0x38;
	[tilespmem:$0x1C880] =	vst v63  }
.Ltmp0:
0x37: {  	_ =	swait.ge [sflag:s14], $0x2800;
	(pc) =	sbr.rel @p1 .LBB2_2-.Ltmp0, $4  }
0x38: {  	[sflag:s14] =	ssyncset.done $0x0  }
0x39: {  	[sflag:s14] =	ssyncadd.s32 $0xFFFFD800  }
0x3a: {  	_ =	swait.ge [sflag:s14], $0x2800  }
0x3b: {  	s17 =	sadd.s32 $0xA00, s17;
	s19 =	smov.u32 s21;
	[sflag:s14] =	ssyncset.done $0x0  }
0x3c: {  	s18 =	sshra.s32 s18, $0x2;
	[sflag:s14] =	ssyncadd.s32 $0xFFFFD800  }
0x3d: {  	[tilespmem:s11], [sflag:$0x1] =	stream.indirect.gather [spmem:s2], $0x80, s18, s10, $0xb8;
	[tilespmem:$0x1C880] =	vst v63  }
0x3e: {  	s18 =	sadd.s32 $0x80, s18  }
0x3f: {  	[tilespmem:s12], [sflag:$0x1] =	stream.indirect.gather [spmem:s2], $0x80, s18, s10, $0xb8;
	[tilespmem:$0x1C880] =	vst v63  }
0x40: {  	_ =	swait.ge [sflag:s13], $0x2800  }
0x41: {  	[sflag:s13] =	ssyncset.done $0x0  }
0x42: {  	[sflag:s13] =	ssyncadd.s32 $0xFFFFD800  }
0x43: {  	[hbm4b:s17+s3] =	stream.linear.scatter [tilespmem:s11], [sflag:$0x2], $0x2800, $0x38;
	[tilespmem:$0x1C880] =	vst v63  }
0x44: {  	_ =	swait.ge [sflag:s13], $0x2800  }
0x45: {  	[sflag:s13] =	ssyncset.done $0x0  }
0x46: {  	s31 =	sadd.s32 $0x500, s17;
	[sflag:s13] =	ssyncadd.s32 $0xFFFFD800  }
0x47: {  	[hbm4b:s31+s3] =	stream.linear.scatter [tilespmem:s12], [sflag:$0x2], $0x2800, $0x38;
	[tilespmem:$0x1C880] =	vst v63  }
0x48: {  	_ =	swait.ge [sflag:s14], $0x2800  }
0x49: {  	[sflag:s14] =	ssyncset.done $0x0  }
0x4a: {  	[sflag:s14] =	ssyncadd.s32 $0xFFFFD800  }
0x4b: {  	_ =	swait.ge [sflag:s14], $0x2800  }
0x4c: {  	[sflag:s14] =	ssyncset.done $0x0  }
0x4d: {  	[sflag:s14] =	ssyncadd.s32 $0xFFFFD800  }
0x4e: {  	[tilespmem:s11], [sflag:$0x1] =	stream.indirect.gather [spmem:s2], $0x80, s15, s10, $0xb8;
	[tilespmem:$0x1C880] =	vst v63  }
0x4f: {  	s16 =	sadd.s32 $0x1, s16;
	_ =	swait.ge [sflag:s13], $0x2800  }
0x50: {  	p1 =	sne.s32 s16, s6;
	[sflag:s13] =	ssyncset.done $0x0  }
.Ltmp1:
0x51: {  	[sflag:s13] =	ssyncadd.s32 $0xFFFFD800;
	(pc) =	sbr.rel @p1 .LBB2_1-.Ltmp1, $4  }
0x52: {  	[hbm4b:s5+s3] =	stream.linear.scatter [tilespmem:s11], [sflag:$0x2], $0x2800, $0x38;
	[tilespmem:$0x1C880] =	vst v63  }
0x53: {  	_ =	swait.ge [sflag:s14], $0x2800  }
0x54: {  	[sflag:s14] =	ssyncset.done $0x0  }
0x55: {  	[sflag:s14] =	ssyncadd.s32 $0xFFFFD800  }
0x56: {  	_ =	sfence.sel $0x180000  }
0x57: {  	[bflag:$0x0] =	sbarrier.arrive $0xFFFF  }
0x58: {  	_ =	strace $0x90000047  }
0x59: {  	s0 =	sadd.s32 @!p0 $0x100000, s0;
	[bflag:$0x2] =	sbarrier.arrive $0xFFFF  }
0x5a: {  	[sflag:s0] =	ssyncadd.tile.s32 @!p0 $0x1;
	_ =	shalt  }
.Lfunc_end2:
_tile_overlayer_lowered:
.L_overlay_start_2:
0x5b: {  	(tag) =	ssettag $0x2  }
0x5c: {  	s0 =	rddreg [dreg:$0x0];
	s2 =	stileid.u32  }
0x5d: {  	s1 =	rddreg [dreg:$0x1];
	p0 =	sne.s32 s2, $0x0  }
0x5e: {  	s3 =	rddreg [dreg:$0x2];
	[bflag:$0x3] =	sbarrier.arrive $0xFFFF;
	s2 =	simm.s32 @!p0 $0x1C03  }
0x5f: {  	[timem:s3], [sflag:s2] =	dma.local @!p0 [hbm:s0], s1  }
0x60: {  	s0 =	simm.s32 @!p0 $0x3  }
0x61: {  	_ =	swait.ge @!p0 [sflag:s0], s1  }
0x62: {  	s1 =	ssub.s32 @!p0 $0x0, s1;
	[sflag:s0] =	ssyncset.done @!p0 $0x0  }
0x63: {  	[sflag:s0] =	ssyncadd.s32 @!p0 s1  }
0x64: {  	[bflag:$0x3] =	sbarrier.arrive $0xFFFF  }
0x65: {  	_ =	shalt  }

// kernel: kernel.18.cloned.1.call-start
scs
__scs_entry_jumppad:
0x0: {  	(pc) =	sbr.rel $0x88, $3  }
0x1: {  	(tag) =	ssettag $0x0;
	lr =	simm.s32 $0x1  }
0x2: {  	[smem:$0x3F9B] =	sst lr;
	_ =	strace $0xD0000000  }
0x3: {  	_ = 	snop  }
0x4: {  	_ = 	snop  }
0x5: {  	_ = 	snop  }
0x6: {  	_ = 	snop  }
0x7: {  	_ = 	snop  }
__scs_overlays_trampoline_lowered:
0x8: {  	[smem:$0x3FAA] =	sst s0  }
0x9: {  	[smem:$0x3FAB] =	sst s1  }
0xa: {  	[smem:$0x3FAC] =	sst s2  }
0xb: {  	[smem:$0x3FAD] =	sst s3  }
0xc: {  	[smem:$0x3FAE] =	sst s4  }
0xd: {  	[smem:$0x3FAF] =	sst s5  }
0xe: {  	[smem:$0x3FB0] =	sst s6  }
0xf: {  	[smem:$0x3FB1] =	sst s7  }
0x10: {  	[smem:$0x3FB2] =	sst s8  }
0x11: {  	[smem:$0x3FB3] =	sst s9;
	s0 =	simm.s32 @!p0 $0x0  }
0x12: {  	s1 =	sld [smem:$0x3F99];
	s0 =	simm.s32 @p0 $0x1  }
0x13: {  	[smem:$0x3FB4] =	sst s0;
	s0 =	simm.s32 @!p1 $0x0  }
0x14: {  	s2 =	sld [smem:$0x3F98];
	s0 =	simm.s32 @p1 $0x1  }
0x15: {  	[smem:$0x3FB5] =	sst s0;
	s0 =	simm.s32 @!p2 $0x0  }
0x16: {  	s3 =	sld [smem:$0x3FDB];
	s0 =	simm.s32 @p2 $0x1  }
0x17: {  	s4 =	simm.s32 $0x1BF5;
	[smem:$0x3FB7] =	sst s0  }
0x18: {  	s0 =	sld [smem:$0x3F9A];
	_ =	swait.ge [sflag:s4], $0x0  }
0x19: {  	s7 =	sld [smem:$0x3F9B]  }
0x1a: {  	s8 =	sadd.s32 $0xFFFFE003, lr  }
0x1b: {  	s9 =	sadd.s32 $0xFFFFFEF7, lr;
	s5 =	simm.s32 $0xFFFFFFFF;
	p2 =	slt.u32 s8, $0xFFFFF086  }
0x1c: {  	p1 =	slt.u32 s9, $0xF7A;
	s5 =	simm.s32 @!p2 $0x0  }
0x1d: {  	s5 =	simm.s32 @p1 $0x1;
	p0 =	seq.s32 s7, s2  }
0x1e: {  	s7 =	smul.u32 @!p0 $0xF7A, s2;
	p2 =	seq.s32 @!p0 s5, $0x0  }
0x1f: {  	s9 =	smul.u32 $0xF7A, s1;
	s8 =	simm.s32 @!p0 $0x1BF5;
	p2 =	por !p2, p0  }
0x20: {  	[sflag:s8] =	ssyncset.s32 @!p0 $0xFFFFF086;
	s6 =	sadd.s32 @!p0 s3, s7;
	s7 =	simm.s32 @!p0 $0x108  }
0x21: {  	s3 =	sadd.s32 s3, s9;
	s6 =	sadd.s32 @!p0 $0x88, s6;
	s7 =	simm.s32 @p2 $0x1082  }
0x22: {  	[simem:s7], [sflag:s8] =	dma.local @!p0 [hbm:s6], $0xF7A  }
0x23: {  	s9 =	sor.u32 $0xD0000000, s2;
	s6 =	simm.s32 $0x108;
	_ =	swait.ge @!p0 [sflag:s8], $0x0  }
0x24: {  	s3 =	sadd.s32 $0x88, s3;
	s6 =	simm.s32 @!p1 $0x1082;
	[sflag:s4] =	ssyncset.s32 $0xFFFFF086  }
0x25: {  	[simem:s6], [sflag:s4] =	dma.local [hbm:s3], $0xF7A  }
0x26: {  	[smem:$0x3F9B] =	sst s1;
	(tag) =	ssettag s2;
	_ =	strace s9  }
0x27: {  	s1 =	sld [smem:$0x3FAB]  }
0x28: {  	s2 =	sld [smem:$0x3FAC]  }
0x29: {  	s4 =	sld [smem:$0x3FAE]  }
0x2a: {  	p0 =	seq.s32 s5, $0x0;
	s5 =	sld [smem:$0x3FAF]  }
0x2b: {  	s6 =	sld [smem:$0x3FB0]  }
0x2c: {  	s7 =	sld [smem:$0x3FB1]  }
0x2d: {  	s3 =	simm.s32 $0x108;
	s8 =	sld [smem:$0x3FB2]  }
0x2e: {  	s3 =	simm.s32 @!p0 $0x1082;
	s9 =	sld [smem:$0x3FB3]  }
0x2f: {  	lr =	sadd.s32 s0, s3;
	s0 =	sld [smem:$0x3FAA]  }
0x30: {  	s3 =	sld [smem:$0x3FAD]  }
0x31: {  	[smem:$0x3FB6] =	sst s10  }
0x32: {  	s10 =	sld [smem:$0x3FB4];
	_ =	sdelay $0x3  }
0x33: {  	p0 =	seq.s32 s10, $0x1;
	s10 =	sld [smem:$0x3FB6];
	_ =	sdelay $0x3  }
0x34: {  	[smem:$0x3FB6] =	sst s10  }
0x35: {  	s10 =	sld [smem:$0x3FB5];
	_ =	sdelay $0x3  }
0x36: {  	p1 =	seq.s32 s10, $0x1;
	s10 =	sld [smem:$0x3FB6];
	_ =	sdelay $0x3  }
0x37: {  	[smem:$0x3FB6] =	sst s10  }
0x38: {  	s10 =	sld [smem:$0x3FB7]  }
0x39: {  	_ = 	snop;
	(pc) =	sbr.ind lr, $3  }
0x3a: {  	_ = 	snop  }
0x3b: {  	_ = 	snop  }
0x3c: {  	p2 =	seq.s32 s10, $0x1;
	s10 =	sld [smem:$0x3FB6]  }
0x3d: {  	_ =	shalt  }
0x3e: {  	_ =	shalt  }
0x3f: {  	_ =	shalt  }
0x40: {  	_ =	shalt  }
0x41: {  	_ =	shalt  }
0x42: {  	_ =	shalt  }
0x43: {  	_ =	shalt  }
0x44: {  	_ =	shalt  }
0x45: {  	_ =	shalt  }
0x46: {  	_ =	shalt  }
0x47: {  	_ =	shalt  }
0x48: {  	_ =	shalt  }
0x49: {  	_ =	shalt  }
0x4a: {  	_ =	shalt  }
0x4b: {  	_ =	shalt  }
0x4c: {  	_ =	shalt  }
0x4d: {  	_ =	shalt  }
0x4e: {  	_ =	shalt  }
0x4f: {  	_ =	shalt  }
0x50: {  	_ =	shalt  }
0x51: {  	_ =	shalt  }
0x52: {  	_ =	shalt  }
0x53: {  	_ =	shalt  }
0x54: {  	_ =	shalt  }
0x55: {  	_ =	shalt  }
0x56: {  	_ =	shalt  }
0x57: {  	_ =	shalt  }
0x58: {  	_ =	shalt  }
0x59: {  	_ =	shalt  }
0x5a: {  	_ =	shalt  }
0x5b: {  	_ =	shalt  }
0x5c: {  	_ =	shalt  }
0x5d: {  	_ =	shalt  }
0x5e: {  	_ =	shalt  }
0x5f: {  	_ =	shalt  }
0x60: {  	_ =	shalt  }
0x61: {  	_ =	shalt  }
0x62: {  	_ =	shalt  }
0x63: {  	_ =	shalt  }
0x64: {  	_ =	shalt  }
0x65: {  	_ =	shalt  }
0x66: {  	_ =	shalt  }
0x67: {  	_ =	shalt  }
0x68: {  	_ =	shalt  }
0x69: {  	_ =	shalt  }
0x6a: {  	_ =	shalt  }
0x6b: {  	_ =	shalt  }
0x6c: {  	_ =	shalt  }
0x6d: {  	_ =	shalt  }
0x6e: {  	_ =	shalt  }
0x6f: {  	_ =	shalt  }
0x70: {  	_ =	shalt  }
0x71: {  	_ =	shalt  }
0x72: {  	_ =	shalt  }
0x73: {  	_ =	shalt  }
0x74: {  	_ =	shalt  }
0x75: {  	_ =	shalt  }
0x76: {  	_ =	shalt  }
0x77: {  	_ =	shalt  }
0x78: {  	_ =	shalt  }
0x79: {  	_ =	shalt  }
0x7a: {  	_ =	shalt  }
0x7b: {  	_ =	shalt  }
0x7c: {  	_ =	shalt  }
0x7d: {  	_ =	shalt  }
0x7e: {  	_ =	shalt  }
0x7f: {  	_ =	shalt  }
0x80: {  	_ =	shalt  }
0x81: {  	_ =	shalt  }
0x82: {  	_ =	shalt  }
0x83: {  	_ =	shalt  }
0x84: {  	_ =	shalt  }
0x85: {  	_ =	shalt  }
0x86: {  	_ =	shalt  }
0x87: {  	_ =	shalt  }
.Lfunc_end0:
.L_simem_size_0:
called_computation.1_lowered:
.L_overlay_start_0:
0x88: {  	s2 =	sld [smem:$0x3FD9]  }
0x89: {  	s3 =	sld [smem:$0x3FFE];
	_ =	sdelay $0x1  }
0x8a: {  	s1 =	srdreg.scid  }
0x8b: {  	s0 =	sand.u32 $0x1, s1  }
0x8c: {  	s17 =	sshll.u32 s0, $0xA;
	s2 =	sadd.s32 s3, s2  }
0x8d: {  	s2 =	sadd.s32 s2, s17  }
0x8e: {  	[smem:$0x3FC2] =	sst s2  }
0x8f: {  	_ = 	snop  }
0x90: {  	s2 =	sld [smem:$0x3FD0];
	(tm) =	ssettm $0x1  }
0x91: {  	s18 =	sld [smem:$0x3FFB];
	_ =	sdelay $0x3  }
0x92: {  	_ =	strace s18  }
0x93: {  	s3 =	sld [smem:$0x3FFC];
	_ =	sdelay $0x3  }
0x94: {  	_ =	strace s3  }
0x95: {  	s3 =	sld [smem:$0x3FFD];
	_ =	sdelay $0x3  }
0x96: {  	_ =	strace s3  }
0x97: {  	_ =	strace $0x8FFFFFFF  }
0x98: {  	s19 =	sld [smem:$0x3FDB];
	_ =	sdelay $0x1  }
0x99: {  	s4 =	simm.s32 $_scs_section_size  }
0x9a: {  	s5 =	simm.s32 $_size__tile_overlayer_lowered;
	s6 =	simm.s32 $_tile_overlayer_lowered  }
0x9b: {  	s22 =	simm.s32 $0x1BFF;
	s21 =	sshll.u32 s6, $0x1;
	s3 =	sadd.s32 s4, s19  }
0x9c: {  	s7 =	simm.s32 $0x0;
	s20 =	sshll.u32 s5, $0x1;
	s5 =	sadd.s32 s21, s3  }
0x9d: {  	[timem:s7], [sflag:s22] =	dma.local [hbm:s5], s20  }
0x9e: {  	_ =	swait.ge [sflag:s22], s20  }
0x9f: {  	s4 =	ssub.s32 $0x0, s20;
	[sflag:s22] =	ssyncset.done $0x0  }
0xa0: {  	[sflag:s22] =	ssyncadd.s32 s4;
	_ =	sdelay $0x1  }
0xa1: {  	s23 =	simm.s32 $0x1B8B  }
0xa2: {  	_ =	swait.ge [sflag:s23], $0x1  }
0xa3: {  	[sflag:s23] =	ssyncset.done $0x0  }
0xa4: {  	s25 =	simm.s32 $0x1B8E;
	s24 =	sld [smem:$0x3FFE];
	[sflag:s23] =	ssyncadd.s32 $0xFFFFFFFF  }
0xa5: {  	s26 =	simm.s32 $execute0_lowered;
	[smem:$0x3FD2] =	sst s25  }
0xa6: {  	s5 =	sshll.u32 s26, $0x1;
	_ =	strace $0x80000049;
	[dreg:$0x1] =	wrdreg $0xFFFFFFFF  }
0xa7: {  	s28 =	simm.s32 $_size_execute0_lowered;
	s3 =	sadd.s32 s3, s5;
	[dreg:$0x0] =	wrdreg $0x0  }
0xa8: {  	s5 =	sshll.u32 s28, $0x1;
	[dreg:$0x2] =	wrdreg s3  }
0xa9: {  	[dreg:$0x3] =	wrdreg s5  }
0xaa: {  	[dreg:$0x4] =	wrdreg $0xC0  }
0xab: {  	_ =	task [dreg:s7], $0x5FFFF  }
0xac: {  	[dreg:$0x1] =	wrdreg $0xFFFFFFFF  }
0xad: {  	[dreg:$0x0] =	wrdreg $0x60  }
0xae: {  	[dreg:$0x2] =	wrdreg s24  }
0xaf: {  	[dreg:$0x3] =	wrdreg s2  }
0xb0: {  	[dreg:$0x4] =	wrdreg $0xA8000  }
0xb1: {  	[dreg:$0x5] =	wrdreg $0x9  }
0xb2: {  	_ =	task.clear_ibuf [dreg:s7], $0x6FFFF;
	_ =	strace $0x90000049  }
0xb3: {  	s29 =	simm.s32 $0x9;
	_ =	strace $0x8000004B  }
0xb4: {  	_ =	swait.ge [sflag:s29], $0x1  }
0xb5: {  	[sflag:s29] =	ssyncadd.s32 $0xFFFFFFFF  }
0xb6: {  	_ =	strace $0x9000004B  }
0xb7: {  	_ =	sfence  }
0xb8: {  	s30 =	sld [smem:$0x0];
	_ =	sdelay $0x2  }
0xb9: {  	s31 =	sshll.u32 s1, $0xD;
	s1 =	sshrl.u32 s1, $0x2  }
0xba: {  	s3 =	sand.u32 $0x4000, s31;
	s1 =	sadd.s32 s1, s30  }
0xbb: {  	s0 =	sor.u32 s3, s0;
	s1 =	sshll.u32 s1, $0x11  }
0xbc: {  	s0 =	sor.u32 s1, s0  }
0xbd: {  	s0 =	sadd.s32 $0x8F2B, s0  }
0xbe: {  	[sflag:s0] =	ssyncadd.remote.s32 $0x1  }
0xbf: {  	_ =	sfence.sel $0xFFFF  }
0xc0: {  	[dreg:$0x0] =	wrdreg $0xFFFFFFFF;
	(pc) =	sbr.abs _section_cstart, $3  }
0xc1: {  	[dreg:$0x1] =	wrdreg $0xFFFFFFFF  }
0xc2: {  	_ =	task.clear_ibuf [dreg:s7], $0x2FFFF;
	_ =	strace $0x9FFFFFFF  }
0xc3: {  	(tm) =	ssettm $0x7FFFFFFF  }
tec
execute0_lowered:
.L_overlay_start_1:
0x0: {  	(tag) =	ssettag $0x1  }
0x1: {  	s4 =	rddreg [dreg:$0x0]  }
0x2: {  	s1 =	rddreg [dreg:$0x1]  }
0x3: {  	s2 =	rddreg [dreg:$0x2]  }
0x4: {  	s0 =	rddreg [dreg:$0x3]  }
0x5: {  	s15 =	stileid.u32;
	s5 =	srdreg.scid;
	s3 =	simm.s32 $0x0  }
0x6: {  	s12 =	simm.s32 $0x1;
	s13 =	simm.s32 $0x28;
	s6 =	smul.u32 $0x4E200, s15  }
0x7: {  	s14 =	simm.s32 $0x2;
	s17 =	simm.s32 $0x0;
	s10 =	smul.u32 $0x1F400, s15  }
0x8: {  	s5 =	sand.u32 $0x1, s5;
	[smem:$0x7FF] =	sst s3;
	s28 =	smul.u32 $0x7D000, s15  }
0x9: {  	s8 =	sshll.u32 s15, $0xD;
	p0 =	sne.s32 s15, $0x0;
	s7 =	smul.u32 $0x138800, s5  }
0xa: {  	p1 =	sgt.u32 s15, $0x9;
	s9 =	sshll.u32 s5, $0xC;
	_ =	strace $0x8000004A  }
0xb: {  	s26 =	ssub.s32 $0x2, s5;
	s11 =	smul.u32 $0x27100, s5;
	s15 =	sshll.u32 @!p1 s15, $0x6  }
0xc: {  	s8 =	sor.u32 s9, s8;
	s6 =	sadd.s32 s6, s4;
	s29 =	sshrl.u32 s26, $0x1  }
0xd: {  	s30 =	sshrl.u32 s28, $0x2;
	s15 =	sor.u32 @!p1 $0x1C03, s15;
	s8 =	sadd.s32 s8, s4  }
0xe: {  	s7 =	sadd.s32 s10, s7;
	s9 =	ssub.s32 s26, s29;
	s16 =	sadd.s32 s30, s2  }
0xf: {  	s31 =	sadd.s32 s11, s6;
	s10 =	simm.s32 $0x8000;
	s11 =	simm.s32 $0x9400  }
0x10: {  	s7 =	sshrl.u32 s7, $0x3;
	s6 =	smax.u32 s9, $0x1;
	s9 =	sshrl.u32 @!p0 s2, $0x3  }
0x11: {  	s16 =	sshrl.u32 @!p1 s16, $0x3;
	s7 =	sadd.s32 s7, s4;
	s4 =	sadd.s32 $0x9E0C00, s8  }
0x12: {  	s8 =	simm.s32 $0x3;
	s5 =	sadd.s32 $0x1CC00, s7;
	s7 =	sadd.s32 $0xA00E80, s31  }
.LBB2_1:
0x13: {  	[tilespmem:s3], [sflag:$0x3] =	stream.linear.gather [hbm4b:s4+s3], $0x7D00, $0x38;
	[tilespmem:$0x1E080] =	vst v63  }
0x14: {  	_ =	swait.ge [sflag:s8], $0x7D00  }
0x15: {  	[sflag:s8] =	ssyncset.done $0x0  }
0x16: {  	s18 =	simm.s32 @!p0 $0x1C03;
	[sflag:s8] =	ssyncadd.s32 $0xFFFF8300  }
0x17: {  	[spmem:s9], [sflag:s18] =	dma.local @!p0 [hbm:s1], $0x27100  }
0x18: {  	s18 =	simm.s32 @!p0 $0x3  }
0x19: {  	_ =	swait.ge @!p0 [sflag:s18], $0x27100  }
0x1a: {  	[sflag:s18] =	ssyncset.done @!p0 $0x0  }
0x1b: {  	[sflag:s18] =	ssyncadd.s32 @!p0 $0xFFFD8F00  }
0x1c: {  	s29 =	sadd.s32 $0xFFFFFD80, s7;
	[bflag:$0x0] =	sbarrier.arrive $0xFFFF  }
0x1d: {  	[tilespmem:s10], [sflag:$0x1] =	stream.linear.gather [hbm4b:s29+s3], $0x1400, $0x38;
	[tilespmem:$0x1E080] =	vst v63  }
0x1e: {  	_ = 	snop  }
0x1f: {  	[tilespmem:s11], [sflag:$0x1] =	stream.linear.gather [hbm4b:s7+s3], $0x1400, $0x38;
	[tilespmem:$0x1E080] =	vst v63  }
0x20: {  	_ =	swait.ge [sflag:s12], $0x1400  }
0x21: {  	[sflag:s12] =	ssyncset.done $0x0  }
0x22: {  	s30 =	simm.s32 $0x0;
	[sflag:s12] =	ssyncadd.s32 $0xFFFFEC00  }
0x23: {  	[spmem:s2] =	stream.indirect.scatter.add.f32 [tilespmem:s10], [sflag:$0x2], $0x80, s30, s13, $0xb8;
	[tilespmem:$0x1E080] =	vst v63  }
0x24: {  	_ =	swait.ge [sflag:s12], $0x1400  }
0x25: {  	[sflag:s12] =	ssyncset.done $0x0  }
0x26: {  	s31 =	simm.s32 $0x80;
	[sflag:s12] =	ssyncadd.s32 $0xFFFFEC00  }
0x27: {  	[spmem:s2] =	stream.indirect.scatter.add.f32 [tilespmem:s11], [sflag:$0x2], $0x80, s31, s13, $0xb8;
	[tilespmem:$0x1E080] =	vst v63  }
0x28: {  	_ =	swait.ge [sflag:s14], $0x1400  }
0x29: {  	[sflag:s14] =	ssyncset.done $0x0  }
0x2a: {  	[sflag:s14] =	ssyncadd.s32 $0xFFFFEC00  }
0x2b: {  	s20 =	simm.s32 $0x800;
	_ =	swait.ge [sflag:s14], $0x1400  }
0x2c: {  	s19 =	sadd.s32 $0x500, s7;
	s18 =	simm.s32 $0x400;
	[sflag:s14] =	ssyncset.done $0x0  }
.LBB2_2:
0x2d: {  	p2 =	sne.s32 s20, $0x1F000;
	s21 =	sadd.s32 $0xFFFFFD80, s19;
	[sflag:s14] =	ssyncadd.s32 $0xFFFFEC00  }
0x2e: {  	[tilespmem:s10], [sflag:$0x1] =	stream.linear.gather [hbm4b:s21+s3], $0x1400, $0x38;
	[tilespmem:$0x1E080] =	vst v63  }
0x2f: {  	s21 =	smov.u32 s20;
	s20 =	sadd.s32 $0x400, s20  }
0x30: {  	[tilespmem:s11], [sflag:$0x1] =	stream.linear.gather [hbm4b:s19+s3], $0x1400, $0x38;
	[tilespmem:$0x1E080] =	vst v63  }
0x31: {  	_ =	swait.ge [sflag:s12], $0x1400  }
0x32: {  	[sflag:s12] =	ssyncset.done $0x0  }
0x33: {  	s22 =	sshra.s32 s18, $0x2;
	s18 =	smov.u32 s21;
	[sflag:s12] =	ssyncadd.s32 $0xFFFFEC00  }
0x34: {  	[spmem:s2] =	stream.indirect.scatter.add.f32 [tilespmem:s10], [sflag:$0x2], $0x80, s22, s13, $0xb8;
	[tilespmem:$0x1E080] =	vst v63  }
0x35: {  	_ =	swait.ge [sflag:s12], $0x1400  }
0x36: {  	[sflag:s12] =	ssyncset.done $0x0  }
0x37: {  	s21 =	sadd.s32 $0x80, s22;
	[sflag:s12] =	ssyncadd.s32 $0xFFFFEC00  }
0x38: {  	[spmem:s2] =	stream.indirect.scatter.add.f32 [tilespmem:s11], [sflag:$0x2], $0x80, s21, s13, $0xb8;
	[tilespmem:$0x1E080] =	vst v63  }
.Ltmp0:
0x39: {  	_ =	swait.ge [sflag:s14], $0x1400;
	(pc) =	sbr.rel @p2 .LBB2_2-.Ltmp0, $4  }
0x3a: {  	[sflag:s14] =	ssyncset.done $0x0  }
0x3b: {  	[sflag:s14] =	ssyncadd.s32 $0xFFFFEC00  }
0x3c: {  	_ =	swait.ge [sflag:s14], $0x1400  }
0x3d: {  	s19 =	sadd.s32 $0x500, s19;
	[sflag:s14] =	ssyncset.done $0x0  }
0x3e: {  	s20 =	sadd.s32 $0xFFFFFD80, s19;
	[sflag:s14] =	ssyncadd.s32 $0xFFFFEC00  }
0x3f: {  	[tilespmem:s10], [sflag:$0x1] =	stream.linear.gather [hbm4b:s20+s3], $0x1400, $0x38;
	[tilespmem:$0x1E080] =	vst v63  }
0x40: {  	_ = 	snop  }
0x41: {  	[tilespmem:s11], [sflag:$0x1] =	stream.linear.gather [hbm4b:s19+s3], $0x1400, $0x38;
	[tilespmem:$0x1E080] =	vst v63  }
0x42: {  	_ =	swait.ge [sflag:s12], $0x1400  }
0x43: {  	[sflag:s12] =	ssyncset.done $0x0  }
0x44: {  	s18 =	sshra.s32 s18, $0x2;
	[sflag:s12] =	ssyncadd.s32 $0xFFFFEC00  }
0x45: {  	[spmem:s2] =	stream.indirect.scatter.add.f32 [tilespmem:s10], [sflag:$0x2], $0x80, s18, s13, $0xb8;
	[tilespmem:$0x1E080] =	vst v63  }
0x46: {  	_ =	swait.ge [sflag:s12], $0x1400  }
0x47: {  	[sflag:s12] =	ssyncset.done $0x0  }
0x48: {  	s18 =	sadd.s32 $0x80, s18;
	[sflag:s12] =	ssyncadd.s32 $0xFFFFEC00  }
0x49: {  	[spmem:s2] =	stream.indirect.scatter.add.f32 [tilespmem:s11], [sflag:$0x2], $0x80, s18, s13, $0xb8;
	[tilespmem:$0x1E080] =	vst v63  }
0x4a: {  	_ =	swait.ge [sflag:s14], $0x1400  }
0x4b: {  	[sflag:s14] =	ssyncset.done $0x0  }
0x4c: {  	[sflag:s14] =	ssyncadd.s32 $0xFFFFEC00  }
0x4d: {  	_ =	swait.ge [sflag:s14], $0x1400  }
0x4e: {  	s17 =	sadd.s32 $0x1, s17;
	[sflag:s14] =	ssyncset.done $0x0  }
0x4f: {  	p2 =	sne.s32 s17, s6;
	[sflag:s14] =	ssyncadd.s32 $0xFFFFEC00  }
.Ltmp1:
0x50: {  	s18 =	simm.s32 @!p1 $0x3;
	[bflag:$0x0] =	sbarrier.arrive $0xFFFF;
	(pc) =	sbr.rel @p2 .LBB2_1-.Ltmp1, $4  }
0x51: {  	[hbm:s5], [sflag:s15] =	dma.local @!p1 [spmem:s16], $0x3E80  }
0x52: {  	_ =	swait.ge @!p1 [sflag:s18], $0x3E80  }
0x53: {  	[sflag:s18] =	ssyncset.done @!p1 $0x0  }
0x54: {  	[sflag:s18] =	ssyncadd.s32 @!p1 $0xFFFFC180  }
0x55: {  	_ =	sfence.sel $0x180000  }
0x56: {  	[bflag:$0x0] =	sbarrier.arrive $0xFFFF  }
0x57: {  	_ =	strace $0x9000004A  }
0x58: {  	s0 =	sadd.s32 @!p0 $0x100000, s0;
	[bflag:$0x2] =	sbarrier.arrive $0xFFFF  }
0x59: {  	[sflag:s0] =	ssyncadd.tile.s32 @!p0 $0x1;
	_ =	shalt  }
.Lfunc_end2:
_tile_overlayer_lowered:
.L_overlay_start_2:
0x5a: {  	(tag) =	ssettag $0x2  }
0x5b: {  	s0 =	rddreg [dreg:$0x0];
	s2 =	stileid.u32  }
0x5c: {  	s1 =	rddreg [dreg:$0x1];
	p0 =	sne.s32 s2, $0x0  }
0x5d: {  	s3 =	rddreg [dreg:$0x2];
	[bflag:$0x3] =	sbarrier.arrive $0xFFFF;
	s2 =	simm.s32 @!p0 $0x1C03  }
0x5e: {  	[timem:s3], [sflag:s2] =	dma.local @!p0 [hbm:s0], s1  }
0x5f: {  	s0 =	simm.s32 @!p0 $0x3  }
0x60: {  	_ =	swait.ge @!p0 [sflag:s0], s1  }
0x61: {  	s1 =	ssub.s32 @!p0 $0x0, s1;
	[sflag:s0] =	ssyncset.done @!p0 $0x0  }
0x62: {  	[sflag:s0] =	ssyncadd.s32 @!p0 s1  }
0x63: {  	[bflag:$0x3] =	sbarrier.arrive $0xFFFF  }
0x64: {  	_ =	shalt  }

// kernel: kernel.21.cloned.1.call-start
scs
__scs_entry_jumppad:
0x0: {  	(pc) =	sbr.rel $0x88, $3  }
0x1: {  	(tag) =	ssettag $0x0;
	lr =	simm.s32 $0x1  }
0x2: {  	[smem:$0x3F9B] =	sst lr;
	_ =	strace $0xD0000000  }
0x3: {  	_ = 	snop  }
0x4: {  	_ = 	snop  }
0x5: {  	_ = 	snop  }
0x6: {  	_ = 	snop  }
0x7: {  	_ = 	snop  }
__scs_overlays_trampoline_lowered:
0x8: {  	[smem:$0x3FAA] =	sst s0  }
0x9: {  	[smem:$0x3FAB] =	sst s1  }
0xa: {  	[smem:$0x3FAC] =	sst s2  }
0xb: {  	[smem:$0x3FAD] =	sst s3  }
0xc: {  	[smem:$0x3FAE] =	sst s4  }
0xd: {  	[smem:$0x3FAF] =	sst s5  }
0xe: {  	[smem:$0x3FB0] =	sst s6  }
0xf: {  	[smem:$0x3FB1] =	sst s7  }
0x10: {  	[smem:$0x3FB2] =	sst s8  }
0x11: {  	[smem:$0x3FB3] =	sst s9;
	s0 =	simm.s32 @!p0 $0x0  }
0x12: {  	s1 =	sld [smem:$0x3F99];
	s0 =	simm.s32 @p0 $0x1  }
0x13: {  	[smem:$0x3FB4] =	sst s0;
	s0 =	simm.s32 @!p1 $0x0  }
0x14: {  	s2 =	sld [smem:$0x3F98];
	s0 =	simm.s32 @p1 $0x1  }
0x15: {  	[smem:$0x3FB5] =	sst s0;
	s0 =	simm.s32 @!p2 $0x0  }
0x16: {  	s3 =	sld [smem:$0x3FDB];
	s0 =	simm.s32 @p2 $0x1  }
0x17: {  	s4 =	simm.s32 $0x1BF5;
	[smem:$0x3FB7] =	sst s0  }
0x18: {  	s0 =	sld [smem:$0x3F9A];
	_ =	swait.ge [sflag:s4], $0x0  }
0x19: {  	s7 =	sld [smem:$0x3F9B]  }
0x1a: {  	s8 =	sadd.s32 $0xFFFFE003, lr  }
0x1b: {  	s9 =	sadd.s32 $0xFFFFFEF7, lr;
	s5 =	simm.s32 $0xFFFFFFFF;
	p2 =	slt.u32 s8, $0xFFFFF086  }
0x1c: {  	p1 =	slt.u32 s9, $0xF7A;
	s5 =	simm.s32 @!p2 $0x0  }
0x1d: {  	s5 =	simm.s32 @p1 $0x1;
	p0 =	seq.s32 s7, s2  }
0x1e: {  	s7 =	smul.u32 @!p0 $0xF7A, s2;
	p2 =	seq.s32 @!p0 s5, $0x0  }
0x1f: {  	s9 =	smul.u32 $0xF7A, s1;
	s8 =	simm.s32 @!p0 $0x1BF5;
	p2 =	por !p2, p0  }
0x20: {  	[sflag:s8] =	ssyncset.s32 @!p0 $0xFFFFF086;
	s6 =	sadd.s32 @!p0 s3, s7;
	s7 =	simm.s32 @!p0 $0x108  }
0x21: {  	s3 =	sadd.s32 s3, s9;
	s6 =	sadd.s32 @!p0 $0x88, s6;
	s7 =	simm.s32 @p2 $0x1082  }
0x22: {  	[simem:s7], [sflag:s8] =	dma.local @!p0 [hbm:s6], $0xF7A  }
0x23: {  	s9 =	sor.u32 $0xD0000000, s2;
	s6 =	simm.s32 $0x108;
	_ =	swait.ge @!p0 [sflag:s8], $0x0  }
0x24: {  	s3 =	sadd.s32 $0x88, s3;
	s6 =	simm.s32 @!p1 $0x1082;
	[sflag:s4] =	ssyncset.s32 $0xFFFFF086  }
0x25: {  	[simem:s6], [sflag:s4] =	dma.local [hbm:s3], $0xF7A  }
0x26: {  	[smem:$0x3F9B] =	sst s1;
	(tag) =	ssettag s2;
	_ =	strace s9  }
0x27: {  	s1 =	sld [smem:$0x3FAB]  }
0x28: {  	s2 =	sld [smem:$0x3FAC]  }
0x29: {  	s4 =	sld [smem:$0x3FAE]  }
0x2a: {  	p0 =	seq.s32 s5, $0x0;
	s5 =	sld [smem:$0x3FAF]  }
0x2b: {  	s6 =	sld [smem:$0x3FB0]  }
0x2c: {  	s7 =	sld [smem:$0x3FB1]  }
0x2d: {  	s3 =	simm.s32 $0x108;
	s8 =	sld [smem:$0x3FB2]  }
0x2e: {  	s3 =	simm.s32 @!p0 $0x1082;
	s9 =	sld [smem:$0x3FB3]  }
0x2f: {  	lr =	sadd.s32 s0, s3;
	s0 =	sld [smem:$0x3FAA]  }
0x30: {  	s3 =	sld [smem:$0x3FAD]  }
0x31: {  	[smem:$0x3FB6] =	sst s10  }
0x32: {  	s10 =	sld [smem:$0x3FB4];
	_ =	sdelay $0x3  }
0x33: {  	p0 =	seq.s32 s10, $0x1;
	s10 =	sld [smem:$0x3FB6];
	_ =	sdelay $0x3  }
0x34: {  	[smem:$0x3FB6] =	sst s10  }
0x35: {  	s10 =	sld [smem:$0x3FB5];
	_ =	sdelay $0x3  }
0x36: {  	p1 =	seq.s32 s10, $0x1;
	s10 =	sld [smem:$0x3FB6];
	_ =	sdelay $0x3  }
0x37: {  	[smem:$0x3FB6] =	sst s10  }
0x38: {  	s10 =	sld [smem:$0x3FB7]  }
0x39: {  	_ = 	snop;
	(pc) =	sbr.ind lr, $3  }
0x3a: {  	_ = 	snop  }
0x3b: {  	_ = 	snop  }
0x3c: {  	p2 =	seq.s32 s10, $0x1;
	s10 =	sld [smem:$0x3FB6]  }
0x3d: {  	_ =	shalt  }
0x3e: {  	_ =	shalt  }
0x3f: {  	_ =	shalt  }
0x40: {  	_ =	shalt  }
0x41: {  	_ =	shalt  }
0x42: {  	_ =	shalt  }
0x43: {  	_ =	shalt  }
0x44: {  	_ =	shalt  }
0x45: {  	_ =	shalt  }
0x46: {  	_ =	shalt  }
0x47: {  	_ =	shalt  }
0x48: {  	_ =	shalt  }
0x49: {  	_ =	shalt  }
0x4a: {  	_ =	shalt  }
0x4b: {  	_ =	shalt  }
0x4c: {  	_ =	shalt  }
0x4d: {  	_ =	shalt  }
0x4e: {  	_ =	shalt  }
0x4f: {  	_ =	shalt  }
0x50: {  	_ =	shalt  }
0x51: {  	_ =	shalt  }
0x52: {  	_ =	shalt  }
0x53: {  	_ =	shalt  }
0x54: {  	_ =	shalt  }
0x55: {  	_ =	shalt  }
0x56: {  	_ =	shalt  }
0x57: {  	_ =	shalt  }
0x58: {  	_ =	shalt  }
0x59: {  	_ =	shalt  }
0x5a: {  	_ =	shalt  }
0x5b: {  	_ =	shalt  }
0x5c: {  	_ =	shalt  }
0x5d: {  	_ =	shalt  }
0x5e: {  	_ =	shalt  }
0x5f: {  	_ =	shalt  }
0x60: {  	_ =	shalt  }
0x61: {  	_ =	shalt  }
0x62: {  	_ =	shalt  }
0x63: {  	_ =	shalt  }
0x64: {  	_ =	shalt  }
0x65: {  	_ =	shalt  }
0x66: {  	_ =	shalt  }
0x67: {  	_ =	shalt  }
0x68: {  	_ =	shalt  }
0x69: {  	_ =	shalt  }
0x6a: {  	_ =	shalt  }
0x6b: {  	_ =	shalt  }
0x6c: {  	_ =	shalt  }
0x6d: {  	_ =	shalt  }
0x6e: {  	_ =	shalt  }
0x6f: {  	_ =	shalt  }
0x70: {  	_ =	shalt  }
0x71: {  	_ =	shalt  }
0x72: {  	_ =	shalt  }
0x73: {  	_ =	shalt  }
0x74: {  	_ =	shalt  }
0x75: {  	_ =	shalt  }
0x76: {  	_ =	shalt  }
0x77: {  	_ =	shalt  }
0x78: {  	_ =	shalt  }
0x79: {  	_ =	shalt  }
0x7a: {  	_ =	shalt  }
0x7b: {  	_ =	shalt  }
0x7c: {  	_ =	shalt  }
0x7d: {  	_ =	shalt  }
0x7e: {  	_ =	shalt  }
0x7f: {  	_ =	shalt  }
0x80: {  	_ =	shalt  }
0x81: {  	_ =	shalt  }
0x82: {  	_ =	shalt  }
0x83: {  	_ =	shalt  }
0x84: {  	_ =	shalt  }
0x85: {  	_ =	shalt  }
0x86: {  	_ =	shalt  }
0x87: {  	_ =	shalt  }
.Lfunc_end0:
.L_simem_size_0:
called_computation.2_lowered:
.L_overlay_start_0:
0x88: {  	s2 =	sld [smem:$0x3FD9]  }
0x89: {  	s3 =	sld [smem:$0x3FFE];
	_ =	sdelay $0x1  }
0x8a: {  	s1 =	srdreg.scid  }
0x8b: {  	s0 =	sand.u32 $0x1, s1  }
0x8c: {  	s16 =	sshll.u32 s0, $0xA;
	s2 =	sadd.s32 s3, s2  }
0x8d: {  	s2 =	sadd.s32 s2, s16  }
0x8e: {  	[smem:$0x3FC2] =	sst s2  }
0x8f: {  	_ = 	snop  }
0x90: {  	(tm) =	ssettm $0x1  }
0x91: {  	s17 =	sld [smem:$0x3FFB];
	_ =	sdelay $0x3  }
0x92: {  	_ =	strace s17  }
0x93: {  	s2 =	sld [smem:$0x3FFC];
	_ =	sdelay $0x3  }
0x94: {  	_ =	strace s2  }
0x95: {  	s2 =	sld [smem:$0x3FFD];
	_ =	sdelay $0x3  }
0x96: {  	_ =	strace s2  }
0x97: {  	_ =	strace $0x8FFFFFFF  }
0x98: {  	s18 =	sld [smem:$0x3FDB];
	_ =	sdelay $0x1  }
0x99: {  	s19 =	simm.s32 $_scs_section_size  }
0x9a: {  	s4 =	simm.s32 $_size__tile_overlayer_lowered;
	s5 =	simm.s32 $_tile_overlayer_lowered  }
0x9b: {  	s22 =	simm.s32 $0x1BFF;
	s21 =	sshll.u32 s5, $0x1;
	s2 =	sadd.s32 s19, s18  }
0x9c: {  	s6 =	simm.s32 $0x0;
	s20 =	sshll.u32 s4, $0x1;
	s4 =	sadd.s32 s21, s2  }
0x9d: {  	[timem:s6], [sflag:s22] =	dma.local [hbm:s4], s20  }
0x9e: {  	_ =	swait.ge [sflag:s22], s20  }
0x9f: {  	s3 =	ssub.s32 $0x0, s20;
	[sflag:s22] =	ssyncset.done $0x0  }
0xa0: {  	[sflag:s22] =	ssyncadd.s32 s3;
	_ =	sdelay $0x1  }
0xa1: {  	s23 =	simm.s32 $0x1B8B  }
0xa2: {  	_ =	swait.ge [sflag:s23], $0x1  }
0xa3: {  	[sflag:s23] =	ssyncset.done $0x0  }
0xa4: {  	s25 =	simm.s32 $0x1B8E;
	s24 =	sld [smem:$0x3FFE];
	[sflag:s23] =	ssyncadd.s32 $0xFFFFFFFF  }
0xa5: {  	s26 =	simm.s32 $execute0_lowered;
	[smem:$0x3FD2] =	sst s25  }
0xa6: {  	s4 =	sshll.u32 s26, $0x1;
	_ =	strace $0x8000004C;
	[dreg:$0x1] =	wrdreg $0xFFFFFFFF  }
0xa7: {  	s28 =	simm.s32 $_size_execute0_lowered;
	s2 =	sadd.s32 s2, s4;
	[dreg:$0x0] =	wrdreg $0x0  }
0xa8: {  	s4 =	sshll.u32 s28, $0x1;
	[dreg:$0x2] =	wrdreg s2  }
0xa9: {  	[dreg:$0x3] =	wrdreg s4  }
0xaa: {  	[dreg:$0x4] =	wrdreg $0xC0  }
0xab: {  	_ =	task [dreg:s6], $0x5FFFF  }
0xac: {  	[dreg:$0x1] =	wrdreg $0xFFFFFFFF  }
0xad: {  	[dreg:$0x0] =	wrdreg $0x60  }
0xae: {  	[dreg:$0x2] =	wrdreg s24  }
0xaf: {  	[dreg:$0x3] =	wrdreg $0x90000  }
0xb0: {  	[dreg:$0x4] =	wrdreg $0x9  }
0xb1: {  	_ =	task.clear_ibuf [dreg:s6], $0x5FFFF;
	_ =	strace $0x9000004C  }
0xb2: {  	s29 =	simm.s32 $0x9;
	_ =	strace $0x8000004E  }
0xb3: {  	_ =	swait.ge [sflag:s29], $0x1  }
0xb4: {  	[sflag:s29] =	ssyncadd.s32 $0xFFFFFFFF  }
0xb5: {  	_ =	strace $0x9000004E  }
0xb6: {  	_ =	sfence  }
0xb7: {  	s30 =	sld [smem:$0x0];
	_ =	sdelay $0x2  }
0xb8: {  	s31 =	sshll.u32 s1, $0xD;
	s1 =	sshrl.u32 s1, $0x2  }
0xb9: {  	s3 =	sand.u32 $0x4000, s31;
	s1 =	sadd.s32 s1, s30  }
0xba: {  	s0 =	sor.u32 s3, s0;
	s1 =	sshll.u32 s1, $0x11  }
0xbb: {  	s0 =	sor.u32 s1, s0  }
0xbc: {  	s0 =	sadd.s32 $0x8F2B, s0  }
0xbd: {  	[sflag:s0] =	ssyncadd.remote.s32 $0x1  }
0xbe: {  	_ =	sfence.sel $0xFFFF  }
0xbf: {  	[dreg:$0x0] =	wrdreg $0xFFFFFFFF;
	(pc) =	sbr.abs _section_cstart, $3  }
0xc0: {  	[dreg:$0x1] =	wrdreg $0xFFFFFFFF  }
0xc1: {  	_ =	task.clear_ibuf [dreg:s6], $0x2FFFF;
	_ =	strace $0x9FFFFFFF  }
0xc2: {  	(tm) =	ssettm $0x7FFFFFFF  }
0xc3: {  	_ =	shalt  }
tec
execute0_lowered:
.L_overlay_start_1:
0x0: {  	(tag) =	ssettag $0x1  }
0x1: {  	s4 =	rddreg [dreg:$0x0]  }
0x2: {  	s1 =	rddreg [dreg:$0x1]  }
0x3: {  	s0 =	rddreg [dreg:$0x2];
	s2 =	simm.s32 $0x0;
	s3 =	srdreg.scid  }
0x4: {  	s8 =	stileid.u32;
	s13 =	simm.s32 $0x1;
	s14 =	simm.s32 $0x2  }
0x5: {  	s15 =	simm.s32 $0x3E00;
	s16 =	simm.s32 $0x0;
	[smem:$0x7FF] =	sst s2  }
0x6: {  	s5 =	sand.u32 $0x1, s3;
	s29 =	sshll.u32 s8, $0x1;
	s3 =	sadd.s32 $0x1CC00, s4  }
0x7: {  	s9 =	sadd.s32 $0x43E00, s4;
	s11 =	smul.u32 $0x4E200, s8;
	p0 =	sne.s32 s8, $0x0  }
0x8: {  	s8 =	simm.s32 $0x3;
	_ =	strace $0x8000004D;
	s6 =	sor.u32 s5, s29  }
0x9: {  	s30 =	ssub.s32 $0x2, s5;
	s12 =	smul.u32 $0x27100, s5;
	s7 =	sshll.u32 s6, $0xB  }
0xa: {  	s6 =	smul.u32 $0x138800, s6;
	s10 =	sshrl.u32 s30, $0x1;
	s31 =	sadd.s32 s11, s9  }
0xb: {  	s11 =	simm.s32 $0x4000;
	s7 =	sadd.s32 s7, s4;
	s10 =	ssub.s32 s30, s10  }
0xc: {  	s6 =	sshrl.u32 s6, $0x3;
	s4 =	sadd.s32 $0xCC00, s7;
	s7 =	sadd.s32 s12, s31  }
0xd: {  	s12 =	simm.s32 $0x6800;
	s6 =	sadd.s32 s9, s6;
	s9 =	sshrl.u32 @!p0 s1, $0x3  }
0xe: {  	s5 =	sadd.s32 $0x26C00, s6;
	s6 =	smax.u32 s10, $0x1;
	s10 =	simm.s32 $0x50  }
.LBB2_1:
0xf: {  	[tilespmem:s2], [sflag:$0x3] =	stream.linear.gather [hbm4b:s4+s2], $0x3E80, $0x38;
	[tilespmem:$0x1C880] =	vst v63  }
0x10: {  	_ =	swait.ge [sflag:s8], $0x3E80  }
0x11: {  	[sflag:s8] =	ssyncset.done $0x0  }
0x12: {  	s17 =	simm.s32 @!p0 $0x1C03;
	[sflag:s8] =	ssyncadd.s32 $0xFFFFC180  }
0x13: {  	[spmem:s9], [sflag:s17] =	dma.local @!p0 [hbm:s3], $0x27100  }
0x14: {  	s17 =	simm.s32 @!p0 $0x3  }
0x15: {  	_ =	swait.ge @!p0 [sflag:s17], $0x27100  }
0x16: {  	[sflag:s17] =	ssyncset.done @!p0 $0x0  }
0x17: {  	[sflag:s17] =	ssyncadd.s32 @!p0 $0xFFFD8F00  }
0x18: {  	s29 =	simm.s32 $0x0;
	[bflag:$0x0] =	sbarrier.arrive $0xFFFF  }
0x19: {  	[tilespmem:s11], [sflag:$0x1] =	stream.indirect.gather [spmem:s1], $0x80, s29, s10, $0xb8;
	[tilespmem:$0x1C880] =	vst v63  }
0x1a: {  	s30 =	simm.s32 $0x80  }
0x1b: {  	[tilespmem:s12], [sflag:$0x1] =	stream.indirect.gather [spmem:s1], $0x80, s30, s10, $0xb8;
	[tilespmem:$0x1C880] =	vst v63  }
0x1c: {  	_ =	swait.ge [sflag:s13], $0x2800  }
0x1d: {  	[sflag:s13] =	ssyncset.done $0x0  }
0x1e: {  	[sflag:s13] =	ssyncadd.s32 $0xFFFFD800  }
0x1f: {  	[hbm4b:s7+s2] =	stream.linear.scatter [tilespmem:s11], [sflag:$0x2], $0x2800, $0x38;
	[tilespmem:$0x1C880] =	vst v63  }
0x20: {  	_ =	swait.ge [sflag:s13], $0x2800  }
0x21: {  	[sflag:s13] =	ssyncset.done $0x0  }
0x22: {  	s31 =	sadd.s32 $0x500, s7;
	[sflag:s13] =	ssyncadd.s32 $0xFFFFD800  }
0x23: {  	[hbm4b:s31+s2] =	stream.linear.scatter [tilespmem:s12], [sflag:$0x2], $0x2800, $0x38;
	[tilespmem:$0x1C880] =	vst v63  }
0x24: {  	_ =	swait.ge [sflag:s14], $0x2800  }
0x25: {  	[sflag:s14] =	ssyncset.done $0x0  }
0x26: {  	[sflag:s14] =	ssyncadd.s32 $0xFFFFD800  }
0x27: {  	s18 =	simm.s32 $0x400;
	_ =	swait.ge [sflag:s14], $0x2800  }
0x28: {  	s19 =	simm.s32 $0x800;
	s17 =	sadd.s32 $0xA00, s7;
	[sflag:s14] =	ssyncset.done $0x0  }
.LBB2_2:
0x29: {  	s20 =	sshra.s32 s18, $0x2  }
0x2a: {  	[sflag:s14] =	ssyncadd.s32 $0xFFFFD800;
	s18 =	smov.u32 s19;
	s21 =	sadd.s32 $0x400, s19  }
0x2b: {  	[tilespmem:s11], [sflag:$0x1] =	stream.indirect.gather [spmem:s1], $0x80, s20, s10, $0xb8;
	[tilespmem:$0x1C880] =	vst v63  }
0x2c: {  	p1 =	sne.s32 s19, $0xF400;
	s19 =	sadd.s32 $0x80, s20  }
0x2d: {  	[tilespmem:s12], [sflag:$0x1] =	stream.indirect.gather [spmem:s1], $0x80, s19, s10, $0xb8;
	[tilespmem:$0x1C880] =	vst v63  }
0x2e: {  	_ =	swait.ge [sflag:s13], $0x2800  }
0x2f: {  	[sflag:s13] =	ssyncset.done $0x0  }
0x30: {  	[sflag:s13] =	ssyncadd.s32 $0xFFFFD800  }
0x31: {  	[hbm4b:s17+s2] =	stream.linear.scatter [tilespmem:s11], [sflag:$0x2], $0x2800, $0x38;
	[tilespmem:$0x1C880] =	vst v63  }
0x32: {  	_ =	swait.ge [sflag:s13], $0x2800  }
0x33: {  	[sflag:s13] =	ssyncset.done $0x0  }
0x34: {  	s19 =	sadd.s32 $0x500, s17;
	[sflag:s13] =	ssyncadd.s32 $0xFFFFD800  }
0x35: {  	[hbm4b:s19+s2] =	stream.linear.scatter [tilespmem:s12], [sflag:$0x2], $0x2800, $0x38;
	[tilespmem:$0x1C880] =	vst v63  }
.Ltmp0:
0x36: {  	_ =	swait.ge [sflag:s14], $0x2800;
	(pc) =	sbr.rel @p1 .LBB2_2-.Ltmp0, $4  }
0x37: {  	[sflag:s14] =	ssyncset.done $0x0  }
0x38: {  	[sflag:s14] =	ssyncadd.s32 $0xFFFFD800  }
0x39: {  	_ =	swait.ge [sflag:s14], $0x2800  }
0x3a: {  	s17 =	sadd.s32 $0xA00, s17;
	s19 =	smov.u32 s21;
	[sflag:s14] =	ssyncset.done $0x0  }
0x3b: {  	s18 =	sshra.s32 s18, $0x2;
	[sflag:s14] =	ssyncadd.s32 $0xFFFFD800  }
0x3c: {  	[tilespmem:s11], [sflag:$0x1] =	stream.indirect.gather [spmem:s1], $0x80, s18, s10, $0xb8;
	[tilespmem:$0x1C880] =	vst v63  }
0x3d: {  	s18 =	sadd.s32 $0x80, s18  }
0x3e: {  	[tilespmem:s12], [sflag:$0x1] =	stream.indirect.gather [spmem:s1], $0x80, s18, s10, $0xb8;
	[tilespmem:$0x1C880] =	vst v63  }
0x3f: {  	_ =	swait.ge [sflag:s13], $0x2800  }
0x40: {  	[sflag:s13] =	ssyncset.done $0x0  }
0x41: {  	[sflag:s13] =	ssyncadd.s32 $0xFFFFD800  }
0x42: {  	[hbm4b:s17+s2] =	stream.linear.scatter [tilespmem:s11], [sflag:$0x2], $0x2800, $0x38;
	[tilespmem:$0x1C880] =	vst v63  }
0x43: {  	_ =	swait.ge [sflag:s13], $0x2800  }
0x44: {  	[sflag:s13] =	ssyncset.done $0x0  }
0x45: {  	s31 =	sadd.s32 $0x500, s17;
	[sflag:s13] =	ssyncadd.s32 $0xFFFFD800  }
0x46: {  	[hbm4b:s31+s2] =	stream.linear.scatter [tilespmem:s12], [sflag:$0x2], $0x2800, $0x38;
	[tilespmem:$0x1C880] =	vst v63  }
0x47: {  	_ =	swait.ge [sflag:s14], $0x2800  }
0x48: {  	[sflag:s14] =	ssyncset.done $0x0  }
0x49: {  	[sflag:s14] =	ssyncadd.s32 $0xFFFFD800  }
0x4a: {  	_ =	swait.ge [sflag:s14], $0x2800  }
0x4b: {  	[sflag:s14] =	ssyncset.done $0x0  }
0x4c: {  	[sflag:s14] =	ssyncadd.s32 $0xFFFFD800  }
0x4d: {  	[tilespmem:s11], [sflag:$0x1] =	stream.indirect.gather [spmem:s1], $0x80, s15, s10, $0xb8;
	[tilespmem:$0x1C880] =	vst v63  }
0x4e: {  	s16 =	sadd.s32 $0x1, s16;
	_ =	swait.ge [sflag:s13], $0x2800  }
0x4f: {  	p1 =	sne.s32 s16, s6;
	[sflag:s13] =	ssyncset.done $0x0  }
.Ltmp1:
0x50: {  	[sflag:s13] =	ssyncadd.s32 $0xFFFFD800;
	(pc) =	sbr.rel @p1 .LBB2_1-.Ltmp1, $4  }
0x51: {  	[hbm4b:s5+s2] =	stream.linear.scatter [tilespmem:s11], [sflag:$0x2], $0x2800, $0x38;
	[tilespmem:$0x1C880] =	vst v63  }
0x52: {  	_ =	swait.ge [sflag:s14], $0x2800  }
0x53: {  	[sflag:s14] =	ssyncset.done $0x0  }
0x54: {  	[sflag:s14] =	ssyncadd.s32 $0xFFFFD800  }
0x55: {  	_ =	sfence.sel $0x180000  }
0x56: {  	[bflag:$0x0] =	sbarrier.arrive $0xFFFF  }
0x57: {  	_ =	strace $0x9000004D  }
0x58: {  	s0 =	sadd.s32 @!p0 $0x100000, s0;
	[bflag:$0x2] =	sbarrier.arrive $0xFFFF  }
0x59: {  	[sflag:s0] =	ssyncadd.tile.s32 @!p0 $0x1;
	_ =	shalt  }
.Lfunc_end2:
_tile_overlayer_lowered:
.L_overlay_start_2:
0x5a: {  	(tag) =	ssettag $0x2  }
0x5b: {  	s0 =	rddreg [dreg:$0x0];
	s2 =	stileid.u32  }
0x5c: {  	s1 =	rddreg [dreg:$0x1];
	p0 =	sne.s32 s2, $0x0  }
0x5d: {  	s3 =	rddreg [dreg:$0x2];
	[bflag:$0x3] =	sbarrier.arrive $0xFFFF;
	s2 =	simm.s32 @!p0 $0x1C03  }
0x5e: {  	[timem:s3], [sflag:s2] =	dma.local @!p0 [hbm:s0], s1  }
0x5f: {  	s0 =	simm.s32 @!p0 $0x3  }
0x60: {  	_ =	swait.ge @!p0 [sflag:s0], s1  }
0x61: {  	s1 =	ssub.s32 @!p0 $0x0, s1;
	[sflag:s0] =	ssyncset.done @!p0 $0x0  }
0x62: {  	[sflag:s0] =	ssyncadd.s32 @!p0 s1  }
0x63: {  	[bflag:$0x3] =	sbarrier.arrive $0xFFFF  }
0x64: {  	_ =	shalt  }

// kernel: kernel.24.cloned.1.call-start
scs
__scs_entry_jumppad:
0x0: {  	(pc) =	sbr.rel $0x88, $3  }
0x1: {  	(tag) =	ssettag $0x0;
	lr =	simm.s32 $0x1  }
0x2: {  	[smem:$0x3F9B] =	sst lr;
	_ =	strace $0xD0000000  }
0x3: {  	_ = 	snop  }
0x4: {  	_ = 	snop  }
0x5: {  	_ = 	snop  }
0x6: {  	_ = 	snop  }
0x7: {  	_ = 	snop  }
__scs_overlays_trampoline_lowered:
0x8: {  	[smem:$0x3FAA] =	sst s0  }
0x9: {  	[smem:$0x3FAB] =	sst s1  }
0xa: {  	[smem:$0x3FAC] =	sst s2  }
0xb: {  	[smem:$0x3FAD] =	sst s3  }
0xc: {  	[smem:$0x3FAE] =	sst s4  }
0xd: {  	[smem:$0x3FAF] =	sst s5  }
0xe: {  	[smem:$0x3FB0] =	sst s6  }
0xf: {  	[smem:$0x3FB1] =	sst s7  }
0x10: {  	[smem:$0x3FB2] =	sst s8  }
0x11: {  	[smem:$0x3FB3] =	sst s9;
	s0 =	simm.s32 @!p0 $0x0  }
0x12: {  	s1 =	sld [smem:$0x3F99];
	s0 =	simm.s32 @p0 $0x1  }
0x13: {  	[smem:$0x3FB4] =	sst s0;
	s0 =	simm.s32 @!p1 $0x0  }
0x14: {  	s2 =	sld [smem:$0x3F98];
	s0 =	simm.s32 @p1 $0x1  }
0x15: {  	[smem:$0x3FB5] =	sst s0;
	s0 =	simm.s32 @!p2 $0x0  }
0x16: {  	s3 =	sld [smem:$0x3FDB];
	s0 =	simm.s32 @p2 $0x1  }
0x17: {  	s4 =	simm.s32 $0x1BF5;
	[smem:$0x3FB7] =	sst s0  }
0x18: {  	s0 =	sld [smem:$0x3F9A];
	_ =	swait.ge [sflag:s4], $0x0  }
0x19: {  	s7 =	sld [smem:$0x3F9B]  }
0x1a: {  	s8 =	sadd.s32 $0xFFFFE003, lr  }
0x1b: {  	s9 =	sadd.s32 $0xFFFFFEF7, lr;
	s5 =	simm.s32 $0xFFFFFFFF;
	p2 =	slt.u32 s8, $0xFFFFF086  }
0x1c: {  	p1 =	slt.u32 s9, $0xF7A;
	s5 =	simm.s32 @!p2 $0x0  }
0x1d: {  	s5 =	simm.s32 @p1 $0x1;
	p0 =	seq.s32 s7, s2  }
0x1e: {  	s7 =	smul.u32 @!p0 $0xF7A, s2;
	p2 =	seq.s32 @!p0 s5, $0x0  }
0x1f: {  	s9 =	smul.u32 $0xF7A, s1;
	s8 =	simm.s32 @!p0 $0x1BF5;
	p2 =	por !p2, p0  }
0x20: {  	[sflag:s8] =	ssyncset.s32 @!p0 $0xFFFFF086;
	s6 =	sadd.s32 @!p0 s3, s7;
	s7 =	simm.s32 @!p0 $0x108  }
0x21: {  	s3 =	sadd.s32 s3, s9;
	s6 =	sadd.s32 @!p0 $0x88, s6;
	s7 =	simm.s32 @p2 $0x1082  }
0x22: {  	[simem:s7], [sflag:s8] =	dma.local @!p0 [hbm:s6], $0xF7A  }
0x23: {  	s9 =	sor.u32 $0xD0000000, s2;
	s6 =	simm.s32 $0x108;
	_ =	swait.ge @!p0 [sflag:s8], $0x0  }
0x24: {  	s3 =	sadd.s32 $0x88, s3;
	s6 =	simm.s32 @!p1 $0x1082;
	[sflag:s4] =	ssyncset.s32 $0xFFFFF086  }
0x25: {  	[simem:s6], [sflag:s4] =	dma.local [hbm:s3], $0xF7A  }
0x26: {  	[smem:$0x3F9B] =	sst s1;
	(tag) =	ssettag s2;
	_ =	strace s9  }
0x27: {  	s1 =	sld [smem:$0x3FAB]  }
0x28: {  	s2 =	sld [smem:$0x3FAC]  }
0x29: {  	s4 =	sld [smem:$0x3FAE]  }
0x2a: {  	p0 =	seq.s32 s5, $0x0;
	s5 =	sld [smem:$0x3FAF]  }
0x2b: {  	s6 =	sld [smem:$0x3FB0]  }
0x2c: {  	s7 =	sld [smem:$0x3FB1]  }
0x2d: {  	s3 =	simm.s32 $0x108;
	s8 =	sld [smem:$0x3FB2]  }
0x2e: {  	s3 =	simm.s32 @!p0 $0x1082;
	s9 =	sld [smem:$0x3FB3]  }
0x2f: {  	lr =	sadd.s32 s0, s3;
	s0 =	sld [smem:$0x3FAA]  }
0x30: {  	s3 =	sld [smem:$0x3FAD]  }
0x31: {  	[smem:$0x3FB6] =	sst s10  }
0x32: {  	s10 =	sld [smem:$0x3FB4];
	_ =	sdelay $0x3  }
0x33: {  	p0 =	seq.s32 s10, $0x1;
	s10 =	sld [smem:$0x3FB6];
	_ =	sdelay $0x3  }
0x34: {  	[smem:$0x3FB6] =	sst s10  }
0x35: {  	s10 =	sld [smem:$0x3FB5];
	_ =	sdelay $0x3  }
0x36: {  	p1 =	seq.s32 s10, $0x1;
	s10 =	sld [smem:$0x3FB6];
	_ =	sdelay $0x3  }
0x37: {  	[smem:$0x3FB6] =	sst s10  }
0x38: {  	s10 =	sld [smem:$0x3FB7]  }
0x39: {  	_ = 	snop;
	(pc) =	sbr.ind lr, $3  }
0x3a: {  	_ = 	snop  }
0x3b: {  	_ = 	snop  }
0x3c: {  	p2 =	seq.s32 s10, $0x1;
	s10 =	sld [smem:$0x3FB6]  }
0x3d: {  	_ =	shalt  }
0x3e: {  	_ =	shalt  }
0x3f: {  	_ =	shalt  }
0x40: {  	_ =	shalt  }
0x41: {  	_ =	shalt  }
0x42: {  	_ =	shalt  }
0x43: {  	_ =	shalt  }
0x44: {  	_ =	shalt  }
0x45: {  	_ =	shalt  }
0x46: {  	_ =	shalt  }
0x47: {  	_ =	shalt  }
0x48: {  	_ =	shalt  }
0x49: {  	_ =	shalt  }
0x4a: {  	_ =	shalt  }
0x4b: {  	_ =	shalt  }
0x4c: {  	_ =	shalt  }
0x4d: {  	_ =	shalt  }
0x4e: {  	_ =	shalt  }
0x4f: {  	_ =	shalt  }
0x50: {  	_ =	shalt  }
0x51: {  	_ =	shalt  }
0x52: {  	_ =	shalt  }
0x53: {  	_ =	shalt  }
0x54: {  	_ =	shalt  }
0x55: {  	_ =	shalt  }
0x56: {  	_ =	shalt  }
0x57: {  	_ =	shalt  }
0x58: {  	_ =	shalt  }
0x59: {  	_ =	shalt  }
0x5a: {  	_ =	shalt  }
0x5b: {  	_ =	shalt  }
0x5c: {  	_ =	shalt  }
0x5d: {  	_ =	shalt  }
0x5e: {  	_ =	shalt  }
0x5f: {  	_ =	shalt  }
0x60: {  	_ =	shalt  }
0x61: {  	_ =	shalt  }
0x62: {  	_ =	shalt  }
0x63: {  	_ =	shalt  }
0x64: {  	_ =	shalt  }
0x65: {  	_ =	shalt  }
0x66: {  	_ =	shalt  }
0x67: {  	_ =	shalt  }
0x68: {  	_ =	shalt  }
0x69: {  	_ =	shalt  }
0x6a: {  	_ =	shalt  }
0x6b: {  	_ =	shalt  }
0x6c: {  	_ =	shalt  }
0x6d: {  	_ =	shalt  }
0x6e: {  	_ =	shalt  }
0x6f: {  	_ =	shalt  }
0x70: {  	_ =	shalt  }
0x71: {  	_ =	shalt  }
0x72: {  	_ =	shalt  }
0x73: {  	_ =	shalt  }
0x74: {  	_ =	shalt  }
0x75: {  	_ =	shalt  }
0x76: {  	_ =	shalt  }
0x77: {  	_ =	shalt  }
0x78: {  	_ =	shalt  }
0x79: {  	_ =	shalt  }
0x7a: {  	_ =	shalt  }
0x7b: {  	_ =	shalt  }
0x7c: {  	_ =	shalt  }
0x7d: {  	_ =	shalt  }
0x7e: {  	_ =	shalt  }
0x7f: {  	_ =	shalt  }
0x80: {  	_ =	shalt  }
0x81: {  	_ =	shalt  }
0x82: {  	_ =	shalt  }
0x83: {  	_ =	shalt  }
0x84: {  	_ =	shalt  }
0x85: {  	_ =	shalt  }
0x86: {  	_ =	shalt  }
0x87: {  	_ =	shalt  }
.Lfunc_end0:
.L_simem_size_0:
called_computation.3_lowered:
.L_overlay_start_0:
0x88: {  	s2 =	sld [smem:$0x3FD9]  }
0x89: {  	s3 =	sld [smem:$0x3FFE];
	_ =	sdelay $0x1  }
0x8a: {  	s1 =	srdreg.scid  }
0x8b: {  	s0 =	sand.u32 $0x1, s1  }
0x8c: {  	s17 =	sshll.u32 s0, $0xA;
	s2 =	sadd.s32 s3, s2  }
0x8d: {  	s2 =	sadd.s32 s2, s17  }
0x8e: {  	[smem:$0x3FC2] =	sst s2  }
0x8f: {  	_ = 	snop  }
0x90: {  	s2 =	sld [smem:$0x3FD0];
	(tm) =	ssettm $0x1  }
0x91: {  	s18 =	sld [smem:$0x3FFB];
	_ =	sdelay $0x3  }
0x92: {  	_ =	strace s18  }
0x93: {  	s3 =	sld [smem:$0x3FFC];
	_ =	sdelay $0x3  }
0x94: {  	_ =	strace s3  }
0x95: {  	s3 =	sld [smem:$0x3FFD];
	_ =	sdelay $0x3  }
0x96: {  	_ =	strace s3  }
0x97: {  	_ =	strace $0x8FFFFFFF  }
0x98: {  	s19 =	sld [smem:$0x3FDB];
	_ =	sdelay $0x1  }
0x99: {  	s4 =	simm.s32 $_scs_section_size  }
0x9a: {  	s5 =	simm.s32 $_size__tile_overlayer_lowered;
	s6 =	simm.s32 $_tile_overlayer_lowered  }
0x9b: {  	s22 =	simm.s32 $0x1BFF;
	s21 =	sshll.u32 s6, $0x1;
	s3 =	sadd.s32 s4, s19  }
0x9c: {  	s7 =	simm.s32 $0x0;
	s20 =	sshll.u32 s5, $0x1;
	s5 =	sadd.s32 s21, s3  }
0x9d: {  	[timem:s7], [sflag:s22] =	dma.local [hbm:s5], s20  }
0x9e: {  	_ =	swait.ge [sflag:s22], s20  }
0x9f: {  	s4 =	ssub.s32 $0x0, s20;
	[sflag:s22] =	ssyncset.done $0x0  }
0xa0: {  	[sflag:s22] =	ssyncadd.s32 s4;
	_ =	sdelay $0x1  }
0xa1: {  	s23 =	simm.s32 $0x1B8B  }
0xa2: {  	_ =	swait.ge [sflag:s23], $0x1  }
0xa3: {  	[sflag:s23] =	ssyncset.done $0x0  }
0xa4: {  	s25 =	simm.s32 $0x1B8E;
	s24 =	sld [smem:$0x3FFE];
	[sflag:s23] =	ssyncadd.s32 $0xFFFFFFFF  }
0xa5: {  	s26 =	simm.s32 $execute0_lowered;
	[smem:$0x3FD2] =	sst s25  }
0xa6: {  	s5 =	sshll.u32 s26, $0x1;
	_ =	strace $0x8000004F;
	[dreg:$0x1] =	wrdreg $0xFFFFFFFF  }
0xa7: {  	s28 =	simm.s32 $_size_execute0_lowered;
	s3 =	sadd.s32 s3, s5;
	[dreg:$0x0] =	wrdreg $0x0  }
0xa8: {  	s5 =	sshll.u32 s28, $0x1;
	[dreg:$0x2] =	wrdreg s3  }
0xa9: {  	[dreg:$0x3] =	wrdreg s5  }
0xaa: {  	[dreg:$0x4] =	wrdreg $0xC0  }
0xab: {  	_ =	task [dreg:s7], $0x5FFFF  }
0xac: {  	[dreg:$0x1] =	wrdreg $0xFFFFFFFF  }
0xad: {  	[dreg:$0x0] =	wrdreg $0x60  }
0xae: {  	[dreg:$0x2] =	wrdreg s24  }
0xaf: {  	[dreg:$0x3] =	wrdreg s2  }
0xb0: {  	[dreg:$0x4] =	wrdreg $0xA8000  }
0xb1: {  	[dreg:$0x5] =	wrdreg $0x9  }
0xb2: {  	_ =	task.clear_ibuf [dreg:s7], $0x6FFFF;
	_ =	strace $0x9000004F  }
0xb3: {  	s29 =	simm.s32 $0x9;
	_ =	strace $0x80000051  }
0xb4: {  	_ =	swait.ge [sflag:s29], $0x1  }
0xb5: {  	[sflag:s29] =	ssyncadd.s32 $0xFFFFFFFF  }
0xb6: {  	_ =	strace $0x90000051  }
0xb7: {  	_ =	sfence  }
0xb8: {  	s30 =	sld [smem:$0x0];
	_ =	sdelay $0x2  }
0xb9: {  	s31 =	sshll.u32 s1, $0xD;
	s1 =	sshrl.u32 s1, $0x2  }
0xba: {  	s3 =	sand.u32 $0x4000, s31;
	s1 =	sadd.s32 s1, s30  }
0xbb: {  	s0 =	sor.u32 s3, s0;
	s1 =	sshll.u32 s1, $0x11  }
0xbc: {  	s0 =	sor.u32 s1, s0  }
0xbd: {  	s0 =	sadd.s32 $0x8F2B, s0  }
0xbe: {  	[sflag:s0] =	ssyncadd.remote.s32 $0x1  }
0xbf: {  	_ =	sfence.sel $0xFFFF  }
0xc0: {  	[dreg:$0x0] =	wrdreg $0xFFFFFFFF;
	(pc) =	sbr.abs _section_cstart, $3  }
0xc1: {  	[dreg:$0x1] =	wrdreg $0xFFFFFFFF  }
0xc2: {  	_ =	task.clear_ibuf [dreg:s7], $0x2FFFF;
	_ =	strace $0x9FFFFFFF  }
0xc3: {  	(tm) =	ssettm $0x7FFFFFFF  }
tec
execute0_lowered:
.L_overlay_start_1:
0x0: {  	(tag) =	ssettag $0x1  }
0x1: {  	s4 =	rddreg [dreg:$0x0]  }
0x2: {  	s1 =	rddreg [dreg:$0x1]  }
0x3: {  	s2 =	rddreg [dreg:$0x2]  }
0x4: {  	s0 =	rddreg [dreg:$0x3]  }
0x5: {  	s15 =	stileid.u32;
	s5 =	srdreg.scid;
	s3 =	simm.s32 $0x0  }
0x6: {  	s12 =	simm.s32 $0x1;
	s13 =	simm.s32 $0x28;
	s6 =	smul.u32 $0x4E200, s15  }
0x7: {  	s14 =	simm.s32 $0x2;
	s17 =	simm.s32 $0x0;
	s10 =	smul.u32 $0x1F400, s15  }
0x8: {  	s5 =	sand.u32 $0x1, s5;
	[smem:$0x7FF] =	sst s3;
	s28 =	smul.u32 $0x7D000, s15  }
0x9: {  	s8 =	sshll.u32 s15, $0xD;
	p0 =	sne.s32 s15, $0x0;
	s7 =	smul.u32 $0x138800, s5  }
0xa: {  	p1 =	sgt.u32 s15, $0x9;
	s9 =	sshll.u32 s5, $0xC;
	_ =	strace $0x80000050  }
0xb: {  	s26 =	ssub.s32 $0x2, s5;
	s11 =	smul.u32 $0x27100, s5;
	s15 =	sshll.u32 @!p1 s15, $0x6  }
0xc: {  	s8 =	sor.u32 s9, s8;
	s6 =	sadd.s32 s6, s4;
	s29 =	sshrl.u32 s26, $0x1  }
0xd: {  	s30 =	sshrl.u32 s28, $0x2;
	s15 =	sor.u32 @!p1 $0x1C03, s15;
	s8 =	sadd.s32 s8, s4  }
0xe: {  	s7 =	sadd.s32 s10, s7;
	s9 =	ssub.s32 s26, s29;
	s16 =	sadd.s32 s30, s2  }
0xf: {  	s31 =	sadd.s32 s11, s6;
	s10 =	simm.s32 $0x8000;
	s11 =	simm.s32 $0x9400  }
0x10: {  	s7 =	sshrl.u32 s7, $0x3;
	s6 =	smax.u32 s9, $0x1;
	s9 =	sshrl.u32 @!p0 s2, $0x3  }
0x11: {  	s16 =	sshrl.u32 @!p1 s16, $0x3;
	s7 =	sadd.s32 s7, s4;
	s4 =	sadd.s32 $0x9E0C00, s8  }
0x12: {  	s8 =	simm.s32 $0x3;
	s5 =	sadd.s32 $0xA00C00, s7;
	s7 =	sadd.s32 $0x13C4E80, s31  }
.LBB2_1:
0x13: {  	[tilespmem:s3], [sflag:$0x3] =	stream.linear.gather [hbm4b:s4+s3], $0x7D00, $0x38;
	[tilespmem:$0x1E080] =	vst v63  }
0x14: {  	_ =	swait.ge [sflag:s8], $0x7D00  }
0x15: {  	[sflag:s8] =	ssyncset.done $0x0  }
0x16: {  	s18 =	simm.s32 @!p0 $0x1C03;
	[sflag:s8] =	ssyncadd.s32 $0xFFFF8300  }
0x17: {  	[spmem:s9], [sflag:s18] =	dma.local @!p0 [hbm:s1], $0x27100  }
0x18: {  	s18 =	simm.s32 @!p0 $0x3  }
0x19: {  	_ =	swait.ge @!p0 [sflag:s18], $0x27100  }
0x1a: {  	[sflag:s18] =	ssyncset.done @!p0 $0x0  }
0x1b: {  	[sflag:s18] =	ssyncadd.s32 @!p0 $0xFFFD8F00  }
0x1c: {  	s29 =	sadd.s32 $0xFFFFFD80, s7;
	[bflag:$0x0] =	sbarrier.arrive $0xFFFF  }
0x1d: {  	[tilespmem:s10], [sflag:$0x1] =	stream.linear.gather [hbm4b:s29+s3], $0x1400, $0x38;
	[tilespmem:$0x1E080] =	vst v63  }
0x1e: {  	_ = 	snop  }
0x1f: {  	[tilespmem:s11], [sflag:$0x1] =	stream.linear.gather [hbm4b:s7+s3], $0x1400, $0x38;
	[tilespmem:$0x1E080] =	vst v63  }
0x20: {  	_ =	swait.ge [sflag:s12], $0x1400  }
0x21: {  	[sflag:s12] =	ssyncset.done $0x0  }
0x22: {  	s30 =	simm.s32 $0x0;
	[sflag:s12] =	ssyncadd.s32 $0xFFFFEC00  }
0x23: {  	[spmem:s2] =	stream.indirect.scatter.add.f32 [tilespmem:s10], [sflag:$0x2], $0x80, s30, s13, $0xb8;
	[tilespmem:$0x1E080] =	vst v63  }
0x24: {  	_ =	swait.ge [sflag:s12], $0x1400  }
0x25: {  	[sflag:s12] =	ssyncset.done $0x0  }
0x26: {  	s31 =	simm.s32 $0x80;
	[sflag:s12] =	ssyncadd.s32 $0xFFFFEC00  }
0x27: {  	[spmem:s2] =	stream.indirect.scatter.add.f32 [tilespmem:s11], [sflag:$0x2], $0x80, s31, s13, $0xb8;
	[tilespmem:$0x1E080] =	vst v63  }
0x28: {  	_ =	swait.ge [sflag:s14], $0x1400  }
0x29: {  	[sflag:s14] =	ssyncset.done $0x0  }
0x2a: {  	[sflag:s14] =	ssyncadd.s32 $0xFFFFEC00  }
0x2b: {  	s20 =	simm.s32 $0x800;
	_ =	swait.ge [sflag:s14], $0x1400  }
0x2c: {  	s19 =	sadd.s32 $0x500, s7;
	s18 =	simm.s32 $0x400;
	[sflag:s14] =	ssyncset.done $0x0  }
.LBB2_2:
0x2d: {  	p2 =	sne.s32 s20, $0x1F000;
	s21 =	sadd.s32 $0xFFFFFD80, s19;
	[sflag:s14] =	ssyncadd.s32 $0xFFFFEC00  }
0x2e: {  	[tilespmem:s10], [sflag:$0x1] =	stream.linear.gather [hbm4b:s21+s3], $0x1400, $0x38;
	[tilespmem:$0x1E080] =	vst v63  }
0x2f: {  	s21 =	smov.u32 s20;
	s20 =	sadd.s32 $0x400, s20  }
0x30: {  	[tilespmem:s11], [sflag:$0x1] =	stream.linear.gather [hbm4b:s19+s3], $0x1400, $0x38;
	[tilespmem:$0x1E080] =	vst v63  }
0x31: {  	_ =	swait.ge [sflag:s12], $0x1400  }
0x32: {  	[sflag:s12] =	ssyncset.done $0x0  }
0x33: {  	s22 =	sshra.s32 s18, $0x2;
	s18 =	smov.u32 s21;
	[sflag:s12] =	ssyncadd.s32 $0xFFFFEC00  }
0x34: {  	[spmem:s2] =	stream.indirect.scatter.add.f32 [tilespmem:s10], [sflag:$0x2], $0x80, s22, s13, $0xb8;
	[tilespmem:$0x1E080] =	vst v63  }
0x35: {  	_ =	swait.ge [sflag:s12], $0x1400  }
0x36: {  	[sflag:s12] =	ssyncset.done $0x0  }
0x37: {  	s21 =	sadd.s32 $0x80, s22;
	[sflag:s12] =	ssyncadd.s32 $0xFFFFEC00  }
0x38: {  	[spmem:s2] =	stream.indirect.scatter.add.f32 [tilespmem:s11], [sflag:$0x2], $0x80, s21, s13, $0xb8;
	[tilespmem:$0x1E080] =	vst v63  }
.Ltmp0:
0x39: {  	_ =	swait.ge [sflag:s14], $0x1400;
	(pc) =	sbr.rel @p2 .LBB2_2-.Ltmp0, $4  }
0x3a: {  	[sflag:s14] =	ssyncset.done $0x0  }
0x3b: {  	[sflag:s14] =	ssyncadd.s32 $0xFFFFEC00  }
0x3c: {  	_ =	swait.ge [sflag:s14], $0x1400  }
0x3d: {  	s19 =	sadd.s32 $0x500, s19;
	[sflag:s14] =	ssyncset.done $0x0  }
0x3e: {  	s20 =	sadd.s32 $0xFFFFFD80, s19;
	[sflag:s14] =	ssyncadd.s32 $0xFFFFEC00  }
0x3f: {  	[tilespmem:s10], [sflag:$0x1] =	stream.linear.gather [hbm4b:s20+s3], $0x1400, $0x38;
	[tilespmem:$0x1E080] =	vst v63  }
0x40: {  	_ = 	snop  }
0x41: {  	[tilespmem:s11], [sflag:$0x1] =	stream.linear.gather [hbm4b:s19+s3], $0x1400, $0x38;
	[tilespmem:$0x1E080] =	vst v63  }
0x42: {  	_ =	swait.ge [sflag:s12], $0x1400  }
0x43: {  	[sflag:s12] =	ssyncset.done $0x0  }
0x44: {  	s18 =	sshra.s32 s18, $0x2;
	[sflag:s12] =	ssyncadd.s32 $0xFFFFEC00  }
0x45: {  	[spmem:s2] =	stream.indirect.scatter.add.f32 [tilespmem:s10], [sflag:$0x2], $0x80, s18, s13, $0xb8;
	[tilespmem:$0x1E080] =	vst v63  }
0x46: {  	_ =	swait.ge [sflag:s12], $0x1400  }
0x47: {  	[sflag:s12] =	ssyncset.done $0x0  }
0x48: {  	s18 =	sadd.s32 $0x80, s18;
	[sflag:s12] =	ssyncadd.s32 $0xFFFFEC00  }
0x49: {  	[spmem:s2] =	stream.indirect.scatter.add.f32 [tilespmem:s11], [sflag:$0x2], $0x80, s18, s13, $0xb8;
	[tilespmem:$0x1E080] =	vst v63  }
0x4a: {  	_ =	swait.ge [sflag:s14], $0x1400  }
0x4b: {  	[sflag:s14] =	ssyncset.done $0x0  }
0x4c: {  	[sflag:s14] =	ssyncadd.s32 $0xFFFFEC00  }
0x4d: {  	_ =	swait.ge [sflag:s14], $0x1400  }
0x4e: {  	s17 =	sadd.s32 $0x1, s17;
	[sflag:s14] =	ssyncset.done $0x0  }
0x4f: {  	p2 =	sne.s32 s17, s6;
	[sflag:s14] =	ssyncadd.s32 $0xFFFFEC00  }
.Ltmp1:
0x50: {  	s18 =	simm.s32 @!p1 $0x3;
	[bflag:$0x0] =	sbarrier.arrive $0xFFFF;
	(pc) =	sbr.rel @p2 .LBB2_1-.Ltmp1, $4  }
0x51: {  	[hbm:s5], [sflag:s15] =	dma.local @!p1 [spmem:s16], $0x3E80  }
0x52: {  	_ =	swait.ge @!p1 [sflag:s18], $0x3E80  }
0x53: {  	[sflag:s18] =	ssyncset.done @!p1 $0x0  }
0x54: {  	[sflag:s18] =	ssyncadd.s32 @!p1 $0xFFFFC180  }
0x55: {  	_ =	sfence.sel $0x180000  }
0x56: {  	[bflag:$0x0] =	sbarrier.arrive $0xFFFF  }
0x57: {  	_ =	strace $0x90000050  }
0x58: {  	s0 =	sadd.s32 @!p0 $0x100000, s0;
	[bflag:$0x2] =	sbarrier.arrive $0xFFFF  }
0x59: {  	[sflag:s0] =	ssyncadd.tile.s32 @!p0 $0x1;
	_ =	shalt  }
.Lfunc_end2:
_tile_overlayer_lowered:
.L_overlay_start_2:
0x5a: {  	(tag) =	ssettag $0x2  }
0x5b: {  	s0 =	rddreg [dreg:$0x0];
	s2 =	stileid.u32  }
0x5c: {  	s1 =	rddreg [dreg:$0x1];
	p0 =	sne.s32 s2, $0x0  }
0x5d: {  	s3 =	rddreg [dreg:$0x2];
	[bflag:$0x3] =	sbarrier.arrive $0xFFFF;
	s2 =	simm.s32 @!p0 $0x1C03  }
0x5e: {  	[timem:s3], [sflag:s2] =	dma.local @!p0 [hbm:s0], s1  }
0x5f: {  	s0 =	simm.s32 @!p0 $0x3  }
0x60: {  	_ =	swait.ge @!p0 [sflag:s0], s1  }
0x61: {  	s1 =	ssub.s32 @!p0 $0x0, s1;
	[sflag:s0] =	ssyncset.done @!p0 $0x0  }
0x62: {  	[sflag:s0] =	ssyncadd.s32 @!p0 s1  }
0x63: {  	[bflag:$0x3] =	sbarrier.arrive $0xFFFF  }
0x64: {  	_ =	shalt  }

// kernel: kernel.27.cloned.1.call-start
scs
__scs_entry_jumppad:
0x0: {  	(pc) =	sbr.rel $0x88, $3  }
0x1: {  	(tag) =	ssettag $0x0;
	lr =	simm.s32 $0x1  }
0x2: {  	[smem:$0x3F9B] =	sst lr;
	_ =	strace $0xD0000000  }
0x3: {  	_ = 	snop  }
0x4: {  	_ = 	snop  }
0x5: {  	_ = 	snop  }
0x6: {  	_ = 	snop  }
0x7: {  	_ = 	snop  }
__scs_overlays_trampoline_lowered:
0x8: {  	[smem:$0x3FAA] =	sst s0  }
0x9: {  	[smem:$0x3FAB] =	sst s1  }
0xa: {  	[smem:$0x3FAC] =	sst s2  }
0xb: {  	[smem:$0x3FAD] =	sst s3  }
0xc: {  	[smem:$0x3FAE] =	sst s4  }
0xd: {  	[smem:$0x3FAF] =	sst s5  }
0xe: {  	[smem:$0x3FB0] =	sst s6  }
0xf: {  	[smem:$0x3FB1] =	sst s7  }
0x10: {  	[smem:$0x3FB2] =	sst s8  }
0x11: {  	[smem:$0x3FB3] =	sst s9;
	s0 =	simm.s32 @!p0 $0x0  }
0x12: {  	s1 =	sld [smem:$0x3F99];
	s0 =	simm.s32 @p0 $0x1  }
0x13: {  	[smem:$0x3FB4] =	sst s0;
	s0 =	simm.s32 @!p1 $0x0  }
0x14: {  	s2 =	sld [smem:$0x3F98];
	s0 =	simm.s32 @p1 $0x1  }
0x15: {  	[smem:$0x3FB5] =	sst s0;
	s0 =	simm.s32 @!p2 $0x0  }
0x16: {  	s3 =	sld [smem:$0x3FDB];
	s0 =	simm.s32 @p2 $0x1  }
0x17: {  	s4 =	simm.s32 $0x1BF5;
	[smem:$0x3FB7] =	sst s0  }
0x18: {  	s0 =	sld [smem:$0x3F9A];
	_ =	swait.ge [sflag:s4], $0x0  }
0x19: {  	s7 =	sld [smem:$0x3F9B]  }
0x1a: {  	s8 =	sadd.s32 $0xFFFFE003, lr  }
0x1b: {  	s9 =	sadd.s32 $0xFFFFFEF7, lr;
	s5 =	simm.s32 $0xFFFFFFFF;
	p2 =	slt.u32 s8, $0xFFFFF086  }
0x1c: {  	p1 =	slt.u32 s9, $0xF7A;
	s5 =	simm.s32 @!p2 $0x0  }
0x1d: {  	s5 =	simm.s32 @p1 $0x1;
	p0 =	seq.s32 s7, s2  }
0x1e: {  	s7 =	smul.u32 @!p0 $0xF7A, s2;
	p2 =	seq.s32 @!p0 s5, $0x0  }
0x1f: {  	s9 =	smul.u32 $0xF7A, s1;
	s8 =	simm.s32 @!p0 $0x1BF5;
	p2 =	por !p2, p0  }
0x20: {  	[sflag:s8] =	ssyncset.s32 @!p0 $0xFFFFF086;
	s6 =	sadd.s32 @!p0 s3, s7;
	s7 =	simm.s32 @!p0 $0x108  }
0x21: {  	s3 =	sadd.s32 s3, s9;
	s6 =	sadd.s32 @!p0 $0x88, s6;
	s7 =	simm.s32 @p2 $0x1082  }
0x22: {  	[simem:s7], [sflag:s8] =	dma.local @!p0 [hbm:s6], $0xF7A  }
0x23: {  	s9 =	sor.u32 $0xD0000000, s2;
	s6 =	simm.s32 $0x108;
	_ =	swait.ge @!p0 [sflag:s8], $0x0  }
0x24: {  	s3 =	sadd.s32 $0x88, s3;
	s6 =	simm.s32 @!p1 $0x1082;
	[sflag:s4] =	ssyncset.s32 $0xFFFFF086  }
0x25: {  	[simem:s6], [sflag:s4] =	dma.local [hbm:s3], $0xF7A  }
0x26: {  	[smem:$0x3F9B] =	sst s1;
	(tag) =	ssettag s2;
	_ =	strace s9  }
0x27: {  	s1 =	sld [smem:$0x3FAB]  }
0x28: {  	s2 =	sld [smem:$0x3FAC]  }
0x29: {  	s4 =	sld [smem:$0x3FAE]  }
0x2a: {  	p0 =	seq.s32 s5, $0x0;
	s5 =	sld [smem:$0x3FAF]  }
0x2b: {  	s6 =	sld [smem:$0x3FB0]  }
0x2c: {  	s7 =	sld [smem:$0x3FB1]  }
0x2d: {  	s3 =	simm.s32 $0x108;
	s8 =	sld [smem:$0x3FB2]  }
0x2e: {  	s3 =	simm.s32 @!p0 $0x1082;
	s9 =	sld [smem:$0x3FB3]  }
0x2f: {  	lr =	sadd.s32 s0, s3;
	s0 =	sld [smem:$0x3FAA]  }
0x30: {  	s3 =	sld [smem:$0x3FAD]  }
0x31: {  	[smem:$0x3FB6] =	sst s10  }
0x32: {  	s10 =	sld [smem:$0x3FB4];
	_ =	sdelay $0x3  }
0x33: {  	p0 =	seq.s32 s10, $0x1;
	s10 =	sld [smem:$0x3FB6];
	_ =	sdelay $0x3  }
0x34: {  	[smem:$0x3FB6] =	sst s10  }
0x35: {  	s10 =	sld [smem:$0x3FB5];
	_ =	sdelay $0x3  }
0x36: {  	p1 =	seq.s32 s10, $0x1;
	s10 =	sld [smem:$0x3FB6];
	_ =	sdelay $0x3  }
0x37: {  	[smem:$0x3FB6] =	sst s10  }
0x38: {  	s10 =	sld [smem:$0x3FB7]  }
0x39: {  	_ = 	snop;
	(pc) =	sbr.ind lr, $3  }
0x3a: {  	_ = 	snop  }
0x3b: {  	_ = 	snop  }
0x3c: {  	p2 =	seq.s32 s10, $0x1;
	s10 =	sld [smem:$0x3FB6]  }
0x3d: {  	_ =	shalt  }
0x3e: {  	_ =	shalt  }
0x3f: {  	_ =	shalt  }
0x40: {  	_ =	shalt  }
0x41: {  	_ =	shalt  }
0x42: {  	_ =	shalt  }
0x43: {  	_ =	shalt  }
0x44: {  	_ =	shalt  }
0x45: {  	_ =	shalt  }
0x46: {  	_ =	shalt  }
0x47: {  	_ =	shalt  }
0x48: {  	_ =	shalt  }
0x49: {  	_ =	shalt  }
0x4a: {  	_ =	shalt  }
0x4b: {  	_ =	shalt  }
0x4c: {  	_ =	shalt  }
0x4d: {  	_ =	shalt  }
0x4e: {  	_ =	shalt  }
0x4f: {  	_ =	shalt  }
0x50: {  	_ =	shalt  }
0x51: {  	_ =	shalt  }
0x52: {  	_ =	shalt  }
0x53: {  	_ =	shalt  }
0x54: {  	_ =	shalt  }
0x55: {  	_ =	shalt  }
0x56: {  	_ =	shalt  }
0x57: {  	_ =	shalt  }
0x58: {  	_ =	shalt  }
0x59: {  	_ =	shalt  }
0x5a: {  	_ =	shalt  }
0x5b: {  	_ =	shalt  }
0x5c: {  	_ =	shalt  }
0x5d: {  	_ =	shalt  }
0x5e: {  	_ =	shalt  }
0x5f: {  	_ =	shalt  }
0x60: {  	_ =	shalt  }
0x61: {  	_ =	shalt  }
0x62: {  	_ =	shalt  }
0x63: {  	_ =	shalt  }
0x64: {  	_ =	shalt  }
0x65: {  	_ =	shalt  }
0x66: {  	_ =	shalt  }
0x67: {  	_ =	shalt  }
0x68: {  	_ =	shalt  }
0x69: {  	_ =	shalt  }
0x6a: {  	_ =	shalt  }
0x6b: {  	_ =	shalt  }
0x6c: {  	_ =	shalt  }
0x6d: {  	_ =	shalt  }
0x6e: {  	_ =	shalt  }
0x6f: {  	_ =	shalt  }
0x70: {  	_ =	shalt  }
0x71: {  	_ =	shalt  }
0x72: {  	_ =	shalt  }
0x73: {  	_ =	shalt  }
0x74: {  	_ =	shalt  }
0x75: {  	_ =	shalt  }
0x76: {  	_ =	shalt  }
0x77: {  	_ =	shalt  }
0x78: {  	_ =	shalt  }
0x79: {  	_ =	shalt  }
0x7a: {  	_ =	shalt  }
0x7b: {  	_ =	shalt  }
0x7c: {  	_ =	shalt  }
0x7d: {  	_ =	shalt  }
0x7e: {  	_ =	shalt  }
0x7f: {  	_ =	shalt  }
0x80: {  	_ =	shalt  }
0x81: {  	_ =	shalt  }
0x82: {  	_ =	shalt  }
0x83: {  	_ =	shalt  }
0x84: {  	_ =	shalt  }
0x85: {  	_ =	shalt  }
0x86: {  	_ =	shalt  }
0x87: {  	_ =	shalt  }
.Lfunc_end0:
.L_simem_size_0:
called_computation.4_lowered:
.L_overlay_start_0:
0x88: {  	s2 =	sld [smem:$0x3FD9]  }
0x89: {  	s3 =	sld [smem:$0x3FFE];
	_ =	sdelay $0x1  }
0x8a: {  	s1 =	srdreg.scid  }
0x8b: {  	s0 =	sand.u32 $0x1, s1  }
0x8c: {  	s16 =	sshll.u32 s0, $0xA;
	s2 =	sadd.s32 s3, s2  }
0x8d: {  	s2 =	sadd.s32 s2, s16  }
0x8e: {  	[smem:$0x3FC2] =	sst s2  }
0x8f: {  	_ = 	snop  }
0x90: {  	(tm) =	ssettm $0x1  }
0x91: {  	s17 =	sld [smem:$0x3FFB];
	_ =	sdelay $0x3  }
0x92: {  	_ =	strace s17  }
0x93: {  	s2 =	sld [smem:$0x3FFC];
	_ =	sdelay $0x3  }
0x94: {  	_ =	strace s2  }
0x95: {  	s2 =	sld [smem:$0x3FFD];
	_ =	sdelay $0x3  }
0x96: {  	_ =	strace s2  }
0x97: {  	_ =	strace $0x8FFFFFFF  }
0x98: {  	s18 =	sld [smem:$0x3FDB];
	_ =	sdelay $0x1  }
0x99: {  	s19 =	simm.s32 $_scs_section_size  }
0x9a: {  	s4 =	simm.s32 $_size__tile_overlayer_lowered;
	s5 =	simm.s32 $_tile_overlayer_lowered  }
0x9b: {  	s22 =	simm.s32 $0x1BFF;
	s21 =	sshll.u32 s5, $0x1;
	s2 =	sadd.s32 s19, s18  }
0x9c: {  	s6 =	simm.s32 $0x0;
	s20 =	sshll.u32 s4, $0x1;
	s4 =	sadd.s32 s21, s2  }
0x9d: {  	[timem:s6], [sflag:s22] =	dma.local [hbm:s4], s20  }
0x9e: {  	_ =	swait.ge [sflag:s22], s20  }
0x9f: {  	s3 =	ssub.s32 $0x0, s20;
	[sflag:s22] =	ssyncset.done $0x0  }
0xa0: {  	[sflag:s22] =	ssyncadd.s32 s3;
	_ =	sdelay $0x1  }
0xa1: {  	s23 =	simm.s32 $0x1B8B  }
0xa2: {  	_ =	swait.ge [sflag:s23], $0x1  }
0xa3: {  	[sflag:s23] =	ssyncset.done $0x0  }
0xa4: {  	s25 =	simm.s32 $0x1B8E;
	s24 =	sld [smem:$0x3FFE];
	[sflag:s23] =	ssyncadd.s32 $0xFFFFFFFF  }
0xa5: {  	s26 =	simm.s32 $execute0_lowered;
	[smem:$0x3FD2] =	sst s25  }
0xa6: {  	s4 =	sshll.u32 s26, $0x1;
	_ =	strace $0x80000052;
	[dreg:$0x1] =	wrdreg $0xFFFFFFFF  }
0xa7: {  	s28 =	simm.s32 $_size_execute0_lowered;
	s2 =	sadd.s32 s2, s4;
	[dreg:$0x0] =	wrdreg $0x0  }
0xa8: {  	s4 =	sshll.u32 s28, $0x1;
	[dreg:$0x2] =	wrdreg s2  }
0xa9: {  	[dreg:$0x3] =	wrdreg s4  }
0xaa: {  	[dreg:$0x4] =	wrdreg $0xC0  }
0xab: {  	_ =	task [dreg:s6], $0x5FFFF  }
0xac: {  	[dreg:$0x1] =	wrdreg $0xFFFFFFFF  }
0xad: {  	[dreg:$0x0] =	wrdreg $0x60  }
0xae: {  	[dreg:$0x2] =	wrdreg s24  }
0xaf: {  	[dreg:$0x3] =	wrdreg $0x90000  }
0xb0: {  	[dreg:$0x4] =	wrdreg $0x9  }
0xb1: {  	_ =	task.clear_ibuf [dreg:s6], $0x5FFFF;
	_ =	strace $0x90000052  }
0xb2: {  	s29 =	simm.s32 $0x9;
	_ =	strace $0x80000054  }
0xb3: {  	_ =	swait.ge [sflag:s29], $0x1  }
0xb4: {  	[sflag:s29] =	ssyncadd.s32 $0xFFFFFFFF  }
0xb5: {  	_ =	strace $0x90000054  }
0xb6: {  	_ =	sfence  }
0xb7: {  	s30 =	sld [smem:$0x0];
	_ =	sdelay $0x2  }
0xb8: {  	s31 =	sshll.u32 s1, $0xD;
	s1 =	sshrl.u32 s1, $0x2  }
0xb9: {  	s3 =	sand.u32 $0x4000, s31;
	s1 =	sadd.s32 s1, s30  }
0xba: {  	s0 =	sor.u32 s3, s0;
	s1 =	sshll.u32 s1, $0x11  }
0xbb: {  	s0 =	sor.u32 s1, s0  }
0xbc: {  	s0 =	sadd.s32 $0x8F2B, s0  }
0xbd: {  	[sflag:s0] =	ssyncadd.remote.s32 $0x1  }
0xbe: {  	_ =	sfence.sel $0xFFFF  }
0xbf: {  	[dreg:$0x0] =	wrdreg $0xFFFFFFFF;
	(pc) =	sbr.abs _section_cstart, $3  }
0xc0: {  	[dreg:$0x1] =	wrdreg $0xFFFFFFFF  }
0xc1: {  	_ =	task.clear_ibuf [dreg:s6], $0x2FFFF;
	_ =	strace $0x9FFFFFFF  }
0xc2: {  	(tm) =	ssettm $0x7FFFFFFF  }
0xc3: {  	_ =	shalt  }
tec
execute0_lowered:
.L_overlay_start_1:
0x0: {  	(tag) =	ssettag $0x1  }
0x1: {  	s4 =	rddreg [dreg:$0x0]  }
0x2: {  	s1 =	rddreg [dreg:$0x1]  }
0x3: {  	s0 =	rddreg [dreg:$0x2];
	s2 =	simm.s32 $0x0;
	s3 =	srdreg.scid  }
0x4: {  	s8 =	stileid.u32;
	s13 =	simm.s32 $0x1;
	s14 =	simm.s32 $0x2  }
0x5: {  	s15 =	simm.s32 $0x3E00;
	s16 =	simm.s32 $0x0;
	[smem:$0x7FF] =	sst s2  }
0x6: {  	s5 =	sand.u32 $0x1, s3;
	s6 =	sshll.u32 s8, $0x1;
	s3 =	sadd.s32 $0xA00C00, s4  }
0x7: {  	s9 =	sadd.s32 $0x1CC00, s4;
	s11 =	smul.u32 $0x4E200, s8;
	p0 =	sne.s32 s8, $0x0  }
0x8: {  	s8 =	simm.s32 $0x3;
	_ =	strace $0x80000053;
	s6 =	sor.u32 s5, s6  }
0x9: {  	s30 =	ssub.s32 $0x2, s5;
	s12 =	smul.u32 $0x27100, s5;
	s7 =	sshll.u32 s6, $0xB  }
0xa: {  	s6 =	smul.u32 $0x138800, s6;
	s10 =	sshrl.u32 s30, $0x1;
	s31 =	sadd.s32 s11, s9  }
0xb: {  	s11 =	simm.s32 $0x4000;
	s7 =	sadd.s32 s7, s4;
	s10 =	ssub.s32 s30, s10  }
0xc: {  	s6 =	sshrl.u32 s6, $0x3;
	s4 =	sadd.s32 $0xCC00, s7;
	s7 =	sadd.s32 s12, s31  }
0xd: {  	s12 =	simm.s32 $0x6800;
	s6 =	sadd.s32 s9, s6;
	s9 =	sshrl.u32 @!p0 s1, $0x3  }
0xe: {  	s5 =	sadd.s32 $0x26C00, s6;
	s6 =	smax.u32 s10, $0x1;
	s10 =	simm.s32 $0x50  }
.LBB2_1:
0xf: {  	[tilespmem:s2], [sflag:$0x3] =	stream.linear.gather [hbm4b:s4+s2], $0x3E80, $0x38;
	[tilespmem:$0x1C880] =	vst v63  }
0x10: {  	_ =	swait.ge [sflag:s8], $0x3E80  }
0x11: {  	[sflag:s8] =	ssyncset.done $0x0  }
0x12: {  	s17 =	simm.s32 @!p0 $0x1C03;
	[sflag:s8] =	ssyncadd.s32 $0xFFFFC180  }
0x13: {  	[spmem:s9], [sflag:s17] =	dma.local @!p0 [hbm:s3], $0x27100  }
0x14: {  	s17 =	simm.s32 @!p0 $0x3  }
0x15: {  	_ =	swait.ge @!p0 [sflag:s17], $0x27100  }
0x16: {  	[sflag:s17] =	ssyncset.done @!p0 $0x0  }
0x17: {  	[sflag:s17] =	ssyncadd.s32 @!p0 $0xFFFD8F00  }
0x18: {  	s29 =	simm.s32 $0x0;
	[bflag:$0x0] =	sbarrier.arrive $0xFFFF  }
0x19: {  	[tilespmem:s11], [sflag:$0x1] =	stream.indirect.gather [spmem:s1], $0x80, s29, s10, $0xb8;
	[tilespmem:$0x1C880] =	vst v63  }
0x1a: {  	s30 =	simm.s32 $0x80  }
0x1b: {  	[tilespmem:s12], [sflag:$0x1] =	stream.indirect.gather [spmem:s1], $0x80, s30, s10, $0xb8;
	[tilespmem:$0x1C880] =	vst v63  }
0x1c: {  	_ =	swait.ge [sflag:s13], $0x2800  }
0x1d: {  	[sflag:s13] =	ssyncset.done $0x0  }
0x1e: {  	[sflag:s13] =	ssyncadd.s32 $0xFFFFD800  }
0x1f: {  	[hbm4b:s7+s2] =	stream.linear.scatter [tilespmem:s11], [sflag:$0x2], $0x2800, $0x38;
	[tilespmem:$0x1C880] =	vst v63  }
0x20: {  	_ =	swait.ge [sflag:s13], $0x2800  }
0x21: {  	[sflag:s13] =	ssyncset.done $0x0  }
0x22: {  	s31 =	sadd.s32 $0x500, s7;
	[sflag:s13] =	ssyncadd.s32 $0xFFFFD800  }
0x23: {  	[hbm4b:s31+s2] =	stream.linear.scatter [tilespmem:s12], [sflag:$0x2], $0x2800, $0x38;
	[tilespmem:$0x1C880] =	vst v63  }
0x24: {  	_ =	swait.ge [sflag:s14], $0x2800  }
0x25: {  	[sflag:s14] =	ssyncset.done $0x0  }
0x26: {  	[sflag:s14] =	ssyncadd.s32 $0xFFFFD800  }
0x27: {  	s18 =	simm.s32 $0x400;
	_ =	swait.ge [sflag:s14], $0x2800  }
0x28: {  	s19 =	simm.s32 $0x800;
	s17 =	sadd.s32 $0xA00, s7;
	[sflag:s14] =	ssyncset.done $0x0  }
.LBB2_2:
0x29: {  	s20 =	sshra.s32 s18, $0x2  }
0x2a: {  	[sflag:s14] =	ssyncadd.s32 $0xFFFFD800;
	s18 =	smov.u32 s19;
	s21 =	sadd.s32 $0x400, s19  }
0x2b: {  	[tilespmem:s11], [sflag:$0x1] =	stream.indirect.gather [spmem:s1], $0x80, s20, s10, $0xb8;
	[tilespmem:$0x1C880] =	vst v63  }
0x2c: {  	p1 =	sne.s32 s19, $0xF400;
	s19 =	sadd.s32 $0x80, s20  }
0x2d: {  	[tilespmem:s12], [sflag:$0x1] =	stream.indirect.gather [spmem:s1], $0x80, s19, s10, $0xb8;
	[tilespmem:$0x1C880] =	vst v63  }
0x2e: {  	_ =	swait.ge [sflag:s13], $0x2800  }
0x2f: {  	[sflag:s13] =	ssyncset.done $0x0  }
0x30: {  	[sflag:s13] =	ssyncadd.s32 $0xFFFFD800  }
0x31: {  	[hbm4b:s17+s2] =	stream.linear.scatter [tilespmem:s11], [sflag:$0x2], $0x2800, $0x38;
	[tilespmem:$0x1C880] =	vst v63  }
0x32: {  	_ =	swait.ge [sflag:s13], $0x2800  }
0x33: {  	[sflag:s13] =	ssyncset.done $0x0  }
0x34: {  	s19 =	sadd.s32 $0x500, s17;
	[sflag:s13] =	ssyncadd.s32 $0xFFFFD800  }
0x35: {  	[hbm4b:s19+s2] =	stream.linear.scatter [tilespmem:s12], [sflag:$0x2], $0x2800, $0x38;
	[tilespmem:$0x1C880] =	vst v63  }
.Ltmp0:
0x36: {  	_ =	swait.ge [sflag:s14], $0x2800;
	(pc) =	sbr.rel @p1 .LBB2_2-.Ltmp0, $4  }
0x37: {  	[sflag:s14] =	ssyncset.done $0x0  }
0x38: {  	[sflag:s14] =	ssyncadd.s32 $0xFFFFD800  }
0x39: {  	_ =	swait.ge [sflag:s14], $0x2800  }
0x3a: {  	s17 =	sadd.s32 $0xA00, s17;
	s19 =	smov.u32 s21;
	[sflag:s14] =	ssyncset.done $0x0  }
0x3b: {  	s18 =	sshra.s32 s18, $0x2;
	[sflag:s14] =	ssyncadd.s32 $0xFFFFD800  }
0x3c: {  	[tilespmem:s11], [sflag:$0x1] =	stream.indirect.gather [spmem:s1], $0x80, s18, s10, $0xb8;
	[tilespmem:$0x1C880] =	vst v63  }
0x3d: {  	s18 =	sadd.s32 $0x80, s18  }
0x3e: {  	[tilespmem:s12], [sflag:$0x1] =	stream.indirect.gather [spmem:s1], $0x80, s18, s10, $0xb8;
	[tilespmem:$0x1C880] =	vst v63  }
0x3f: {  	_ =	swait.ge [sflag:s13], $0x2800  }
0x40: {  	[sflag:s13] =	ssyncset.done $0x0  }
0x41: {  	[sflag:s13] =	ssyncadd.s32 $0xFFFFD800  }
0x42: {  	[hbm4b:s17+s2] =	stream.linear.scatter [tilespmem:s11], [sflag:$0x2], $0x2800, $0x38;
	[tilespmem:$0x1C880] =	vst v63  }
0x43: {  	_ =	swait.ge [sflag:s13], $0x2800  }
0x44: {  	[sflag:s13] =	ssyncset.done $0x0  }
0x45: {  	s31 =	sadd.s32 $0x500, s17;
	[sflag:s13] =	ssyncadd.s32 $0xFFFFD800  }
0x46: {  	[hbm4b:s31+s2] =	stream.linear.scatter [tilespmem:s12], [sflag:$0x2], $0x2800, $0x38;
	[tilespmem:$0x1C880] =	vst v63  }
0x47: {  	_ =	swait.ge [sflag:s14], $0x2800  }
0x48: {  	[sflag:s14] =	ssyncset.done $0x0  }
0x49: {  	[sflag:s14] =	ssyncadd.s32 $0xFFFFD800  }
0x4a: {  	_ =	swait.ge [sflag:s14], $0x2800  }
0x4b: {  	[sflag:s14] =	ssyncset.done $0x0  }
0x4c: {  	[sflag:s14] =	ssyncadd.s32 $0xFFFFD800  }
0x4d: {  	[tilespmem:s11], [sflag:$0x1] =	stream.indirect.gather [spmem:s1], $0x80, s15, s10, $0xb8;
	[tilespmem:$0x1C880] =	vst v63  }
0x4e: {  	s16 =	sadd.s32 $0x1, s16;
	_ =	swait.ge [sflag:s13], $0x2800  }
0x4f: {  	p1 =	sne.s32 s16, s6;
	[sflag:s13] =	ssyncset.done $0x0  }
.Ltmp1:
0x50: {  	[sflag:s13] =	ssyncadd.s32 $0xFFFFD800;
	(pc) =	sbr.rel @p1 .LBB2_1-.Ltmp1, $4  }
0x51: {  	[hbm4b:s5+s2] =	stream.linear.scatter [tilespmem:s11], [sflag:$0x2], $0x2800, $0x38;
	[tilespmem:$0x1C880] =	vst v63  }
0x52: {  	_ =	swait.ge [sflag:s14], $0x2800  }
0x53: {  	[sflag:s14] =	ssyncset.done $0x0  }
0x54: {  	[sflag:s14] =	ssyncadd.s32 $0xFFFFD800  }
0x55: {  	_ =	sfence.sel $0x180000  }
0x56: {  	[bflag:$0x0] =	sbarrier.arrive $0xFFFF  }
0x57: {  	_ =	strace $0x90000053  }
0x58: {  	s0 =	sadd.s32 @!p0 $0x100000, s0;
	[bflag:$0x2] =	sbarrier.arrive $0xFFFF  }
0x59: {  	[sflag:s0] =	ssyncadd.tile.s32 @!p0 $0x1;
	_ =	shalt  }
.Lfunc_end2:
_tile_overlayer_lowered:
.L_overlay_start_2:
0x5a: {  	(tag) =	ssettag $0x2  }
0x5b: {  	s0 =	rddreg [dreg:$0x0];
	s2 =	stileid.u32  }
0x5c: {  	s1 =	rddreg [dreg:$0x1];
	p0 =	sne.s32 s2, $0x0  }
0x5d: {  	s3 =	rddreg [dreg:$0x2];
	[bflag:$0x3] =	sbarrier.arrive $0xFFFF;
	s2 =	simm.s32 @!p0 $0x1C03  }
0x5e: {  	[timem:s3], [sflag:s2] =	dma.local @!p0 [hbm:s0], s1  }
0x5f: {  	s0 =	simm.s32 @!p0 $0x3  }
0x60: {  	_ =	swait.ge @!p0 [sflag:s0], s1  }
0x61: {  	s1 =	ssub.s32 @!p0 $0x0, s1;
	[sflag:s0] =	ssyncset.done @!p0 $0x0  }
0x62: {  	[sflag:s0] =	ssyncadd.s32 @!p0 s1  }
0x63: {  	[bflag:$0x3] =	sbarrier.arrive $0xFFFF  }
0x64: {  	_ =	shalt  }

// kernel: kernel.30.cloned.1.call-start
scs
__scs_entry_jumppad:
0x0: {  	(pc) =	sbr.rel $0x88, $3  }
0x1: {  	(tag) =	ssettag $0x0;
	lr =	simm.s32 $0x1  }
0x2: {  	[smem:$0x3F9B] =	sst lr;
	_ =	strace $0xD0000000  }
0x3: {  	_ = 	snop  }
0x4: {  	_ = 	snop  }
0x5: {  	_ = 	snop  }
0x6: {  	_ = 	snop  }
0x7: {  	_ = 	snop  }
__scs_overlays_trampoline_lowered:
0x8: {  	[smem:$0x3FAA] =	sst s0  }
0x9: {  	[smem:$0x3FAB] =	sst s1  }
0xa: {  	[smem:$0x3FAC] =	sst s2  }
0xb: {  	[smem:$0x3FAD] =	sst s3  }
0xc: {  	[smem:$0x3FAE] =	sst s4  }
0xd: {  	[smem:$0x3FAF] =	sst s5  }
0xe: {  	[smem:$0x3FB0] =	sst s6  }
0xf: {  	[smem:$0x3FB1] =	sst s7  }
0x10: {  	[smem:$0x3FB2] =	sst s8  }
0x11: {  	[smem:$0x3FB3] =	sst s9;
	s0 =	simm.s32 @!p0 $0x0  }
0x12: {  	s1 =	sld [smem:$0x3F99];
	s0 =	simm.s32 @p0 $0x1  }
0x13: {  	[smem:$0x3FB4] =	sst s0;
	s0 =	simm.s32 @!p1 $0x0  }
0x14: {  	s2 =	sld [smem:$0x3F98];
	s0 =	simm.s32 @p1 $0x1  }
0x15: {  	[smem:$0x3FB5] =	sst s0;
	s0 =	simm.s32 @!p2 $0x0  }
0x16: {  	s3 =	sld [smem:$0x3FDB];
	s0 =	simm.s32 @p2 $0x1  }
0x17: {  	s4 =	simm.s32 $0x1BF5;
	[smem:$0x3FB7] =	sst s0  }
0x18: {  	s0 =	sld [smem:$0x3F9A];
	_ =	swait.ge [sflag:s4], $0x0  }
0x19: {  	s7 =	sld [smem:$0x3F9B]  }
0x1a: {  	s8 =	sadd.s32 $0xFFFFE003, lr  }
0x1b: {  	s9 =	sadd.s32 $0xFFFFFEF7, lr;
	s5 =	simm.s32 $0xFFFFFFFF;
	p2 =	slt.u32 s8, $0xFFFFF086  }
0x1c: {  	p1 =	slt.u32 s9, $0xF7A;
	s5 =	simm.s32 @!p2 $0x0  }
0x1d: {  	s5 =	simm.s32 @p1 $0x1;
	p0 =	seq.s32 s7, s2  }
0x1e: {  	s7 =	smul.u32 @!p0 $0xF7A, s2;
	p2 =	seq.s32 @!p0 s5, $0x0  }
0x1f: {  	s9 =	smul.u32 $0xF7A, s1;
	s8 =	simm.s32 @!p0 $0x1BF5;
	p2 =	por !p2, p0  }
0x20: {  	[sflag:s8] =	ssyncset.s32 @!p0 $0xFFFFF086;
	s6 =	sadd.s32 @!p0 s3, s7;
	s7 =	simm.s32 @!p0 $0x108  }
0x21: {  	s3 =	sadd.s32 s3, s9;
	s6 =	sadd.s32 @!p0 $0x88, s6;
	s7 =	simm.s32 @p2 $0x1082  }
0x22: {  	[simem:s7], [sflag:s8] =	dma.local @!p0 [hbm:s6], $0xF7A  }
0x23: {  	s9 =	sor.u32 $0xD0000000, s2;
	s6 =	simm.s32 $0x108;
	_ =	swait.ge @!p0 [sflag:s8], $0x0  }
0x24: {  	s3 =	sadd.s32 $0x88, s3;
	s6 =	simm.s32 @!p1 $0x1082;
	[sflag:s4] =	ssyncset.s32 $0xFFFFF086  }
0x25: {  	[simem:s6], [sflag:s4] =	dma.local [hbm:s3], $0xF7A  }
0x26: {  	[smem:$0x3F9B] =	sst s1;
	(tag) =	ssettag s2;
	_ =	strace s9  }
0x27: {  	s1 =	sld [smem:$0x3FAB]  }
0x28: {  	s2 =	sld [smem:$0x3FAC]  }
0x29: {  	s4 =	sld [smem:$0x3FAE]  }
0x2a: {  	p0 =	seq.s32 s5, $0x0;
	s5 =	sld [smem:$0x3FAF]  }
0x2b: {  	s6 =	sld [smem:$0x3FB0]  }
0x2c: {  	s7 =	sld [smem:$0x3FB1]  }
0x2d: {  	s3 =	simm.s32 $0x108;
	s8 =	sld [smem:$0x3FB2]  }
0x2e: {  	s3 =	simm.s32 @!p0 $0x1082;
	s9 =	sld [smem:$0x3FB3]  }
0x2f: {  	lr =	sadd.s32 s0, s3;
	s0 =	sld [smem:$0x3FAA]  }
0x30: {  	s3 =	sld [smem:$0x3FAD]  }
0x31: {  	[smem:$0x3FB6] =	sst s10  }
0x32: {  	s10 =	sld [smem:$0x3FB4];
	_ =	sdelay $0x3  }
0x33: {  	p0 =	seq.s32 s10, $0x1;
	s10 =	sld [smem:$0x3FB6];
	_ =	sdelay $0x3  }
0x34: {  	[smem:$0x3FB6] =	sst s10  }
0x35: {  	s10 =	sld [smem:$0x3FB5];
	_ =	sdelay $0x3  }
0x36: {  	p1 =	seq.s32 s10, $0x1;
	s10 =	sld [smem:$0x3FB6];
	_ =	sdelay $0x3  }
0x37: {  	[smem:$0x3FB6] =	sst s10  }
0x38: {  	s10 =	sld [smem:$0x3FB7]  }
0x39: {  	_ = 	snop;
	(pc) =	sbr.ind lr, $3  }
0x3a: {  	_ = 	snop  }
0x3b: {  	_ = 	snop  }
0x3c: {  	p2 =	seq.s32 s10, $0x1;
	s10 =	sld [smem:$0x3FB6]  }
0x3d: {  	_ =	shalt  }
0x3e: {  	_ =	shalt  }
0x3f: {  	_ =	shalt  }
0x40: {  	_ =	shalt  }
0x41: {  	_ =	shalt  }
0x42: {  	_ =	shalt  }
0x43: {  	_ =	shalt  }
0x44: {  	_ =	shalt  }
0x45: {  	_ =	shalt  }
0x46: {  	_ =	shalt  }
0x47: {  	_ =	shalt  }
0x48: {  	_ =	shalt  }
0x49: {  	_ =	shalt  }
0x4a: {  	_ =	shalt  }
0x4b: {  	_ =	shalt  }
0x4c: {  	_ =	shalt  }
0x4d: {  	_ =	shalt  }
0x4e: {  	_ =	shalt  }
0x4f: {  	_ =	shalt  }
0x50: {  	_ =	shalt  }
0x51: {  	_ =	shalt  }
0x52: {  	_ =	shalt  }
0x53: {  	_ =	shalt  }
0x54: {  	_ =	shalt  }
0x55: {  	_ =	shalt  }
0x56: {  	_ =	shalt  }
0x57: {  	_ =	shalt  }
0x58: {  	_ =	shalt  }
0x59: {  	_ =	shalt  }
0x5a: {  	_ =	shalt  }
0x5b: {  	_ =	shalt  }
0x5c: {  	_ =	shalt  }
0x5d: {  	_ =	shalt  }
0x5e: {  	_ =	shalt  }
0x5f: {  	_ =	shalt  }
0x60: {  	_ =	shalt  }
0x61: {  	_ =	shalt  }
0x62: {  	_ =	shalt  }
0x63: {  	_ =	shalt  }
0x64: {  	_ =	shalt  }
0x65: {  	_ =	shalt  }
0x66: {  	_ =	shalt  }
0x67: {  	_ =	shalt  }
0x68: {  	_ =	shalt  }
0x69: {  	_ =	shalt  }
0x6a: {  	_ =	shalt  }
0x6b: {  	_ =	shalt  }
0x6c: {  	_ =	shalt  }
0x6d: {  	_ =	shalt  }
0x6e: {  	_ =	shalt  }
0x6f: {  	_ =	shalt  }
0x70: {  	_ =	shalt  }
0x71: {  	_ =	shalt  }
0x72: {  	_ =	shalt  }
0x73: {  	_ =	shalt  }
0x74: {  	_ =	shalt  }
0x75: {  	_ =	shalt  }
0x76: {  	_ =	shalt  }
0x77: {  	_ =	shalt  }
0x78: {  	_ =	shalt  }
0x79: {  	_ =	shalt  }
0x7a: {  	_ =	shalt  }
0x7b: {  	_ =	shalt  }
0x7c: {  	_ =	shalt  }
0x7d: {  	_ =	shalt  }
0x7e: {  	_ =	shalt  }
0x7f: {  	_ =	shalt  }
0x80: {  	_ =	shalt  }
0x81: {  	_ =	shalt  }
0x82: {  	_ =	shalt  }
0x83: {  	_ =	shalt  }
0x84: {  	_ =	shalt  }
0x85: {  	_ =	shalt  }
0x86: {  	_ =	shalt  }
0x87: {  	_ =	shalt  }
.Lfunc_end0:
.L_simem_size_0:
called_computation.5_lowered:
.L_overlay_start_0:
0x88: {  	s2 =	sld [smem:$0x3FD9]  }
0x89: {  	s3 =	sld [smem:$0x3FFE];
	_ =	sdelay $0x1  }
0x8a: {  	s1 =	srdreg.scid  }
0x8b: {  	s0 =	sand.u32 $0x1, s1  }
0x8c: {  	s17 =	sshll.u32 s0, $0xA;
	s2 =	sadd.s32 s3, s2  }
0x8d: {  	s2 =	sadd.s32 s2, s17  }
0x8e: {  	[smem:$0x3FC2] =	sst s2  }
0x8f: {  	_ = 	snop  }
0x90: {  	s2 =	sld [smem:$0x3FD0];
	(tm) =	ssettm $0x1  }
0x91: {  	s18 =	sld [smem:$0x3FFB];
	_ =	sdelay $0x3  }
0x92: {  	_ =	strace s18  }
0x93: {  	s3 =	sld [smem:$0x3FFC];
	_ =	sdelay $0x3  }
0x94: {  	_ =	strace s3  }
0x95: {  	s3 =	sld [smem:$0x3FFD];
	_ =	sdelay $0x3  }
0x96: {  	_ =	strace s3  }
0x97: {  	_ =	strace $0x8FFFFFFF  }
0x98: {  	s19 =	sld [smem:$0x3FDB];
	_ =	sdelay $0x1  }
0x99: {  	s4 =	simm.s32 $_scs_section_size  }
0x9a: {  	s5 =	simm.s32 $_size__tile_overlayer_lowered;
	s6 =	simm.s32 $_tile_overlayer_lowered  }
0x9b: {  	s22 =	simm.s32 $0x1BFF;
	s21 =	sshll.u32 s6, $0x1;
	s3 =	sadd.s32 s4, s19  }
0x9c: {  	s7 =	simm.s32 $0x0;
	s20 =	sshll.u32 s5, $0x1;
	s5 =	sadd.s32 s21, s3  }
0x9d: {  	[timem:s7], [sflag:s22] =	dma.local [hbm:s5], s20  }
0x9e: {  	_ =	swait.ge [sflag:s22], s20  }
0x9f: {  	s4 =	ssub.s32 $0x0, s20;
	[sflag:s22] =	ssyncset.done $0x0  }
0xa0: {  	[sflag:s22] =	ssyncadd.s32 s4;
	_ =	sdelay $0x1  }
0xa1: {  	s23 =	simm.s32 $0x1B8B  }
0xa2: {  	_ =	swait.ge [sflag:s23], $0x1  }
0xa3: {  	[sflag:s23] =	ssyncset.done $0x0  }
0xa4: {  	s25 =	simm.s32 $0x1B8E;
	s24 =	sld [smem:$0x3FFE];
	[sflag:s23] =	ssyncadd.s32 $0xFFFFFFFF  }
0xa5: {  	s26 =	simm.s32 $execute0_lowered;
	[smem:$0x3FD2] =	sst s25  }
0xa6: {  	s5 =	sshll.u32 s26, $0x1;
	_ =	strace $0x80000055;
	[dreg:$0x1] =	wrdreg $0xFFFFFFFF  }
0xa7: {  	s28 =	simm.s32 $_size_execute0_lowered;
	s3 =	sadd.s32 s3, s5;
	[dreg:$0x0] =	wrdreg $0x0  }
0xa8: {  	s5 =	sshll.u32 s28, $0x1;
	[dreg:$0x2] =	wrdreg s3  }
0xa9: {  	[dreg:$0x3] =	wrdreg s5  }
0xaa: {  	[dreg:$0x4] =	wrdreg $0xC0  }
0xab: {  	_ =	task [dreg:s7], $0x5FFFF  }
0xac: {  	[dreg:$0x1] =	wrdreg $0xFFFFFFFF  }
0xad: {  	[dreg:$0x0] =	wrdreg $0x60  }
0xae: {  	[dreg:$0x2] =	wrdreg s24  }
0xaf: {  	[dreg:$0x3] =	wrdreg s2  }
0xb0: {  	[dreg:$0x4] =	wrdreg $0xA8000  }
0xb1: {  	[dreg:$0x5] =	wrdreg $0x9  }
0xb2: {  	_ =	task.clear_ibuf [dreg:s7], $0x6FFFF;
	_ =	strace $0x90000055  }
0xb3: {  	s29 =	simm.s32 $0x9;
	_ =	strace $0x80000057  }
0xb4: {  	_ =	swait.ge [sflag:s29], $0x1  }
0xb5: {  	[sflag:s29] =	ssyncadd.s32 $0xFFFFFFFF  }
0xb6: {  	_ =	strace $0x90000057  }
0xb7: {  	_ =	sfence  }
0xb8: {  	s30 =	sld [smem:$0x0];
	_ =	sdelay $0x2  }
0xb9: {  	s31 =	sshll.u32 s1, $0xD;
	s1 =	sshrl.u32 s1, $0x2  }
0xba: {  	s3 =	sand.u32 $0x4000, s31;
	s1 =	sadd.s32 s1, s30  }
0xbb: {  	s0 =	sor.u32 s3, s0;
	s1 =	sshll.u32 s1, $0x11  }
0xbc: {  	s0 =	sor.u32 s1, s0  }
0xbd: {  	s0 =	sadd.s32 $0x8F2B, s0  }
0xbe: {  	[sflag:s0] =	ssyncadd.remote.s32 $0x1  }
0xbf: {  	_ =	sfence.sel $0xFFFF  }
0xc0: {  	[dreg:$0x0] =	wrdreg $0xFFFFFFFF;
	(pc) =	sbr.abs _section_cstart, $3  }
0xc1: {  	[dreg:$0x1] =	wrdreg $0xFFFFFFFF  }
0xc2: {  	_ =	task.clear_ibuf [dreg:s7], $0x2FFFF;
	_ =	strace $0x9FFFFFFF  }
0xc3: {  	(tm) =	ssettm $0x7FFFFFFF  }
tec
execute0_lowered:
.L_overlay_start_1:
0x0: {  	(tag) =	ssettag $0x1  }
0x1: {  	s4 =	rddreg [dreg:$0x0]  }
0x2: {  	s1 =	rddreg [dreg:$0x1]  }
0x3: {  	s2 =	rddreg [dreg:$0x2]  }
0x4: {  	s0 =	rddreg [dreg:$0x3]  }
0x5: {  	s15 =	stileid.u32;
	s5 =	srdreg.scid;
	s3 =	simm.s32 $0x0  }
0x6: {  	s12 =	simm.s32 $0x1;
	s13 =	simm.s32 $0x28;
	s6 =	smul.u32 $0x4E200, s15  }
0x7: {  	s14 =	simm.s32 $0x2;
	s17 =	simm.s32 $0x0;
	s10 =	smul.u32 $0x1F400, s15  }
0x8: {  	s5 =	sand.u32 $0x1, s5;
	[smem:$0x7FF] =	sst s3;
	s28 =	smul.u32 $0x7D000, s15  }
0x9: {  	s8 =	sshll.u32 s15, $0xD;
	p0 =	sne.s32 s15, $0x0;
	s7 =	smul.u32 $0x138800, s5  }
0xa: {  	p1 =	sgt.u32 s15, $0x9;
	s9 =	sshll.u32 s5, $0xC;
	_ =	strace $0x80000056  }
0xb: {  	s26 =	ssub.s32 $0x2, s5;
	s11 =	smul.u32 $0x27100, s5;
	s15 =	sshll.u32 @!p1 s15, $0x6  }
0xc: {  	s8 =	sor.u32 s9, s8;
	s6 =	sadd.s32 s6, s4;
	s29 =	sshrl.u32 s26, $0x1  }
0xd: {  	s30 =	sshrl.u32 s28, $0x2;
	s15 =	sor.u32 @!p1 $0x1C03, s15;
	s8 =	sadd.s32 s8, s4  }
0xe: {  	s7 =	sadd.s32 s10, s7;
	s9 =	ssub.s32 s26, s29;
	s16 =	sadd.s32 s30, s2  }
0xf: {  	s31 =	sadd.s32 s11, s6;
	s10 =	simm.s32 $0x8000;
	s11 =	simm.s32 $0x9400  }
0x10: {  	s7 =	sshrl.u32 s7, $0x3;
	s6 =	smax.u32 s9, $0x1;
	s9 =	sshrl.u32 @!p0 s2, $0x3  }
0x11: {  	s16 =	sshrl.u32 @!p1 s16, $0x3;
	s7 =	sadd.s32 s7, s4;
	s4 =	sadd.s32 $0x9E0C00, s8  }
0x12: {  	s8 =	simm.s32 $0x3;
	s5 =	sadd.s32 $0x2E00, s7;
	s7 =	sadd.s32 $0x4FEE80, s31  }
.LBB2_1:
0x13: {  	[tilespmem:s3], [sflag:$0x3] =	stream.linear.gather [hbm4b:s4+s3], $0x7D00, $0x38;
	[tilespmem:$0x1E080] =	vst v63  }
0x14: {  	_ =	swait.ge [sflag:s8], $0x7D00  }
0x15: {  	[sflag:s8] =	ssyncset.done $0x0  }
0x16: {  	s18 =	simm.s32 @!p0 $0x1C03;
	[sflag:s8] =	ssyncadd.s32 $0xFFFF8300  }
0x17: {  	[spmem:s9], [sflag:s18] =	dma.local @!p0 [hbm:s1], $0x27100  }
0x18: {  	s18 =	simm.s32 @!p0 $0x3  }
0x19: {  	_ =	swait.ge @!p0 [sflag:s18], $0x27100  }
0x1a: {  	[sflag:s18] =	ssyncset.done @!p0 $0x0  }
0x1b: {  	[sflag:s18] =	ssyncadd.s32 @!p0 $0xFFFD8F00  }
0x1c: {  	s29 =	sadd.s32 $0xFFFFFD80, s7;
	[bflag:$0x0] =	sbarrier.arrive $0xFFFF  }
0x1d: {  	[tilespmem:s10], [sflag:$0x1] =	stream.linear.gather [hbm4b:s29+s3], $0x1400, $0x38;
	[tilespmem:$0x1E080] =	vst v63  }
0x1e: {  	_ = 	snop  }
0x1f: {  	[tilespmem:s11], [sflag:$0x1] =	stream.linear.gather [hbm4b:s7+s3], $0x1400, $0x38;
	[tilespmem:$0x1E080] =	vst v63  }
0x20: {  	_ =	swait.ge [sflag:s12], $0x1400  }
0x21: {  	[sflag:s12] =	ssyncset.done $0x0  }
0x22: {  	s30 =	simm.s32 $0x0;
	[sflag:s12] =	ssyncadd.s32 $0xFFFFEC00  }
0x23: {  	[spmem:s2] =	stream.indirect.scatter.add.f32 [tilespmem:s10], [sflag:$0x2], $0x80, s30, s13, $0xb8;
	[tilespmem:$0x1E080] =	vst v63  }
0x24: {  	_ =	swait.ge [sflag:s12], $0x1400  }
0x25: {  	[sflag:s12] =	ssyncset.done $0x0  }
0x26: {  	s31 =	simm.s32 $0x80;
	[sflag:s12] =	ssyncadd.s32 $0xFFFFEC00  }
0x27: {  	[spmem:s2] =	stream.indirect.scatter.add.f32 [tilespmem:s11], [sflag:$0x2], $0x80, s31, s13, $0xb8;
	[tilespmem:$0x1E080] =	vst v63  }
0x28: {  	_ =	swait.ge [sflag:s14], $0x1400  }
0x29: {  	[sflag:s14] =	ssyncset.done $0x0  }
0x2a: {  	[sflag:s14] =	ssyncadd.s32 $0xFFFFEC00  }
0x2b: {  	s20 =	simm.s32 $0x800;
	_ =	swait.ge [sflag:s14], $0x1400  }
0x2c: {  	s19 =	sadd.s32 $0x500, s7;
	s18 =	simm.s32 $0x400;
	[sflag:s14] =	ssyncset.done $0x0  }
.LBB2_2:
0x2d: {  	p2 =	sne.s32 s20, $0x1F000;
	s21 =	sadd.s32 $0xFFFFFD80, s19;
	[sflag:s14] =	ssyncadd.s32 $0xFFFFEC00  }
0x2e: {  	[tilespmem:s10], [sflag:$0x1] =	stream.linear.gather [hbm4b:s21+s3], $0x1400, $0x38;
	[tilespmem:$0x1E080] =	vst v63  }
0x2f: {  	s21 =	smov.u32 s20;
	s20 =	sadd.s32 $0x400, s20  }
0x30: {  	[tilespmem:s11], [sflag:$0x1] =	stream.linear.gather [hbm4b:s19+s3], $0x1400, $0x38;
	[tilespmem:$0x1E080] =	vst v63  }
0x31: {  	_ =	swait.ge [sflag:s12], $0x1400  }
0x32: {  	[sflag:s12] =	ssyncset.done $0x0  }
0x33: {  	s22 =	sshra.s32 s18, $0x2;
	s18 =	smov.u32 s21;
	[sflag:s12] =	ssyncadd.s32 $0xFFFFEC00  }
0x34: {  	[spmem:s2] =	stream.indirect.scatter.add.f32 [tilespmem:s10], [sflag:$0x2], $0x80, s22, s13, $0xb8;
	[tilespmem:$0x1E080] =	vst v63  }
0x35: {  	_ =	swait.ge [sflag:s12], $0x1400  }
0x36: {  	[sflag:s12] =	ssyncset.done $0x0  }
0x37: {  	s21 =	sadd.s32 $0x80, s22;
	[sflag:s12] =	ssyncadd.s32 $0xFFFFEC00  }
0x38: {  	[spmem:s2] =	stream.indirect.scatter.add.f32 [tilespmem:s11], [sflag:$0x2], $0x80, s21, s13, $0xb8;
	[tilespmem:$0x1E080] =	vst v63  }
.Ltmp0:
0x39: {  	_ =	swait.ge [sflag:s14], $0x1400;
	(pc) =	sbr.rel @p2 .LBB2_2-.Ltmp0, $4  }
0x3a: {  	[sflag:s14] =	ssyncset.done $0x0  }
0x3b: {  	[sflag:s14] =	ssyncadd.s32 $0xFFFFEC00  }
0x3c: {  	_ =	swait.ge [sflag:s14], $0x1400  }
0x3d: {  	s19 =	sadd.s32 $0x500, s19;
	[sflag:s14] =	ssyncset.done $0x0  }
0x3e: {  	s20 =	sadd.s32 $0xFFFFFD80, s19;
	[sflag:s14] =	ssyncadd.s32 $0xFFFFEC00  }
0x3f: {  	[tilespmem:s10], [sflag:$0x1] =	stream.linear.gather [hbm4b:s20+s3], $0x1400, $0x38;
	[tilespmem:$0x1E080] =	vst v63  }
0x40: {  	_ = 	snop  }
0x41: {  	[tilespmem:s11], [sflag:$0x1] =	stream.linear.gather [hbm4b:s19+s3], $0x1400, $0x38;
	[tilespmem:$0x1E080] =	vst v63  }
0x42: {  	_ =	swait.ge [sflag:s12], $0x1400  }
0x43: {  	[sflag:s12] =	ssyncset.done $0x0  }
0x44: {  	s18 =	sshra.s32 s18, $0x2;
	[sflag:s12] =	ssyncadd.s32 $0xFFFFEC00  }
0x45: {  	[spmem:s2] =	stream.indirect.scatter.add.f32 [tilespmem:s10], [sflag:$0x2], $0x80, s18, s13, $0xb8;
	[tilespmem:$0x1E080] =	vst v63  }
0x46: {  	_ =	swait.ge [sflag:s12], $0x1400  }
0x47: {  	[sflag:s12] =	ssyncset.done $0x0  }
0x48: {  	s18 =	sadd.s32 $0x80, s18;
	[sflag:s12] =	ssyncadd.s32 $0xFFFFEC00  }
0x49: {  	[spmem:s2] =	stream.indirect.scatter.add.f32 [tilespmem:s11], [sflag:$0x2], $0x80, s18, s13, $0xb8;
	[tilespmem:$0x1E080] =	vst v63  }
0x4a: {  	_ =	swait.ge [sflag:s14], $0x1400  }
0x4b: {  	[sflag:s14] =	ssyncset.done $0x0  }
0x4c: {  	[sflag:s14] =	ssyncadd.s32 $0xFFFFEC00  }
0x4d: {  	_ =	swait.ge [sflag:s14], $0x1400  }
0x4e: {  	s17 =	sadd.s32 $0x1, s17;
	[sflag:s14] =	ssyncset.done $0x0  }
0x4f: {  	p2 =	sne.s32 s17, s6;
	[sflag:s14] =	ssyncadd.s32 $0xFFFFEC00  }
.Ltmp1:
0x50: {  	s18 =	simm.s32 @!p1 $0x3;
	[bflag:$0x0] =	sbarrier.arrive $0xFFFF;
	(pc) =	sbr.rel @p2 .LBB2_1-.Ltmp1, $4  }
0x51: {  	[hbm:s5], [sflag:s15] =	dma.local @!p1 [spmem:s16], $0x3E80  }
0x52: {  	_ =	swait.ge @!p1 [sflag:s18], $0x3E80  }
0x53: {  	[sflag:s18] =	ssyncset.done @!p1 $0x0  }
0x54: {  	[sflag:s18] =	ssyncadd.s32 @!p1 $0xFFFFC180  }
0x55: {  	_ =	sfence.sel $0x180000  }
0x56: {  	[bflag:$0x0] =	sbarrier.arrive $0xFFFF  }
0x57: {  	_ =	strace $0x90000056  }
0x58: {  	s0 =	sadd.s32 @!p0 $0x100000, s0;
	[bflag:$0x2] =	sbarrier.arrive $0xFFFF  }
0x59: {  	[sflag:s0] =	ssyncadd.tile.s32 @!p0 $0x1;
	_ =	shalt  }
.Lfunc_end2:
_tile_overlayer_lowered:
.L_overlay_start_2:
0x5a: {  	(tag) =	ssettag $0x2  }
0x5b: {  	s0 =	rddreg [dreg:$0x0];
	s2 =	stileid.u32  }
0x5c: {  	s1 =	rddreg [dreg:$0x1];
	p0 =	sne.s32 s2, $0x0  }
0x5d: {  	s3 =	rddreg [dreg:$0x2];
	[bflag:$0x3] =	sbarrier.arrive $0xFFFF;
	s2 =	simm.s32 @!p0 $0x1C03  }
0x5e: {  	[timem:s3], [sflag:s2] =	dma.local @!p0 [hbm:s0], s1  }
0x5f: {  	s0 =	simm.s32 @!p0 $0x3  }
0x60: {  	_ =	swait.ge @!p0 [sflag:s0], s1  }
0x61: {  	s1 =	ssub.s32 @!p0 $0x0, s1;
	[sflag:s0] =	ssyncset.done @!p0 $0x0  }
0x62: {  	[sflag:s0] =	ssyncadd.s32 @!p0 s1  }
0x63: {  	[bflag:$0x3] =	sbarrier.arrive $0xFFFF  }
0x64: {  	_ =	shalt  }

</sc_bundles>
